<compile_context>
chip_gen: v7x
topology: tpu7x:2x2x1
jax: 0.10.2.dev20260603
libtpu: 0.0.44.dev20260713+nightly
codegen_flags: <defaults>
</compile_context>

<pallas_src>
import functools

import jax
import jax.numpy as jnp
from jax import lax
from jax.experimental import pallas as pl
from jax.experimental.pallas import tpu as pltpu
from jax.experimental.pallas import tpu_sc as plsc

K_NEIGHBORS = 16
EPS = 1e-5
BIG = 3.0e38


def _knn_body(x_ref, xt_ref, idx_ref, *, n, rows, k):
    b = pl.program_id(0)
    r = pl.program_id(1)
    xft = xt_ref[0]
    xrow = x_ref[0, pl.ds(r * rows, rows), :]

    dot = jax.lax.dot_general(
        xrow, xft, (((1,), (0,)), ((), ())),
        preferred_element_type=jnp.float32)
    sq_full = jnp.sum(xft * xft, axis=0, keepdims=True)
    sq_rows = jnp.sum(xrow * xrow, axis=1, keepdims=True)
    d = sq_rows - 2.0 * dot + sq_full

    colf = lax.broadcasted_iota(jnp.int32, (rows, n), 1).astype(jnp.float32)
    cols = []
    for _ in range(k):
        rm = jnp.min(d, axis=1, keepdims=True)
        am = jnp.min(jnp.where(d == rm, colf, BIG), axis=1, keepdims=True)
        cols.append(am.astype(jnp.int32))
        d = jnp.where(colf == am, BIG, d)
    idx_ref[0] = jnp.concatenate(cols, axis=1) + b * n


def _knn_indices(x, xt, rows=256):
    bsz, n, c = x.shape
    grid = (bsz, n // rows)
    return pl.pallas_call(
        functools.partial(_knn_body, n=n, rows=rows, k=K_NEIGHBORS),
        grid=grid,
        in_specs=[
            pl.BlockSpec((1, n, c), lambda b, r: (b, 0, 0)),
            pl.BlockSpec((1, c, n), lambda b, r: (b, 0, 0)),
        ],
        out_specs=pl.BlockSpec((1, rows, K_NEIGHBORS), lambda b, r: (b, r, 0)),
        out_shape=jax.ShapeDtypeStruct((bsz, n, K_NEIGHBORS), jnp.int32),
    )(x, xt)


def _gather_max(x_flat, idx_flat):
    p_total, c = x_flat.shape
    k = K_NEIGHBORS
    info = plsc.get_sparse_core_info()
    nw = info.num_cores * info.num_subcores
    ppw = p_total // nw
    cp = 8
    n_chunks = ppw // cp
    lanes = info.num_lanes

    mesh = plsc.VectorSubcoreMesh(core_axis_name="c", subcore_axis_name="s")

    @functools.partial(
        pl.kernel, mesh=mesh,
        out_type=jax.ShapeDtypeStruct((p_total, c), jnp.float32),
        scratch_types=[
            pltpu.VMEM((ppw * k,), jnp.int32),
            pltpu.VMEM((cp * k, c), jnp.float32),
            pltpu.VMEM((cp * k, c), jnp.float32),
            pltpu.VMEM((cp, c), jnp.float32),
            pltpu.VMEM((cp, c), jnp.float32),
            pltpu.SemaphoreType.DMA,
            pltpu.SemaphoreType.DMA,
        ],
    )
    def gather_kernel(x_hbm, idx_hbm, out_hbm, idx_all,
                      rows_a, rows_b, out_a, out_b, sem_a, sem_b):
        wid = lax.axis_index("s") * info.num_cores + lax.axis_index("c")
        base = wid * ppw
        pltpu.sync_copy(idx_hbm.at[pl.ds(base * k, ppw * k)], idx_all)

        def start(g, rows, sem):
            pltpu.async_copy(
                x_hbm.at[idx_all.at[pl.ds(g * (cp * k), cp * k)]], rows, sem)

        def wait(rows, sem):
            pltpu.make_async_copy(x_hbm.at[pl.ds(0, cp * k)], rows, sem).wait()

        def compute(g, rows, out):
            def point(p, carry2):
                for ch in range(c // lanes):
                    acc = rows[p * k, pl.ds(ch * lanes, lanes)]
                    for j in range(1, k):
                        acc = jnp.maximum(
                            acc, rows[p * k + j, pl.ds(ch * lanes, lanes)])
                    out[p, pl.ds(ch * lanes, lanes)] = acc
                return carry2

            lax.fori_loop(0, cp, point, 0, unroll=False)
            pltpu.sync_copy(out, out_hbm.at[pl.ds(base + g * cp, cp)])

        n_pairs = n_chunks // 2
        start(0, rows_a, sem_a)

        def pair(h, carry):
            start(2 * h + 1, rows_b, sem_b)
            wait(rows_a, sem_a)
            compute(2 * h, rows_a, out_a)

            @pl.when(h + 1 < n_pairs)
            def _():
                start(2 * h + 2, rows_a, sem_a)

            wait(rows_b, sem_b)
            compute(2 * h + 1, rows_b, out_b)
            return carry

        lax.fori_loop(0, n_pairs, pair, 0, unroll=False)

    return gather_kernel(x_flat, idx_flat)


def _head_body(m_ref, w_ref, b_ref, g_ref, be_ref, out_ref):
    m = m_ref[...]
    w = w_ref[...]
    y = jax.lax.dot_general(
        m, w, (((1,), (1,)), ((), ())),
        preferred_element_type=jnp.float32) + b_ref[...]
    mu = jnp.mean(y, axis=0, keepdims=True)
    yc = y - mu
    var = jnp.mean(yc * yc, axis=0, keepdims=True)
    inv = g_ref[...] / jnp.sqrt(var + EPS)
    out_ref[...] = jnp.maximum(yc * inv + be_ref[...], 0.0)


def _head(m, w, b, gamma, beta):
    p_total, c = m.shape
    o = w.shape[0]
    return pl.pallas_call(
        _head_body,
        out_shape=jax.ShapeDtypeStruct((p_total, o), jnp.float32),
    )(m, w, b.reshape(1, o), gamma.reshape(1, o), beta.reshape(1, o))


def kernel(x, W, b, gamma, beta):
    bsz, n, c = x.shape
    xt = x.swapaxes(1, 2)
    idx = _knn_indices(x, xt)
    x_flat = x.reshape(bsz * n, c)
    idx_flat = idx.reshape(bsz * n * K_NEIGHBORS)
    m = _gather_max(x_flat, idx_flat)
    y = _head(m, W, b, gamma, beta)
    return y.reshape(bsz, n, -1)

# --- scband reference (transcript-rebuilt; emitter-appended) ---
"""Pipeline reference for scband-graph-layer-8512625180826 (READ-ONLY COPY).

The authoritative reference and input builder live on the scoring server;
editing this copy changes nothing except your own understanding.
"""

import jax, jax.numpy as jnp
import numpy as np

K_NEIGHBORS = 16
EPS = 1e-5

def setup_inputs(seed: int = 0) -> dict:
    key = jax.random.key(seed)
    k1, k2 = jax.random.split(key, 2)
    x = jax.random.normal(k1, (2, 4096, 128), dtype=jnp.float32)
    W = jax.random.normal(k2, (128, 128), dtype=jnp.float32) * 0.05
    b = jnp.zeros((128,), dtype=jnp.float32)
    gamma = jnp.ones((128,), dtype=jnp.float32)
    beta = jnp.zeros((128,), dtype=jnp.float32)
    return {"x": x, "W": W, "b": b, "gamma": gamma, "beta": beta}

def _knn(x, k):
    # x: [B, N, C]; pairwise squared distances [B, N, N]
    sq = jnp.sum(x ** 2, axis=2, keepdims=True)
    d = sq - 2.0 * jnp.matmul(x, jnp.swapaxes(x, 1, 2)) + jnp.swapaxes(sq, 1, 2)
    _, idx = jax.lax.top_k(-d, k)  # smallest distances
    return idx  # [B, N, k]

def reference(x, W, b, gamma, beta):
    B = x.shape[0]
    idx = _knn(x, K_NEIGHBORS)
    bidx = jnp.arange(B, dtype=jnp.int32).reshape(-1, 1, 1)
    knn_x = x[bidx, idx, :]                 # [B, N, k, C] gather
    m = jnp.max(knn_x, axis=2)              # [B, N, C]
    # 1x1 Conv1d == per-point linear: [B, N, O]
    y = jnp.einsum('bnc,oc->bno', m, W) + b
    # BatchNorm1d (training mode: batch stats over (B, N) per channel)
    mu = jnp.mean(y, axis=(0, 1))
    var = jnp.var(y, axis=(0, 1))
    yn = (y - mu) / jnp.sqrt(var + EPS) * gamma + beta
    return jax.nn.relu(yn)

if __name__ == "__main__":
    import jax
    _d = setup_inputs()
    print(jax.jit(kernel)(*tuple(_d.values())))

</pallas_src>

<mosaic_0001>
#map = affine_map<(d0, d1) -> (0, 0)>
#map1 = affine_map<(d0, d1) -> (0)>
module attributes {stable_mosaic.version = 14 : i64} {
  func.func @gather_kernel(%arg0: i32, %arg1: i32, %arg2: memref<8192x128xf32, #tpu.memory_space<hbm>>, %arg3: memref<131072xi32, #tpu.memory_space<hbm>>, %arg4: memref<8192x128xf32, #tpu.memory_space<hbm>>, %arg5: memref<4096xi32, #tpu.memory_space<vmem>>, %arg6: memref<128x128xf32, #tpu.memory_space<vmem>>, %arg7: memref<128x128xf32, #tpu.memory_space<vmem>>, %arg8: memref<8x128xf32, #tpu.memory_space<vmem>>, %arg9: memref<8x128xf32, #tpu.memory_space<vmem>>, %arg10: memref<!tpu.dma_semaphore, #tpu.memory_space<semaphore_mem>>, %arg11: memref<!tpu.dma_semaphore, #tpu.memory_space<semaphore_mem>>) attributes {dimension_semantics = [#tpu.dimension_semantics<core_parallel>, #tpu.dimension_semantics<subcore_parallel>], iteration_bounds = array<i64: 2, 16>, scalar_prefetch = 0 : i64, scratch_operands = 7 : i64, tpu.core_type = #tpu.core_type<sc_vector_subcore>, window_params = [{transform_indices = #map}, {transform_indices = #map1}, {transform_indices = #map}]} {
    %mul3A = arith.constant 2 : i32
    %mul3A_0 = arith.muli %arg1, %mul3A : i32
    %add3A = arith.addi %mul3A_0, %arg0 : i32
    %mul3A_1 = arith.constant 256 : i32
    %mul3A_2 = arith.muli %add3A, %mul3A_1 : i32
    %mul3A_3 = arith.constant 16 : i32
    %mul3A_4 = arith.muli %mul3A_2, %mul3A_3 : i32
    "tpu.region"() ({
      %run_scoped3A = tpu.sem_alloc : memref<!tpu.dma_semaphore, #tpu.memory_space<semaphore_mem>>
      %dma_start3A_14 = tpu.memref_slice %arg3[%mul3A_4] : memref<131072xi32, #tpu.memory_space<hbm>> -> memref<4096xi32, #tpu.memory_space<hbm>>
      %dma_start3A_15 = tpu.memref_slice %arg3[%mul3A_4] : memref<131072xi32, #tpu.memory_space<hbm>> -> memref<4096xi32, #tpu.memory_space<hbm>>
      tpu.enqueue_dma source(%dma_start3A_15 : memref<4096xi32, #tpu.memory_space<hbm>>) target(%arg5 : memref<4096xi32, #tpu.memory_space<vmem>>) target_semaphore(%run_scoped3A : memref<!tpu.dma_semaphore, #tpu.memory_space<semaphore_mem>>)
      %dma_wait3A = tpu.memref_slice %arg3[%mul3A_4] : memref<131072xi32, #tpu.memory_space<hbm>> -> memref<4096xi32, #tpu.memory_space<hbm>>
      %dma_wait3A_16 = tpu.memref_slice %arg3[%mul3A_4] : memref<131072xi32, #tpu.memory_space<hbm>> -> memref<4096xi32, #tpu.memory_space<hbm>>
      tpu.wait_dma2 semaphore(%run_scoped3A : memref<!tpu.dma_semaphore, #tpu.memory_space<semaphore_mem>>) src(%dma_wait3A_16 : memref<4096xi32, #tpu.memory_space<hbm>>) dst(%arg5 : memref<4096xi32, #tpu.memory_space<vmem>>)
      tpu.yield
    }) : () -> ()
    %dma_start3A = arith.constant 0 : i32
    %dma_start3A_5 = tpu.memref_slice %arg5[%dma_start3A] : memref<4096xi32, #tpu.memory_space<vmem>> -> memref<128xi32, #tpu.memory_space<vmem>>
    %dma_start3A_6 = arith.constant 0 : i32
    %dma_start3A_7 = arith.constant 0 : i32
    %dma_start3A_8 = tpu.memref_slice %arg2[%dma_start3A_6, %dma_start3A_7] : memref<8192x128xf32, #tpu.memory_space<hbm>> -> memref<8192x128xf32, #tpu.memory_space<hbm>>
    tpu.enqueue_indirect_dma source(%dma_start3A_8 : memref<8192x128xf32, #tpu.memory_space<hbm>>) target(%arg6 : memref<128x128xf32, #tpu.memory_space<vmem>>) offsets(%dma_start3A_5 : memref<128xi32, #tpu.memory_space<vmem>>) semaphore(%arg10 : memref<!tpu.dma_semaphore, #tpu.memory_space<semaphore_mem>>)
    %scan3A = arith.constant 0 : i32
    %scan3A_9 = arith.constant 0 : i32
    %scan3A_10 = arith.constant 16 : i32
    %scan3A_11 = arith.addi %scan3A_9, %scan3A_10 : i32
    %scan3A_12 = arith.constant 1 : i32
    scf.for %scan3A_14 = %scan3A_9 to %scan3A_11 step %scan3A_12  : i32 {
      %mul3A_15 = arith.constant 2 : i32
      %mul3A_16 = arith.muli %mul3A_15, %scan3A_14 : i32
      %add3A_17 = arith.constant 1 : i32
      %add3A_18 = arith.addi %mul3A_16, %add3A_17 : i32
      %mul3A_19 = arith.constant 128 : i32
      %mul3A_20 = arith.muli %add3A_18, %mul3A_19 : i32
      %dma_start3A_21 = tpu.memref_slice %arg5[%mul3A_20] : memref<4096xi32, #tpu.memory_space<vmem>> -> memref<128xi32, #tpu.memory_space<vmem>>
      %dma_start3A_22 = arith.constant 0 : i32
      %dma_start3A_23 = arith.constant 0 : i32
      %dma_start3A_24 = tpu.memref_slice %arg2[%dma_start3A_22, %dma_start3A_23] : memref<8192x128xf32, #tpu.memory_space<hbm>> -> memref<8192x128xf32, #tpu.memory_space<hbm>>
      tpu.enqueue_indirect_dma source(%dma_start3A_24 : memref<8192x128xf32, #tpu.memory_space<hbm>>) target(%arg7 : memref<128x128xf32, #tpu.memory_space<vmem>>) offsets(%dma_start3A_21 : memref<128xi32, #tpu.memory_space<vmem>>) semaphore(%arg11 : memref<!tpu.dma_semaphore, #tpu.memory_space<semaphore_mem>>)
      %dma_wait3A = arith.constant 0 : i32
      %dma_wait3A_25 = arith.constant 0 : i32
      %dma_wait3A_26 = tpu.memref_slice %arg2[%dma_wait3A, %dma_wait3A_25] : memref<8192x128xf32, #tpu.memory_space<hbm>> -> memref<128x128xf32, #tpu.memory_space<hbm>>
      %dma_wait3A_27 = arith.constant 0 : i32
      %dma_wait3A_28 = arith.constant 0 : i32
      %dma_wait3A_29 = tpu.memref_slice %arg2[%dma_wait3A_27, %dma_wait3A_28] : memref<8192x128xf32, #tpu.memory_space<hbm>> -> memref<128x128xf32, #tpu.memory_space<hbm>>
      tpu.wait_dma2 semaphore(%arg10 : memref<!tpu.dma_semaphore, #tpu.memory_space<semaphore_mem>>) src(%dma_wait3A_29 : memref<128x128xf32, #tpu.memory_space<hbm>>) dst(%arg6 : memref<128x128xf32, #tpu.memory_space<vmem>>)
      %mul3A_30 = arith.constant 2 : i32
      %mul3A_31 = arith.muli %mul3A_30, %scan3A_14 : i32
      %scan3A_32 = arith.constant 0 : i32
      %scan3A_33 = arith.constant 0 : i32
      %scan3A_34 = arith.constant 8 : i32
      %scan3A_35 = arith.addi %scan3A_33, %scan3A_34 : i32
      %scan3A_36 = arith.constant 1 : i32
      scf.for %scan3A_64 = %scan3A_33 to %scan3A_35 step %scan3A_36  : i32 {
        %mul3A_65 = arith.constant 16 : i32
        %mul3A_66 = arith.muli %scan3A_64, %mul3A_65 : i32
        %get3A = arith.index_cast %mul3A_66 : i32 to index
        %get3A_67 = arith.constant 0 : index
        %get3A_68 = tpu.vector_load %arg6[%get3A, %get3A_67] {strides = array<i32>} : memref<128x128xf32, #tpu.memory_space<vmem>>, vector<1x16xf32>,
        %get3A_69 = vector.shape_cast %get3A_68 : vector<1x16xf32> to vector<16xf32>
        %mul3A_70 = arith.constant 16 : i32
        %mul3A_71 = arith.muli %scan3A_64, %mul3A_70 : i32
        %add3A_72 = arith.constant 1 : i32
        %add3A_73 = arith.addi %mul3A_71, %add3A_72 : i32
        %get3A_74 = arith.index_cast %add3A_73 : i32 to index
        %get3A_75 = arith.constant 0 : index
        %get3A_76 = tpu.vector_load %arg6[%get3A_74, %get3A_75] {strides = array<i32>} : memref<128x128xf32, #tpu.memory_space<vmem>>, vector<1x16xf32>,
        %get3A_77 = vector.shape_cast %get3A_76 : vector<1x16xf32> to vector<16xf32>
        %max3A = arith.maximumf %get3A_69, %get3A_77 : vector<16xf32>
        %mul3A_78 = arith.constant 16 : i32
        %mul3A_79 = arith.muli %scan3A_64, %mul3A_78 : i32
        %add3A_80 = arith.constant 2 : i32
        %add3A_81 = arith.addi %mul3A_79, %add3A_80 : i32
        %get3A_82 = arith.index_cast %add3A_81 : i32 to index
        %get3A_83 = arith.constant 0 : index
        %get3A_84 = tpu.vector_load %arg6[%get3A_82, %get3A_83] {strides = array<i32>} : memref<128x128xf32, #tpu.memory_space<vmem>>, vector<1x16xf32>,
        %get3A_85 = vector.shape_cast %get3A_84 : vector<1x16xf32> to vector<16xf32>
        %max3A_86 = arith.maximumf %max3A, %get3A_85 : vector<16xf32>
        %mul3A_87 = arith.constant 16 : i32
        %mul3A_88 = arith.muli %scan3A_64, %mul3A_87 : i32
        %add3A_89 = arith.constant 3 : i32
        %add3A_90 = arith.addi %mul3A_88, %add3A_89 : i32
        %get3A_91 = arith.index_cast %add3A_90 : i32 to index
        %get3A_92 = arith.constant 0 : index
        %get3A_93 = tpu.vector_load %arg6[%get3A_91, %get3A_92] {strides = array<i32>} : memref<128x128xf32, #tpu.memory_space<vmem>>, vector<1x16xf32>,
        %get3A_94 = vector.shape_cast %get3A_93 : vector<1x16xf32> to vector<16xf32>
        %max3A_95 = arith.maximumf %max3A_86, %get3A_94 : vector<16xf32>
        %mul3A_96 = arith.constant 16 : i32
        %mul3A_97 = arith.muli %scan3A_64, %mul3A_96 : i32
        %add3A_98 = arith.constant 4 : i32
        %add3A_99 = arith.addi %mul3A_97, %add3A_98 : i32
        %get3A_100 = arith.index_cast %add3A_99 : i32 to index
        %get3A_101 = arith.constant 0 : index
        %get3A_102 = tpu.vector_load %arg6[%get3A_100, %get3A_101] {strides = array<i32>} : memref<128x128xf32, #tpu.memory_space<vmem>>, vector<1x16xf32>,
        %get3A_103 = vector.shape_cast %get3A_102 : vector<1x16xf32> to vector<16xf32>
        %max3A_104 = arith.maximumf %max3A_95, %get3A_103 : vector<16xf32>
        %mul3A_105 = arith.constant 16 : i32
        %mul3A_106 = arith.muli %scan3A_64, %mul3A_105 : i32
        %add3A_107 = arith.constant 5 : i32
        %add3A_108 = arith.addi %mul3A_106, %add3A_107 : i32
        %get3A_109 = arith.index_cast %add3A_108 : i32 to index
        %get3A_110 = arith.constant 0 : index
        %get3A_111 = tpu.vector_load %arg6[%get3A_109, %get3A_110] {strides = array<i32>} : memref<128x128xf32, #tpu.memory_space<vmem>>, vector<1x16xf32>,
        %get3A_112 = vector.shape_cast %get3A_111 : vector<1x16xf32> to vector<16xf32>
        %max3A_113 = arith.maximumf %max3A_104, %get3A_112 : vector<16xf32>
        %mul3A_114 = arith.constant 16 : i32
        %mul3A_115 = arith.muli %scan3A_64, %mul3A_114 : i32
        %add3A_116 = arith.constant 6 : i32
        %add3A_117 = arith.addi %mul3A_115, %add3A_116 : i32
        %get3A_118 = arith.index_cast %add3A_117 : i32 to index
        %get3A_119 = arith.constant 0 : index
        %get3A_120 = tpu.vector_load %arg6[%get3A_118, %get3A_119] {strides = array<i32>} : memref<128x128xf32, #tpu.memory_space<vmem>>, vector<1x16xf32>,
        %get3A_121 = vector.shape_cast %get3A_120 : vector<1x16xf32> to vector<16xf32>
        %max3A_122 = arith.maximumf %max3A_113, %get3A_121 : vector<16xf32>
        %mul3A_123 = arith.constant 16 : i32
        %mul3A_124 = arith.muli %scan3A_64, %mul3A_123 : i32
        %add3A_125 = arith.constant 7 : i32
        %add3A_126 = arith.addi %mul3A_124, %add3A_125 : i32
        %get3A_127 = arith.index_cast %add3A_126 : i32 to index
        %get3A_128 = arith.constant 0 : index
        %get3A_129 = tpu.vector_load %arg6[%get3A_127, %get3A_128] {strides = array<i32>} : memref<128x128xf32, #tpu.memory_space<vmem>>, vector<1x16xf32>,
        %get3A_130 = vector.shape_cast %get3A_129 : vector<1x16xf32> to vector<16xf32>
        %max3A_131 = arith.maximumf %max3A_122, %get3A_130 : vector<16xf32>
        %mul3A_132 = arith.constant 16 : i32
        %mul3A_133 = arith.muli %scan3A_64, %mul3A_132 : i32
        %add3A_134 = arith.constant 8 : i32
        %add3A_135 = arith.addi %mul3A_133, %add3A_134 : i32
        %get3A_136 = arith.index_cast %add3A_135 : i32 to index
        %get3A_137 = arith.constant 0 : index
        %get3A_138 = tpu.vector_load %arg6[%get3A_136, %get3A_137] {strides = array<i32>} : memref<128x128xf32, #tpu.memory_space<vmem>>, vector<1x16xf32>,
        %get3A_139 = vector.shape_cast %get3A_138 : vector<1x16xf32> to vector<16xf32>
        %max3A_140 = arith.maximumf %max3A_131, %get3A_139 : vector<16xf32>
        %mul3A_141 = arith.constant 16 : i32
        %mul3A_142 = arith.muli %scan3A_64, %mul3A_141 : i32
        %add3A_143 = arith.constant 9 : i32
        %add3A_144 = arith.addi %mul3A_142, %add3A_143 : i32
        %get3A_145 = arith.index_cast %add3A_144 : i32 to index
        %get3A_146 = arith.constant 0 : index
        %get3A_147 = tpu.vector_load %arg6[%get3A_145, %get3A_146] {strides = array<i32>} : memref<128x128xf32, #tpu.memory_space<vmem>>, vector<1x16xf32>,
        %get3A_148 = vector.shape_cast %get3A_147 : vector<1x16xf32> to vector<16xf32>
        %max3A_149 = arith.maximumf %max3A_140, %get3A_148 : vector<16xf32>
        %mul3A_150 = arith.constant 16 : i32
        %mul3A_151 = arith.muli %scan3A_64, %mul3A_150 : i32
        %add3A_152 = arith.constant 10 : i32
        %add3A_153 = arith.addi %mul3A_151, %add3A_152 : i32
        %get3A_154 = arith.index_cast %add3A_153 : i32 to index
        %get3A_155 = arith.constant 0 : index
        %get3A_156 = tpu.vector_load %arg6[%get3A_154, %get3A_155] {strides = array<i32>} : memref<128x128xf32, #tpu.memory_space<vmem>>, vector<1x16xf32>,
        %get3A_157 = vector.shape_cast %get3A_156 : vector<1x16xf32> to vector<16xf32>
        %max3A_158 = arith.maximumf %max3A_149, %get3A_157 : vector<16xf32>
        %mul3A_159 = arith.constant 16 : i32
        %mul3A_160 = arith.muli %scan3A_64, %mul3A_159 : i32
        %add3A_161 = arith.constant 11 : i32
        %add3A_162 = arith.addi %mul3A_160, %add3A_161 : i32
        %get3A_163 = arith.index_cast %add3A_162 : i32 to index
        %get3A_164 = arith.constant 0 : index
        %get3A_165 = tpu.vector_load %arg6[%get3A_163, %get3A_164] {strides = array<i32>} : memref<128x128xf32, #tpu.memory_space<vmem>>, vector<1x16xf32>,
        %get3A_166 = vector.shape_cast %get3A_165 : vector<1x16xf32> to vector<16xf32>
        %max3A_167 = arith.maximumf %max3A_158, %get3A_166 : vector<16xf32>
        %mul3A_168 = arith.constant 16 : i32
        %mul3A_169 = arith.muli %scan3A_64, %mul3A_168 : i32
        %add3A_170 = arith.constant 12 : i32
        %add3A_171 = arith.addi %mul3A_169, %add3A_170 : i32
        %get3A_172 = arith.index_cast %add3A_171 : i32 to index
        %get3A_173 = arith.constant 0 : index
        %get3A_174 = tpu.vector_load %arg6[%get3A_172, %get3A_173] {strides = array<i32>} : memref<128x128xf32, #tpu.memory_space<vmem>>, vector<1x16xf32>,
        %get3A_175 = vector.shape_cast %get3A_174 : vector<1x16xf32> to vector<16xf32>
        %max3A_176 = arith.maximumf %max3A_167, %get3A_175 : vector<16xf32>
        %mul3A_177 = arith.constant 16 : i32
        %mul3A_178 = arith.muli %scan3A_64, %mul3A_177 : i32
        %add3A_179 = arith.constant 13 : i32
        %add3A_180 = arith.addi %mul3A_178, %add3A_179 : i32
        %get3A_181 = arith.index_cast %add3A_180 : i32 to index
        %get3A_182 = arith.constant 0 : index
        %get3A_183 = tpu.vector_load %arg6[%get3A_181, %get3A_182] {strides = array<i32>} : memref<128x128xf32, #tpu.memory_space<vmem>>, vector<1x16xf32>,
        %get3A_184 = vector.shape_cast %get3A_183 : vector<1x16xf32> to vector<16xf32>
        %max3A_185 = arith.maximumf %max3A_176, %get3A_184 : vector<16xf32>
        %mul3A_186 = arith.constant 16 : i32
        %mul3A_187 = arith.muli %scan3A_64, %mul3A_186 : i32
        %add3A_188 = arith.constant 14 : i32
        %add3A_189 = arith.addi %mul3A_187, %add3A_188 : i32
        %get3A_190 = arith.index_cast %add3A_189 : i32 to index
        %get3A_191 = arith.constant 0 : index
        %get3A_192 = tpu.vector_load %arg6[%get3A_190, %get3A_191] {strides = array<i32>} : memref<128x128xf32, #tpu.memory_space<vmem>>, vector<1x16xf32>,
        %get3A_193 = vector.shape_cast %get3A_192 : vector<1x16xf32> to vector<16xf32>
        %max3A_194 = arith.maximumf %max3A_185, %get3A_193 : vector<16xf32>
        %mul3A_195 = arith.constant 16 : i32
        %mul3A_196 = arith.muli %scan3A_64, %mul3A_195 : i32
        %add3A_197 = arith.constant 15 : i32
        %add3A_198 = arith.addi %mul3A_196, %add3A_197 : i32
        %get3A_199 = arith.index_cast %add3A_198 : i32 to index
        %get3A_200 = arith.constant 0 : index
        %get3A_201 = tpu.vector_load %arg6[%get3A_199, %get3A_200] {strides = array<i32>} : memref<128x128xf32, #tpu.memory_space<vmem>>, vector<1x16xf32>,
        %get3A_202 = vector.shape_cast %get3A_201 : vector<1x16xf32> to vector<16xf32>
        %max3A_203 = arith.maximumf %max3A_194, %get3A_202 : vector<16xf32>
        %swap3A = arith.index_cast %scan3A_64 : i32 to index
        %swap3A_204 = arith.constant 0 : index
        %swap3A_205 = tpu.vector_load %arg8[%swap3A, %swap3A_204] {strides = array<i32>} : memref<8x128xf32, #tpu.memory_space<vmem>>, vector<1x16xf32>,
        %swap3A_206 = vector.shape_cast %swap3A_205 : vector<1x16xf32> to vector<16xf32>
        %swap3A_207 = vector.shape_cast %max3A_203 : vector<16xf32> to vector<1x16xf32>
        tpu.vector_store %arg8[%swap3A, %swap3A_204], %swap3A_207 {strides = array<i32>} : memref<8x128xf32, #tpu.memory_space<vmem>>, vector<1x16xf32>,
        %mul3A_208 = arith.constant 16 : i32
        %mul3A_209 = arith.muli %scan3A_64, %mul3A_208 : i32
        %get3A_210 = arith.index_cast %mul3A_209 : i32 to index
        %get3A_211 = arith.constant 16 : index
        %get3A_212 = tpu.vector_load %arg6[%get3A_210, %get3A_211] {strides = array<i32>} : memref<128x128xf32, #tpu.memory_space<vmem>>, vector<1x16xf32>,
        %get3A_213 = vector.shape_cast %get3A_212 : vector<1x16xf32> to vector<16xf32>
        %mul3A_214 = arith.constant 16 : i32
        %mul3A_215 = arith.muli %scan3A_64, %mul3A_214 : i32
        %add3A_216 = arith.constant 1 : i32
        %add3A_217 = arith.addi %mul3A_215, %add3A_216 : i32
        %get3A_218 = arith.index_cast %add3A_217 : i32 to index
        %get3A_219 = arith.constant 16 : index
        %get3A_220 = tpu.vector_load %arg6[%get3A_218, %get3A_219] {strides = array<i32>} : memref<128x128xf32, #tpu.memory_space<vmem>>, vector<1x16xf32>,
        %get3A_221 = vector.shape_cast %get3A_220 : vector<1x16xf32> to vector<16xf32>
        %max3A_222 = arith.maximumf %get3A_213, %get3A_221 : vector<16xf32>
        %mul3A_223 = arith.constant 16 : i32
        %mul3A_224 = arith.muli %scan3A_64, %mul3A_223 : i32
        %add3A_225 = arith.constant 2 : i32
        %add3A_226 = arith.addi %mul3A_224, %add3A_225 : i32
        %get3A_227 = arith.index_cast %add3A_226 : i32 to index
        %get3A_228 = arith.constant 16 : index
        %get3A_229 = tpu.vector_load %arg6[%get3A_227, %get3A_228] {strides = array<i32>} : memref<128x128xf32, #tpu.memory_space<vmem>>, vector<1x16xf32>,
        %get3A_230 = vector.shape_cast %get3A_229 : vector<1x16xf32> to vector<16xf32>
        %max3A_231 = arith.maximumf %max3A_222, %get3A_230 : vector<16xf32>
        %mul3A_232 = arith.constant 16 : i32
        %mul3A_233 = arith.muli %scan3A_64, %mul3A_232 : i32
        %add3A_234 = arith.constant 3 : i32
        %add3A_235 = arith.addi %mul3A_233, %add3A_234 : i32
        %get3A_236 = arith.index_cast %add3A_235 : i32 to index
        %get3A_237 = arith.constant 16 : index
        %get3A_238 = tpu.vector_load %arg6[%get3A_236, %get3A_237] {strides = array<i32>} : memref<128x128xf32, #tpu.memory_space<vmem>>, vector<1x16xf32>,
        %get3A_239 = vector.shape_cast %get3A_238 : vector<1x16xf32> to vector<16xf32>
        %max3A_240 = arith.maximumf %max3A_231, %get3A_239 : vector<16xf32>
        %mul3A_241 = arith.constant 16 : i32
        %mul3A_242 = arith.muli %scan3A_64, %mul3A_241 : i32
        %add3A_243 = arith.constant 4 : i32
        %add3A_244 = arith.addi %mul3A_242, %add3A_243 : i32
        %get3A_245 = arith.index_cast %add3A_244 : i32 to index
        %get3A_246 = arith.constant 16 : index
        %get3A_247 = tpu.vector_load %arg6[%get3A_245, %get3A_246] {strides = array<i32>} : memref<128x128xf32, #tpu.memory_space<vmem>>, vector<1x16xf32>,
        %get3A_248 = vector.shape_cast %get3A_247 : vector<1x16xf32> to vector<16xf32>
        %max3A_249 = arith.maximumf %max3A_240, %get3A_248 : vector<16xf32>
        %mul3A_250 = arith.constant 16 : i32
        %mul3A_251 = arith.muli %scan3A_64, %mul3A_250 : i32
        %add3A_252 = arith.constant 5 : i32
        %add3A_253 = arith.addi %mul3A_251, %add3A_252 : i32
        %get3A_254 = arith.index_cast %add3A_253 : i32 to index
        %get3A_255 = arith.constant 16 : index
        %get3A_256 = tpu.vector_load %arg6[%get3A_254, %get3A_255] {strides = array<i32>} : memref<128x128xf32, #tpu.memory_space<vmem>>, vector<1x16xf32>,
        %get3A_257 = vector.shape_cast %get3A_256 : vector<1x16xf32> to vector<16xf32>
        %max3A_258 = arith.maximumf %max3A_249, %get3A_257 : vector<16xf32>
        %mul3A_259 = arith.constant 16 : i32
        %mul3A_260 = arith.muli %scan3A_64, %mul3A_259 : i32
        %add3A_261 = arith.constant 6 : i32
        %add3A_262 = arith.addi %mul3A_260, %add3A_261 : i32
        %get3A_263 = arith.index_cast %add3A_262 : i32 to index
        %get3A_264 = arith.constant 16 : index
        %get3A_265 = tpu.vector_load %arg6[%get3A_263, %get3A_264] {strides = array<i32>} : memref<128x128xf32, #tpu.memory_space<vmem>>, vector<1x16xf32>,
        %get3A_266 = vector.shape_cast %get3A_265 : vector<1x16xf32> to vector<16xf32>
        %max3A_267 = arith.maximumf %max3A_258, %get3A_266 : vector<16xf32>
        %mul3A_268 = arith.constant 16 : i32
        %mul3A_269 = arith.muli %scan3A_64, %mul3A_268 : i32
        %add3A_270 = arith.constant 7 : i32
        %add3A_271 = arith.addi %mul3A_269, %add3A_270 : i32
        %get3A_272 = arith.index_cast %add3A_271 : i32 to index
        %get3A_273 = arith.constant 16 : index
        %get3A_274 = tpu.vector_load %arg6[%get3A_272, %get3A_273] {strides = array<i32>} : memref<128x128xf32, #tpu.memory_space<vmem>>, vector<1x16xf32>,
        %get3A_275 = vector.shape_cast %get3A_274 : vector<1x16xf32> to vector<16xf32>
        %max3A_276 = arith.maximumf %max3A_267, %get3A_275 : vector<16xf32>
        %mul3A_277 = arith.constant 16 : i32
        %mul3A_278 = arith.muli %scan3A_64, %mul3A_277 : i32
        %add3A_279 = arith.constant 8 : i32
        %add3A_280 = arith.addi %mul3A_278, %add3A_279 : i32
        %get3A_281 = arith.index_cast %add3A_280 : i32 to index
        %get3A_282 = arith.constant 16 : index
        %get3A_283 = tpu.vector_load %arg6[%get3A_281, %get3A_282] {strides = array<i32>} : memref<128x128xf32, #tpu.memory_space<vmem>>, vector<1x16xf32>,
        %get3A_284 = vector.shape_cast %get3A_283 : vector<1x16xf32> to vector<16xf32>
        %max3A_285 = arith.maximumf %max3A_276, %get3A_284 : vector<16xf32>
        %mul3A_286 = arith.constant 16 : i32
        %mul3A_287 = arith.muli %scan3A_64, %mul3A_286 : i32
        %add3A_288 = arith.constant 9 : i32
        %add3A_289 = arith.addi %mul3A_287, %add3A_288 : i32
        %get3A_290 = arith.index_cast %add3A_289 : i32 to index
        %get3A_291 = arith.constant 16 : index
        %get3A_292 = tpu.vector_load %arg6[%get3A_290, %get3A_291] {strides = array<i32>} : memref<128x128xf32, #tpu.memory_space<vmem>>, vector<1x16xf32>,
        %get3A_293 = vector.shape_cast %get3A_292 : vector<1x16xf32> to vector<16xf32>
        %max3A_294 = arith.maximumf %max3A_285, %get3A_293 : vector<16xf32>
        %mul3A_295 = arith.constant 16 : i32
        %mul3A_296 = arith.muli %scan3A_64, %mul3A_295 : i32
        %add3A_297 = arith.constant 10 : i32
        %add3A_298 = arith.addi %mul3A_296, %add3A_297 : i32
        %get3A_299 = arith.index_cast %add3A_298 : i32 to index
        %get3A_300 = arith.constant 16 : index
        %get3A_301 = tpu.vector_load %arg6[%get3A_299, %get3A_300] {strides = array<i32>} : memref<128x128xf32, #tpu.memory_space<vmem>>, vector<1x16xf32>,
        %get3A_302 = vector.shape_cast %get3A_301 : vector<1x16xf32> to vector<16xf32>
        %max3A_303 = arith.maximumf %max3A_294, %get3A_302 : vector<16xf32>
        %mul3A_304 = arith.constant 16 : i32
        %mul3A_305 = arith.muli %scan3A_64, %mul3A_304 : i32
        %add3A_306 = arith.constant 11 : i32
        %add3A_307 = arith.addi %mul3A_305, %add3A_306 : i32
        %get3A_308 = arith.index_cast %add3A_307 : i32 to index
        %get3A_309 = arith.constant 16 : index
        %get3A_310 = tpu.vector_load %arg6[%get3A_308, %get3A_309] {strides = array<i32>} : memref<128x128xf32, #tpu.memory_space<vmem>>, vector<1x16xf32>,
        %get3A_311 = vector.shape_cast %get3A_310 : vector<1x16xf32> to vector<16xf32>
        %max3A_312 = arith.maximumf %max3A_303, %get3A_311 : vector<16xf32>
        %mul3A_313 = arith.constant 16 : i32
        %mul3A_314 = arith.muli %scan3A_64, %mul3A_313 : i32
        %add3A_315 = arith.constant 12 : i32
        %add3A_316 = arith.addi %mul3A_314, %add3A_315 : i32
        %get3A_317 = arith.index_cast %add3A_316 : i32 to index
        %get3A_318 = arith.constant 16 : index
        %get3A_319 = tpu.vector_load %arg6[%get3A_317, %get3A_318] {strides = array<i32>} : memref<128x128xf32, #tpu.memory_space<vmem>>, vector<1x16xf32>,
        %get3A_320 = vector.shape_cast %get3A_319 : vector<1x16xf32> to vector<16xf32>
        %max3A_321 = arith.maximumf %max3A_312, %get3A_320 : vector<16xf32>
        %mul3A_322 = arith.constant 16 : i32
        %mul3A_323 = arith.muli %scan3A_64, %mul3A_322 : i32
        %add3A_324 = arith.constant 13 : i32
        %add3A_325 = arith.addi %mul3A_323, %add3A_324 : i32
        %get3A_326 = arith.index_cast %add3A_325 : i32 to index
        %get3A_327 = arith.constant 16 : index
        %get3A_328 = tpu.vector_load %arg6[%get3A_326, %get3A_327] {strides = array<i32>} : memref<128x128xf32, #tpu.memory_space<vmem>>, vector<1x16xf32>,
        %get3A_329 = vector.shape_cast %get3A_328 : vector<1x16xf32> to vector<16xf32>
        %max3A_330 = arith.maximumf %max3A_321, %get3A_329 : vector<16xf32>
        %mul3A_331 = arith.constant 16 : i32
        %mul3A_332 = arith.muli %scan3A_64, %mul3A_331 : i32
        %add3A_333 = arith.constant 14 : i32
        %add3A_334 = arith.addi %mul3A_332, %add3A_333 : i32
        %get3A_335 = arith.index_cast %add3A_334 : i32 to index
        %get3A_336 = arith.constant 16 : index
        %get3A_337 = tpu.vector_load %arg6[%get3A_335, %get3A_336] {strides = array<i32>} : memref<128x128xf32, #tpu.memory_space<vmem>>, vector<1x16xf32>,
        %get3A_338 = vector.shape_cast %get3A_337 : vector<1x16xf32> to vector<16xf32>
        %max3A_339 = arith.maximumf %max3A_330, %get3A_338 : vector<16xf32>
        %mul3A_340 = arith.constant 16 : i32
        %mul3A_341 = arith.muli %scan3A_64, %mul3A_340 : i32
        %add3A_342 = arith.constant 15 : i32
        %add3A_343 = arith.addi %mul3A_341, %add3A_342 : i32
        %get3A_344 = arith.index_cast %add3A_343 : i32 to index
        %get3A_345 = arith.constant 16 : index
        %get3A_346 = tpu.vector_load %arg6[%get3A_344, %get3A_345] {strides = array<i32>} : memref<128x128xf32, #tpu.memory_space<vmem>>, vector<1x16xf32>,
        %get3A_347 = vector.shape_cast %get3A_346 : vector<1x16xf32> to vector<16xf32>
        %max3A_348 = arith.maximumf %max3A_339, %get3A_347 : vector<16xf32>
        %swap3A_349 = arith.index_cast %scan3A_64 : i32 to index
        %swap3A_350 = arith.constant 16 : index
        %swap3A_351 = tpu.vector_load %arg8[%swap3A_349, %swap3A_350] {strides = array<i32>} : memref<8x128xf32, #tpu.memory_space<vmem>>, vector<1x16xf32>,
        %swap3A_352 = vector.shape_cast %swap3A_351 : vector<1x16xf32> to vector<16xf32>
        %swap3A_353 = vector.shape_cast %max3A_348 : vector<16xf32> to vector<1x16xf32>
        tpu.vector_store %arg8[%swap3A_349, %swap3A_350], %swap3A_353 {strides = array<i32>} : memref<8x128xf32, #tpu.memory_space<vmem>>, vector<1x16xf32>,
        %mul3A_354 = arith.constant 16 : i32
        %mul3A_355 = arith.muli %scan3A_64, %mul3A_354 : i32
        %get3A_356 = arith.index_cast %mul3A_355 : i32 to index
        %get3A_357 = arith.constant 32 : index
        %get3A_358 = tpu.vector_load %arg6[%get3A_356, %get3A_357] {strides = array<i32>} : memref<128x128xf32, #tpu.memory_space<vmem>>, vector<1x16xf32>,
        %get3A_359 = vector.shape_cast %get3A_358 : vector<1x16xf32> to vector<16xf32>
        %mul3A_360 = arith.constant 16 : i32
        %mul3A_361 = arith.muli %scan3A_64, %mul3A_360 : i32
        %add3A_362 = arith.constant 1 : i32
        %add3A_363 = arith.addi %mul3A_361, %add3A_362 : i32
        %get3A_364 = arith.index_cast %add3A_363 : i32 to index
        %get3A_365 = arith.constant 32 : index
        %get3A_366 = tpu.vector_load %arg6[%get3A_364, %get3A_365] {strides = array<i32>} : memref<128x128xf32, #tpu.memory_space<vmem>>, vector<1x16xf32>,
        %get3A_367 = vector.shape_cast %get3A_366 : vector<1x16xf32> to vector<16xf32>
        %max3A_368 = arith.maximumf %get3A_359, %get3A_367 : vector<16xf32>
        %mul3A_369 = arith.constant 16 : i32
        %mul3A_370 = arith.muli %scan3A_64, %mul3A_369 : i32
        %add3A_371 = arith.constant 2 : i32
        %add3A_372 = arith.addi %mul3A_370, %add3A_371 : i32
        %get3A_373 = arith.index_cast %add3A_372 : i32 to index
        %get3A_374 = arith.constant 32 : index
        %get3A_375 = tpu.vector_load %arg6[%get3A_373, %get3A_374] {strides = array<i32>} : memref<128x128xf32, #tpu.memory_space<vmem>>, vector<1x16xf32>,
        %get3A_376 = vector.shape_cast %get3A_375 : vector<1x16xf32> to vector<16xf32>
        %max3A_377 = arith.maximumf %max3A_368, %get3A_376 : vector<16xf32>
        %mul3A_378 = arith.constant 16 : i32
        %mul3A_379 = arith.muli %scan3A_64, %mul3A_378 : i32
        %add3A_380 = arith.constant 3 : i32
        %add3A_381 = arith.addi %mul3A_379, %add3A_380 : i32
        %get3A_382 = arith.index_cast %add3A_381 : i32 to index
        %get3A_383 = arith.constant 32 : index
        %get3A_384 = tpu.vector_load %arg6[%get3A_382, %get3A_383] {strides = array<i32>} : memref<128x128xf32, #tpu.memory_space<vmem>>, vector<1x16xf32>,
        %get3A_385 = vector.shape_cast %get3A_384 : vector<1x16xf32> to vector<16xf32>
        %max3A_386 = arith.maximumf %max3A_377, %get3A_385 : vector<16xf32>
        %mul3A_387 = arith.constant 16 : i32
        %mul3A_388 = arith.muli %scan3A_64, %mul3A_387 : i32
        %add3A_389 = arith.constant 4 : i32
        %add3A_390 = arith.addi %mul3A_388, %add3A_389 : i32
        %get3A_391 = arith.index_cast %add3A_390 : i32 to index
        %get3A_392 = arith.constant 32 : index
        %get3A_393 = tpu.vector_load %arg6[%get3A_391, %get3A_392] {strides = array<i32>} : memref<128x128xf32, #tpu.memory_space<vmem>>, vector<1x16xf32>,
        %get3A_394 = vector.shape_cast %get3A_393 : vector<1x16xf32> to vector<16xf32>
        %max3A_395 = arith.maximumf %max3A_386, %get3A_394 : vector<16xf32>
        %mul3A_396 = arith.constant 16 : i32
        %mul3A_397 = arith.muli %scan3A_64, %mul3A_396 : i32
        %add3A_398 = arith.constant 5 : i32
        %add3A_399 = arith.addi %mul3A_397, %add3A_398 : i32
        %get3A_400 = arith.index_cast %add3A_399 : i32 to index
        %get3A_401 = arith.constant 32 : index
        %get3A_402 = tpu.vector_load %arg6[%get3A_400, %get3A_401] {strides = array<i32>} : memref<128x128xf32, #tpu.memory_space<vmem>>, vector<1x16xf32>,
        %get3A_403 = vector.shape_cast %get3A_402 : vector<1x16xf32> to vector<16xf32>
        %max3A_404 = arith.maximumf %max3A_395, %get3A_403 : vector<16xf32>
        %mul3A_405 = arith.constant 16 : i32
        %mul3A_406 = arith.muli %scan3A_64, %mul3A_405 : i32
        %add3A_407 = arith.constant 6 : i32
        %add3A_408 = arith.addi %mul3A_406, %add3A_407 : i32
        %get3A_409 = arith.index_cast %add3A_408 : i32 to index
        %get3A_410 = arith.constant 32 : index
        %get3A_411 = tpu.vector_load %arg6[%get3A_409, %get3A_410] {strides = array<i32>} : memref<128x128xf32, #tpu.memory_space<vmem>>, vector<1x16xf32>,
        %get3A_412 = vector.shape_cast %get3A_411 : vector<1x16xf32> to vector<16xf32>
        %max3A_413 = arith.maximumf %max3A_404, %get3A_412 : vector<16xf32>
        %mul3A_414 = arith.constant 16 : i32
        %mul3A_415 = arith.muli %scan3A_64, %mul3A_414 : i32
        %add3A_416 = arith.constant 7 : i32
        %add3A_417 = arith.addi %mul3A_415, %add3A_416 : i32
        %get3A_418 = arith.index_cast %add3A_417 : i32 to index
        %get3A_419 = arith.constant 32 : index
        %get3A_420 = tpu.vector_load %arg6[%get3A_418, %get3A_419] {strides = array<i32>} : memref<128x128xf32, #tpu.memory_space<vmem>>, vector<1x16xf32>,
        %get3A_421 = vector.shape_cast %get3A_420 : vector<1x16xf32> to vector<16xf32>
        %max3A_422 = arith.maximumf %max3A_413, %get3A_421 : vector<16xf32>
        %mul3A_423 = arith.constant 16 : i32
        %mul3A_424 = arith.muli %scan3A_64, %mul3A_423 : i32
        %add3A_425 = arith.constant 8 : i32
        %add3A_426 = arith.addi %mul3A_424, %add3A_425 : i32
        %get3A_427 = arith.index_cast %add3A_426 : i32 to index
        %get3A_428 = arith.constant 32 : index
        %get3A_429 = tpu.vector_load %arg6[%get3A_427, %get3A_428] {strides = array<i32>} : memref<128x128xf32, #tpu.memory_space<vmem>>, vector<1x16xf32>,
        %get3A_430 = vector.shape_cast %get3A_429 : vector<1x16xf32> to vector<16xf32>
        %max3A_431 = arith.maximumf %max3A_422, %get3A_430 : vector<16xf32>
        %mul3A_432 = arith.constant 16 : i32
        %mul3A_433 = arith.muli %scan3A_64, %mul3A_432 : i32
        %add3A_434 = arith.constant 9 : i32
        %add3A_435 = arith.addi %mul3A_433, %add3A_434 : i32
        %get3A_436 = arith.index_cast %add3A_435 : i32 to index
        %get3A_437 = arith.constant 32 : index
        %get3A_438 = tpu.vector_load %arg6[%get3A_436, %get3A_437] {strides = array<i32>} : memref<128x128xf32, #tpu.memory_space<vmem>>, vector<1x16xf32>,
        %get3A_439 = vector.shape_cast %get3A_438 : vector<1x16xf32> to vector<16xf32>
        %max3A_440 = arith.maximumf %max3A_431, %get3A_439 : vector<16xf32>
        %mul3A_441 = arith.constant 16 : i32
        %mul3A_442 = arith.muli %scan3A_64, %mul3A_441 : i32
        %add3A_443 = arith.constant 10 : i32
        %add3A_444 = arith.addi %mul3A_442, %add3A_443 : i32
        %get3A_445 = arith.index_cast %add3A_444 : i32 to index
        %get3A_446 = arith.constant 32 : index
        %get3A_447 = tpu.vector_load %arg6[%get3A_445, %get3A_446] {strides = array<i32>} : memref<128x128xf32, #tpu.memory_space<vmem>>, vector<1x16xf32>,
        %get3A_448 = vector.shape_cast %get3A_447 : vector<1x16xf32> to vector<16xf32>
        %max3A_449 = arith.maximumf %max3A_440, %get3A_448 : vector<16xf32>
        %mul3A_450 = arith.constant 16 : i32
        %mul3A_451 = arith.muli %scan3A_64, %mul3A_450 : i32
        %add3A_452 = arith.constant 11 : i32
        %add3A_453 = arith.addi %mul3A_451, %add3A_452 : i32
        %get3A_454 = arith.index_cast %add3A_453 : i32 to index
        %get3A_455 = arith.constant 32 : index
        %get3A_456 = tpu.vector_load %arg6[%get3A_454, %get3A_455] {strides = array<i32>} : memref<128x128xf32, #tpu.memory_space<vmem>>, vector<1x16xf32>,
        %get3A_457 = vector.shape_cast %get3A_456 : vector<1x16xf32> to vector<16xf32>
        %max3A_458 = arith.maximumf %max3A_449, %get3A_457 : vector<16xf32>
        %mul3A_459 = arith.constant 16 : i32
        %mul3A_460 = arith.muli %scan3A_64, %mul3A_459 : i32
        %add3A_461 = arith.constant 12 : i32
        %add3A_462 = arith.addi %mul3A_460, %add3A_461 : i32
        %get3A_463 = arith.index_cast %add3A_462 : i32 to index
        %get3A_464 = arith.constant 32 : index
        %get3A_465 = tpu.vector_load %arg6[%get3A_463, %get3A_464] {strides = array<i32>} : memref<128x128xf32, #tpu.memory_space<vmem>>, vector<1x16xf32>,
        %get3A_466 = vector.shape_cast %get3A_465 : vector<1x16xf32> to vector<16xf32>
        %max3A_467 = arith.maximumf %max3A_458, %get3A_466 : vector<16xf32>
        %mul3A_468 = arith.constant 16 : i32
        %mul3A_469 = arith.muli %scan3A_64, %mul3A_468 : i32
        %add3A_470 = arith.constant 13 : i32
        %add3A_471 = arith.addi %mul3A_469, %add3A_470 : i32
        %get3A_472 = arith.index_cast %add3A_471 : i32 to index
        %get3A_473 = arith.constant 32 : index
        %get3A_474 = tpu.vector_load %arg6[%get3A_472, %get3A_473] {strides = array<i32>} : memref<128x128xf32, #tpu.memory_space<vmem>>, vector<1x16xf32>,
        %get3A_475 = vector.shape_cast %get3A_474 : vector<1x16xf32> to vector<16xf32>
        %max3A_476 = arith.maximumf %max3A_467, %get3A_475 : vector<16xf32>
        %mul3A_477 = arith.constant 16 : i32
        %mul3A_478 = arith.muli %scan3A_64, %mul3A_477 : i32
        %add3A_479 = arith.constant 14 : i32
        %add3A_480 = arith.addi %mul3A_478, %add3A_479 : i32
        %get3A_481 = arith.index_cast %add3A_480 : i32 to index
        %get3A_482 = arith.constant 32 : index
        %get3A_483 = tpu.vector_load %arg6[%get3A_481, %get3A_482] {strides = array<i32>} : memref<128x128xf32, #tpu.memory_space<vmem>>, vector<1x16xf32>,
        %get3A_484 = vector.shape_cast %get3A_483 : vector<1x16xf32> to vector<16xf32>
        %max3A_485 = arith.maximumf %max3A_476, %get3A_484 : vector<16xf32>
        %mul3A_486 = arith.constant 16 : i32
        %mul3A_487 = arith.muli %scan3A_64, %mul3A_486 : i32
        %add3A_488 = arith.constant 15 : i32
        %add3A_489 = arith.addi %mul3A_487, %add3A_488 : i32
        %get3A_490 = arith.index_cast %add3A_489 : i32 to index
        %get3A_491 = arith.constant 32 : index
        %get3A_492 = tpu.vector_load %arg6[%get3A_490, %get3A_491] {strides = array<i32>} : memref<128x128xf32, #tpu.memory_space<vmem>>, vector<1x16xf32>,
        %get3A_493 = vector.shape_cast %get3A_492 : vector<1x16xf32> to vector<16xf32>
        %max3A_494 = arith.maximumf %max3A_485, %get3A_493 : vector<16xf32>
        %swap3A_495 = arith.index_cast %scan3A_64 : i32 to index
        %swap3A_496 = arith.constant 32 : index
        %swap3A_497 = tpu.vector_load %arg8[%swap3A_495, %swap3A_496] {strides = array<i32>} : memref<8x128xf32, #tpu.memory_space<vmem>>, vector<1x16xf32>,
        %swap3A_498 = vector.shape_cast %swap3A_497 : vector<1x16xf32> to vector<16xf32>
        %swap3A_499 = vector.shape_cast %max3A_494 : vector<16xf32> to vector<1x16xf32>
        tpu.vector_store %arg8[%swap3A_495, %swap3A_496], %swap3A_499 {strides = array<i32>} : memref<8x128xf32, #tpu.memory_space<vmem>>, vector<1x16xf32>,
        %mul3A_500 = arith.constant 16 : i32
        %mul3A_501 = arith.muli %scan3A_64, %mul3A_500 : i32
        %get3A_502 = arith.index_cast %mul3A_501 : i32 to index
        %get3A_503 = arith.constant 48 : index
        %get3A_504 = tpu.vector_load %arg6[%get3A_502, %get3A_503] {strides = array<i32>} : memref<128x128xf32, #tpu.memory_space<vmem>>, vector<1x16xf32>,
        %get3A_505 = vector.shape_cast %get3A_504 : vector<1x16xf32> to vector<16xf32>
        %mul3A_506 = arith.constant 16 : i32
        %mul3A_507 = arith.muli %scan3A_64, %mul3A_506 : i32
        %add3A_508 = arith.constant 1 : i32
        %add3A_509 = arith.addi %mul3A_507, %add3A_508 : i32
        %get3A_510 = arith.index_cast %add3A_509 : i32 to index
        %get3A_511 = arith.constant 48 : index
        %get3A_512 = tpu.vector_load %arg6[%get3A_510, %get3A_511] {strides = array<i32>} : memref<128x128xf32, #tpu.memory_space<vmem>>, vector<1x16xf32>,
        %get3A_513 = vector.shape_cast %get3A_512 : vector<1x16xf32> to vector<16xf32>
        %max3A_514 = arith.maximumf %get3A_505, %get3A_513 : vector<16xf32>
        %mul3A_515 = arith.constant 16 : i32
        %mul3A_516 = arith.muli %scan3A_64, %mul3A_515 : i32
        %add3A_517 = arith.constant 2 : i32
        %add3A_518 = arith.addi %mul3A_516, %add3A_517 : i32
        %get3A_519 = arith.index_cast %add3A_518 : i32 to index
        %get3A_520 = arith.constant 48 : index
        %get3A_521 = tpu.vector_load %arg6[%get3A_519, %get3A_520] {strides = array<i32>} : memref<128x128xf32, #tpu.memory_space<vmem>>, vector<1x16xf32>,
        %get3A_522 = vector.shape_cast %get3A_521 : vector<1x16xf32> to vector<16xf32>
        %max3A_523 = arith.maximumf %max3A_514, %get3A_522 : vector<16xf32>
        %mul3A_524 = arith.constant 16 : i32
        %mul3A_525 = arith.muli %scan3A_64, %mul3A_524 : i32
        %add3A_526 = arith.constant 3 : i32
        %add3A_527 = arith.addi %mul3A_525, %add3A_526 : i32
        %get3A_528 = arith.index_cast %add3A_527 : i32 to index
        %get3A_529 = arith.constant 48 : index
        %get3A_530 = tpu.vector_load %arg6[%get3A_528, %get3A_529] {strides = array<i32>} : memref<128x128xf32, #tpu.memory_space<vmem>>, vector<1x16xf32>,
        %get3A_531 = vector.shape_cast %get3A_530 : vector<1x16xf32> to vector<16xf32>
        %max3A_532 = arith.maximumf %max3A_523, %get3A_531 : vector<16xf32>
        %mul3A_533 = arith.constant 16 : i32
        %mul3A_534 = arith.muli %scan3A_64, %mul3A_533 : i32
        %add3A_535 = arith.constant 4 : i32
        %add3A_536 = arith.addi %mul3A_534, %add3A_535 : i32
        %get3A_537 = arith.index_cast %add3A_536 : i32 to index
        %get3A_538 = arith.constant 48 : index
        %get3A_539 = tpu.vector_load %arg6[%get3A_537, %get3A_538] {strides = array<i32>} : memref<128x128xf32, #tpu.memory_space<vmem>>, vector<1x16xf32>,
        %get3A_540 = vector.shape_cast %get3A_539 : vector<1x16xf32> to vector<16xf32>
        %max3A_541 = arith.maximumf %max3A_532, %get3A_540 : vector<16xf32>
        %mul3A_542 = arith.constant 16 : i32
        %mul3A_543 = arith.muli %scan3A_64, %mul3A_542 : i32
        %add3A_544 = arith.constant 5 : i32
        %add3A_545 = arith.addi %mul3A_543, %add3A_544 : i32
        %get3A_546 = arith.index_cast %add3A_545 : i32 to index
        %get3A_547 = arith.constant 48 : index
        %get3A_548 = tpu.vector_load %arg6[%get3A_546, %get3A_547] {strides = array<i32>} : memref<128x128xf32, #tpu.memory_space<vmem>>, vector<1x16xf32>,
        %get3A_549 = vector.shape_cast %get3A_548 : vector<1x16xf32> to vector<16xf32>
        %max3A_550 = arith.maximumf %max3A_541, %get3A_549 : vector<16xf32>
        %mul3A_551 = arith.constant 16 : i32
        %mul3A_552 = arith.muli %scan3A_64, %mul3A_551 : i32
        %add3A_553 = arith.constant 6 : i32
        %add3A_554 = arith.addi %mul3A_552, %add3A_553 : i32
        %get3A_555 = arith.index_cast %add3A_554 : i32 to index
        %get3A_556 = arith.constant 48 : index
        %get3A_557 = tpu.vector_load %arg6[%get3A_555, %get3A_556] {strides = array<i32>} : memref<128x128xf32, #tpu.memory_space<vmem>>, vector<1x16xf32>,
        %get3A_558 = vector.shape_cast %get3A_557 : vector<1x16xf32> to vector<16xf32>
        %max3A_559 = arith.maximumf %max3A_550, %get3A_558 : vector<16xf32>
        %mul3A_560 = arith.constant 16 : i32
        %mul3A_561 = arith.muli %scan3A_64, %mul3A_560 : i32
        %add3A_562 = arith.constant 7 : i32
        %add3A_563 = arith.addi %mul3A_561, %add3A_562 : i32
        %get3A_564 = arith.index_cast %add3A_563 : i32 to index
        %get3A_565 = arith.constant 48 : index
        %get3A_566 = tpu.vector_load %arg6[%get3A_564, %get3A_565] {strides = array<i32>} : memref<128x128xf32, #tpu.memory_space<vmem>>, vector<1x16xf32>,
        %get3A_567 = vector.shape_cast %get3A_566 : vector<1x16xf32> to vector<16xf32>
        %max3A_568 = arith.maximumf %max3A_559, %get3A_567 : vector<16xf32>
        %mul3A_569 = arith.constant 16 : i32
        %mul3A_570 = arith.muli %scan3A_64, %mul3A_569 : i32
        %add3A_571 = arith.constant 8 : i32
        %add3A_572 = arith.addi %mul3A_570, %add3A_571 : i32
        %get3A_573 = arith.index_cast %add3A_572 : i32 to index
        %get3A_574 = arith.constant 48 : index
        %get3A_575 = tpu.vector_load %arg6[%get3A_573, %get3A_574] {strides = array<i32>} : memref<128x128xf32, #tpu.memory_space<vmem>>, vector<1x16xf32>,
        %get3A_576 = vector.shape_cast %get3A_575 : vector<1x16xf32> to vector<16xf32>
        %max3A_577 = arith.maximumf %max3A_568, %get3A_576 : vector<16xf32>
        %mul3A_578 = arith.constant 16 : i32
        %mul3A_579 = arith.muli %scan3A_64, %mul3A_578 : i32
        %add3A_580 = arith.constant 9 : i32
        %add3A_581 = arith.addi %mul3A_579, %add3A_580 : i32
        %get3A_582 = arith.index_cast %add3A_581 : i32 to index
        %get3A_583 = arith.constant 48 : index
        %get3A_584 = tpu.vector_load %arg6[%get3A_582, %get3A_583] {strides = array<i32>} : memref<128x128xf32, #tpu.memory_space<vmem>>, vector<1x16xf32>,
        %get3A_585 = vector.shape_cast %get3A_584 : vector<1x16xf32> to vector<16xf32>
        %max3A_586 = arith.maximumf %max3A_577, %get3A_585 : vector<16xf32>
        %mul3A_587 = arith.constant 16 : i32
        %mul3A_588 = arith.muli %scan3A_64, %mul3A_587 : i32
        %add3A_589 = arith.constant 10 : i32
        %add3A_590 = arith.addi %mul3A_588, %add3A_589 : i32
        %get3A_591 = arith.index_cast %add3A_590 : i32 to index
        %get3A_592 = arith.constant 48 : index
        %get3A_593 = tpu.vector_load %arg6[%get3A_591, %get3A_592] {strides = array<i32>} : memref<128x128xf32, #tpu.memory_space<vmem>>, vector<1x16xf32>,
        %get3A_594 = vector.shape_cast %get3A_593 : vector<1x16xf32> to vector<16xf32>
        %max3A_595 = arith.maximumf %max3A_586, %get3A_594 : vector<16xf32>
        %mul3A_596 = arith.constant 16 : i32
        %mul3A_597 = arith.muli %scan3A_64, %mul3A_596 : i32
        %add3A_598 = arith.constant 11 : i32
        %add3A_599 = arith.addi %mul3A_597, %add3A_598 : i32
        %get3A_600 = arith.index_cast %add3A_599 : i32 to index
        %get3A_601 = arith.constant 48 : index
        %get3A_602 = tpu.vector_load %arg6[%get3A_600, %get3A_601] {strides = array<i32>} : memref<128x128xf32, #tpu.memory_space<vmem>>, vector<1x16xf32>,
        %get3A_603 = vector.shape_cast %get3A_602 : vector<1x16xf32> to vector<16xf32>
        %max3A_604 = arith.maximumf %max3A_595, %get3A_603 : vector<16xf32>
        %mul3A_605 = arith.constant 16 : i32
        %mul3A_606 = arith.muli %scan3A_64, %mul3A_605 : i32
        %add3A_607 = arith.constant 12 : i32
        %add3A_608 = arith.addi %mul3A_606, %add3A_607 : i32
        %get3A_609 = arith.index_cast %add3A_608 : i32 to index
        %get3A_610 = arith.constant 48 : index
        %get3A_611 = tpu.vector_load %arg6[%get3A_609, %get3A_610] {strides = array<i32>} : memref<128x128xf32, #tpu.memory_space<vmem>>, vector<1x16xf32>,
        %get3A_612 = vector.shape_cast %get3A_611 : vector<1x16xf32> to vector<16xf32>
        %max3A_613 = arith.maximumf %max3A_604, %get3A_612 : vector<16xf32>
        %mul3A_614 = arith.constant 16 : i32
        %mul3A_615 = arith.muli %scan3A_64, %mul3A_614 : i32
        %add3A_616 = arith.constant 13 : i32
        %add3A_617 = arith.addi %mul3A_615, %add3A_616 : i32
        %get3A_618 = arith.index_cast %add3A_617 : i32 to index
        %get3A_619 = arith.constant 48 : index
        %get3A_620 = tpu.vector_load %arg6[%get3A_618, %get3A_619] {strides = array<i32>} : memref<128x128xf32, #tpu.memory_space<vmem>>, vector<1x16xf32>,
        %get3A_621 = vector.shape_cast %get3A_620 : vector<1x16xf32> to vector<16xf32>
        %max3A_622 = arith.maximumf %max3A_613, %get3A_621 : vector<16xf32>
        %mul3A_623 = arith.constant 16 : i32
        %mul3A_624 = arith.muli %scan3A_64, %mul3A_623 : i32
        %add3A_625 = arith.constant 14 : i32
        %add3A_626 = arith.addi %mul3A_624, %add3A_625 : i32
        %get3A_627 = arith.index_cast %add3A_626 : i32 to index
        %get3A_628 = arith.constant 48 : index
        %get3A_629 = tpu.vector_load %arg6[%get3A_627, %get3A_628] {strides = array<i32>} : memref<128x128xf32, #tpu.memory_space<vmem>>, vector<1x16xf32>,
        %get3A_630 = vector.shape_cast %get3A_629 : vector<1x16xf32> to vector<16xf32>
        %max3A_631 = arith.maximumf %max3A_622, %get3A_630 : vector<16xf32>
        %mul3A_632 = arith.constant 16 : i32
        %mul3A_633 = arith.muli %scan3A_64, %mul3A_632 : i32
        %add3A_634 = arith.constant 15 : i32
        %add3A_635 = arith.addi %mul3A_633, %add3A_634 : i32
        %get3A_636 = arith.index_cast %add3A_635 : i32 to index
        %get3A_637 = arith.constant 48 : index
        %get3A_638 = tpu.vector_load %arg6[%get3A_636, %get3A_637] {strides = array<i32>} : memref<128x128xf32, #tpu.memory_space<vmem>>, vector<1x16xf32>,
        %get3A_639 = vector.shape_cast %get3A_638 : vector<1x16xf32> to vector<16xf32>
        %max3A_640 = arith.maximumf %max3A_631, %get3A_639 : vector<16xf32>
        %swap3A_641 = arith.index_cast %scan3A_64 : i32 to index
        %swap3A_642 = arith.constant 48 : index
        %swap3A_643 = tpu.vector_load %arg8[%swap3A_641, %swap3A_642] {strides = array<i32>} : memref<8x128xf32, #tpu.memory_space<vmem>>, vector<1x16xf32>,
        %swap3A_644 = vector.shape_cast %swap3A_643 : vector<1x16xf32> to vector<16xf32>
        %swap3A_645 = vector.shape_cast %max3A_640 : vector<16xf32> to vector<1x16xf32>
        tpu.vector_store %arg8[%swap3A_641, %swap3A_642], %swap3A_645 {strides = array<i32>} : memref<8x128xf32, #tpu.memory_space<vmem>>, vector<1x16xf32>,
        %mul3A_646 = arith.constant 16 : i32
        %mul3A_647 = arith.muli %scan3A_64, %mul3A_646 : i32
        %get3A_648 = arith.index_cast %mul3A_647 : i32 to index
        %get3A_649 = arith.constant 64 : index
        %get3A_650 = tpu.vector_load %arg6[%get3A_648, %get3A_649] {strides = array<i32>} : memref<128x128xf32, #tpu.memory_space<vmem>>, vector<1x16xf32>,
        %get3A_651 = vector.shape_cast %get3A_650 : vector<1x16xf32> to vector<16xf32>
        %mul3A_652 = arith.constant 16 : i32
        %mul3A_653 = arith.muli %scan3A_64, %mul3A_652 : i32
        %add3A_654 = arith.constant 1 : i32
        %add3A_655 = arith.addi %mul3A_653, %add3A_654 : i32
        %get3A_656 = arith.index_cast %add3A_655 : i32 to index
        %get3A_657 = arith.constant 64 : index
        %get3A_658 = tpu.vector_load %arg6[%get3A_656, %get3A_657] {strides = array<i32>} : memref<128x128xf32, #tpu.memory_space<vmem>>, vector<1x16xf32>,
        %get3A_659 = vector.shape_cast %get3A_658 : vector<1x16xf32> to vector<16xf32>
        %max3A_660 = arith.maximumf %get3A_651, %get3A_659 : vector<16xf32>
        %mul3A_661 = arith.constant 16 : i32
        %mul3A_662 = arith.muli %scan3A_64, %mul3A_661 : i32
        %add3A_663 = arith.constant 2 : i32
        %add3A_664 = arith.addi %mul3A_662, %add3A_663 : i32
        %get3A_665 = arith.index_cast %add3A_664 : i32 to index
        %get3A_666 = arith.constant 64 : index
        %get3A_667 = tpu.vector_load %arg6[%get3A_665, %get3A_666] {strides = array<i32>} : memref<128x128xf32, #tpu.memory_space<vmem>>, vector<1x16xf32>,
        %get3A_668 = vector.shape_cast %get3A_667 : vector<1x16xf32> to vector<16xf32>
        %max3A_669 = arith.maximumf %max3A_660, %get3A_668 : vector<16xf32>
        %mul3A_670 = arith.constant 16 : i32
        %mul3A_671 = arith.muli %scan3A_64, %mul3A_670 : i32
        %add3A_672 = arith.constant 3 : i32
        %add3A_673 = arith.addi %mul3A_671, %add3A_672 : i32
        %get3A_674 = arith.index_cast %add3A_673 : i32 to index
        %get3A_675 = arith.constant 64 : index
        %get3A_676 = tpu.vector_load %arg6[%get3A_674, %get3A_675] {strides = array<i32>} : memref<128x128xf32, #tpu.memory_space<vmem>>, vector<1x16xf32>,
        %get3A_677 = vector.shape_cast %get3A_676 : vector<1x16xf32> to vector<16xf32>
        %max3A_678 = arith.maximumf %max3A_669, %get3A_677 : vector<16xf32>
        %mul3A_679 = arith.constant 16 : i32
        %mul3A_680 = arith.muli %scan3A_64, %mul3A_679 : i32
        %add3A_681 = arith.constant 4 : i32
        %add3A_682 = arith.addi %mul3A_680, %add3A_681 : i32
        %get3A_683 = arith.index_cast %add3A_682 : i32 to index
        %get3A_684 = arith.constant 64 : index
        %get3A_685 = tpu.vector_load %arg6[%get3A_683, %get3A_684] {strides = array<i32>} : memref<128x128xf32, #tpu.memory_space<vmem>>, vector<1x16xf32>,
        %get3A_686 = vector.shape_cast %get3A_685 : vector<1x16xf32> to vector<16xf32>
        %max3A_687 = arith.maximumf %max3A_678, %get3A_686 : vector<16xf32>
        %mul3A_688 = arith.constant 16 : i32
        %mul3A_689 = arith.muli %scan3A_64, %mul3A_688 : i32
        %add3A_690 = arith.constant 5 : i32
        %add3A_691 = arith.addi %mul3A_689, %add3A_690 : i32
        %get3A_692 = arith.index_cast %add3A_691 : i32 to index
        %get3A_693 = arith.constant 64 : index
        %get3A_694 = tpu.vector_load %arg6[%get3A_692, %get3A_693] {strides = array<i32>} : memref<128x128xf32, #tpu.memory_space<vmem>>, vector<1x16xf32>,
        %get3A_695 = vector.shape_cast %get3A_694 : vector<1x16xf32> to vector<16xf32>
        %max3A_696 = arith.maximumf %max3A_687, %get3A_695 : vector<16xf32>
        %mul3A_697 = arith.constant 16 : i32
        %mul3A_698 = arith.muli %scan3A_64, %mul3A_697 : i32
        %add3A_699 = arith.constant 6 : i32
        %add3A_700 = arith.addi %mul3A_698, %add3A_699 : i32
        %get3A_701 = arith.index_cast %add3A_700 : i32 to index
        %get3A_702 = arith.constant 64 : index
        %get3A_703 = tpu.vector_load %arg6[%get3A_701, %get3A_702] {strides = array<i32>} : memref<128x128xf32, #tpu.memory_space<vmem>>, vector<1x16xf32>,
        %get3A_704 = vector.shape_cast %get3A_703 : vector<1x16xf32> to vector<16xf32>
        %max3A_705 = arith.maximumf %max3A_696, %get3A_704 : vector<16xf32>
        %mul3A_706 = arith.constant 16 : i32
        %mul3A_707 = arith.muli %scan3A_64, %mul3A_706 : i32
        %add3A_708 = arith.constant 7 : i32
        %add3A_709 = arith.addi %mul3A_707, %add3A_708 : i32
        %get3A_710 = arith.index_cast %add3A_709 : i32 to index
        %get3A_711 = arith.constant 64 : index
        %get3A_712 = tpu.vector_load %arg6[%get3A_710, %get3A_711] {strides = array<i32>} : memref<128x128xf32, #tpu.memory_space<vmem>>, vector<1x16xf32>,
        %get3A_713 = vector.shape_cast %get3A_712 : vector<1x16xf32> to vector<16xf32>
        %max3A_714 = arith.maximumf %max3A_705, %get3A_713 : vector<16xf32>
        %mul3A_715 = arith.constant 16 : i32
        %mul3A_716 = arith.muli %scan3A_64, %mul3A_715 : i32
        %add3A_717 = arith.constant 8 : i32
        %add3A_718 = arith.addi %mul3A_716, %add3A_717 : i32
        %get3A_719 = arith.index_cast %add3A_718 : i32 to index
        %get3A_720 = arith.constant 64 : index
        %get3A_721 = tpu.vector_load %arg6[%get3A_719, %get3A_720] {strides = array<i32>} : memref<128x128xf32, #tpu.memory_space<vmem>>, vector<1x16xf32>,
        %get3A_722 = vector.shape_cast %get3A_721 : vector<1x16xf32> to vector<16xf32>
        %max3A_723 = arith.maximumf %max3A_714, %get3A_722 : vector<16xf32>
        %mul3A_724 = arith.constant 16 : i32
        %mul3A_725 = arith.muli %scan3A_64, %mul3A_724 : i32
        %add3A_726 = arith.constant 9 : i32
        %add3A_727 = arith.addi %mul3A_725, %add3A_726 : i32
        %get3A_728 = arith.index_cast %add3A_727 : i32 to index
        %get3A_729 = arith.constant 64 : index
        %get3A_730 = tpu.vector_load %arg6[%get3A_728, %get3A_729] {strides = array<i32>} : memref<128x128xf32, #tpu.memory_space<vmem>>, vector<1x16xf32>,
        %get3A_731 = vector.shape_cast %get3A_730 : vector<1x16xf32> to vector<16xf32>
        %max3A_732 = arith.maximumf %max3A_723, %get3A_731 : vector<16xf32>
        %mul3A_733 = arith.constant 16 : i32
        %mul3A_734 = arith.muli %scan3A_64, %mul3A_733 : i32
        %add3A_735 = arith.constant 10 : i32
        %add3A_736 = arith.addi %mul3A_734, %add3A_735 : i32
        %get3A_737 = arith.index_cast %add3A_736 : i32 to index
        %get3A_738 = arith.constant 64 : index
        %get3A_739 = tpu.vector_load %arg6[%get3A_737, %get3A_738] {strides = array<i32>} : memref<128x128xf32, #tpu.memory_space<vmem>>, vector<1x16xf32>,
        %get3A_740 = vector.shape_cast %get3A_739 : vector<1x16xf32> to vector<16xf32>
        %max3A_741 = arith.maximumf %max3A_732, %get3A_740 : vector<16xf32>
        %mul3A_742 = arith.constant 16 : i32
        %mul3A_743 = arith.muli %scan3A_64, %mul3A_742 : i32
        %add3A_744 = arith.constant 11 : i32
        %add3A_745 = arith.addi %mul3A_743, %add3A_744 : i32
        %get3A_746 = arith.index_cast %add3A_745 : i32 to index
        %get3A_747 = arith.constant 64 : index
        %get3A_748 = tpu.vector_load %arg6[%get3A_746, %get3A_747] {strides = array<i32>} : memref<128x128xf32, #tpu.memory_space<vmem>>, vector<1x16xf32>,
        %get3A_749 = vector.shape_cast %get3A_748 : vector<1x16xf32> to vector<16xf32>
        %max3A_750 = arith.maximumf %max3A_741, %get3A_749 : vector<16xf32>
        %mul3A_751 = arith.constant 16 : i32
        %mul3A_752 = arith.muli %scan3A_64, %mul3A_751 : i32
        %add3A_753 = arith.constant 12 : i32
        %add3A_754 = arith.addi %mul3A_752, %add3A_753 : i32
        %get3A_755 = arith.index_cast %add3A_754 : i32 to index
        %get3A_756 = arith.constant 64 : index
        %get3A_757 = tpu.vector_load %arg6[%get3A_755, %get3A_756] {strides = array<i32>} : memref<128x128xf32, #tpu.memory_space<vmem>>, vector<1x16xf32>,
        %get3A_758 = vector.shape_cast %get3A_757 : vector<1x16xf32> to vector<16xf32>
        %max3A_759 = arith.maximumf %max3A_750, %get3A_758 : vector<16xf32>
        %mul3A_760 = arith.constant 16 : i32
        %mul3A_761 = arith.muli %scan3A_64, %mul3A_760 : i32
        %add3A_762 = arith.constant 13 : i32
        %add3A_763 = arith.addi %mul3A_761, %add3A_762 : i32
        %get3A_764 = arith.index_cast %add3A_763 : i32 to index
        %get3A_765 = arith.constant 64 : index
        %get3A_766 = tpu.vector_load %arg6[%get3A_764, %get3A_765] {strides = array<i32>} : memref<128x128xf32, #tpu.memory_space<vmem>>, vector<1x16xf32>,
        %get3A_767 = vector.shape_cast %get3A_766 : vector<1x16xf32> to vector<16xf32>
        %max3A_768 = arith.maximumf %max3A_759, %get3A_767 : vector<16xf32>
        %mul3A_769 = arith.constant 16 : i32
        %mul3A_770 = arith.muli %scan3A_64, %mul3A_769 : i32
        %add3A_771 = arith.constant 14 : i32
        %add3A_772 = arith.addi %mul3A_770, %add3A_771 : i32
        %get3A_773 = arith.index_cast %add3A_772 : i32 to index
        %get3A_774 = arith.constant 64 : index
        %get3A_775 = tpu.vector_load %arg6[%get3A_773, %get3A_774] {strides = array<i32>} : memref<128x128xf32, #tpu.memory_space<vmem>>, vector<1x16xf32>,
        %get3A_776 = vector.shape_cast %get3A_775 : vector<1x16xf32> to vector<16xf32>
        %max3A_777 = arith.maximumf %max3A_768, %get3A_776 : vector<16xf32>
        %mul3A_778 = arith.constant 16 : i32
        %mul3A_779 = arith.muli %scan3A_64, %mul3A_778 : i32
        %add3A_780 = arith.constant 15 : i32
        %add3A_781 = arith.addi %mul3A_779, %add3A_780 : i32
        %get3A_782 = arith.index_cast %add3A_781 : i32 to index
        %get3A_783 = arith.constant 64 : index
        %get3A_784 = tpu.vector_load %arg6[%get3A_782, %get3A_783] {strides = array<i32>} : memref<128x128xf32, #tpu.memory_space<vmem>>, vector<1x16xf32>,
        %get3A_785 = vector.shape_cast %get3A_784 : vector<1x16xf32> to vector<16xf32>
        %max3A_786 = arith.maximumf %max3A_777, %get3A_785 : vector<16xf32>
        %swap3A_787 = arith.index_cast %scan3A_64 : i32 to index
        %swap3A_788 = arith.constant 64 : index
        %swap3A_789 = tpu.vector_load %arg8[%swap3A_787, %swap3A_788] {strides = array<i32>} : memref<8x128xf32, #tpu.memory_space<vmem>>, vector<1x16xf32>,
        %swap3A_790 = vector.shape_cast %swap3A_789 : vector<1x16xf32> to vector<16xf32>
        %swap3A_791 = vector.shape_cast %max3A_786 : vector<16xf32> to vector<1x16xf32>
        tpu.vector_store %arg8[%swap3A_787, %swap3A_788], %swap3A_791 {strides = array<i32>} : memref<8x128xf32, #tpu.memory_space<vmem>>, vector<1x16xf32>,
        %mul3A_792 = arith.constant 16 : i32
        %mul3A_793 = arith.muli %scan3A_64, %mul3A_792 : i32
        %get3A_794 = arith.index_cast %mul3A_793 : i32 to index
        %get3A_795 = arith.constant 80 : index
        %get3A_796 = tpu.vector_load %arg6[%get3A_794, %get3A_795] {strides = array<i32>} : memref<128x128xf32, #tpu.memory_space<vmem>>, vector<1x16xf32>,
        %get3A_797 = vector.shape_cast %get3A_796 : vector<1x16xf32> to vector<16xf32>
        %mul3A_798 = arith.constant 16 : i32
        %mul3A_799 = arith.muli %scan3A_64, %mul3A_798 : i32
        %add3A_800 = arith.constant 1 : i32
        %add3A_801 = arith.addi %mul3A_799, %add3A_800 : i32
        %get3A_802 = arith.index_cast %add3A_801 : i32 to index
        %get3A_803 = arith.constant 80 : index
        %get3A_804 = tpu.vector_load %arg6[%get3A_802, %get3A_803] {strides = array<i32>} : memref<128x128xf32, #tpu.memory_space<vmem>>, vector<1x16xf32>,
        %get3A_805 = vector.shape_cast %get3A_804 : vector<1x16xf32> to vector<16xf32>
        %max3A_806 = arith.maximumf %get3A_797, %get3A_805 : vector<16xf32>
        %mul3A_807 = arith.constant 16 : i32
        %mul3A_808 = arith.muli %scan3A_64, %mul3A_807 : i32
        %add3A_809 = arith.constant 2 : i32
        %add3A_810 = arith.addi %mul3A_808, %add3A_809 : i32
        %get3A_811 = arith.index_cast %add3A_810 : i32 to index
        %get3A_812 = arith.constant 80 : index
        %get3A_813 = tpu.vector_load %arg6[%get3A_811, %get3A_812] {strides = array<i32>} : memref<128x128xf32, #tpu.memory_space<vmem>>, vector<1x16xf32>,
        %get3A_814 = vector.shape_cast %get3A_813 : vector<1x16xf32> to vector<16xf32>
        %max3A_815 = arith.maximumf %max3A_806, %get3A_814 : vector<16xf32>
        %mul3A_816 = arith.constant 16 : i32
        %mul3A_817 = arith.muli %scan3A_64, %mul3A_816 : i32
        %add3A_818 = arith.constant 3 : i32
        %add3A_819 = arith.addi %mul3A_817, %add3A_818 : i32
        %get3A_820 = arith.index_cast %add3A_819 : i32 to index
        %get3A_821 = arith.constant 80 : index
        %get3A_822 = tpu.vector_load %arg6[%get3A_820, %get3A_821] {strides = array<i32>} : memref<128x128xf32, #tpu.memory_space<vmem>>, vector<1x16xf32>,
        %get3A_823 = vector.shape_cast %get3A_822 : vector<1x16xf32> to vector<16xf32>
        %max3A_824 = arith.maximumf %max3A_815, %get3A_823 : vector<16xf32>
        %mul3A_825 = arith.constant 16 : i32
        %mul3A_826 = arith.muli %scan3A_64, %mul3A_825 : i32
        %add3A_827 = arith.constant 4 : i32
        %add3A_828 = arith.addi %mul3A_826, %add3A_827 : i32
        %get3A_829 = arith.index_cast %add3A_828 : i32 to index
        %get3A_830 = arith.constant 80 : index
        %get3A_831 = tpu.vector_load %arg6[%get3A_829, %get3A_830] {strides = array<i32>} : memref<128x128xf32, #tpu.memory_space<vmem>>, vector<1x16xf32>,
        %get3A_832 = vector.shape_cast %get3A_831 : vector<1x16xf32> to vector<16xf32>
        %max3A_833 = arith.maximumf %max3A_824, %get3A_832 : vector<16xf32>
        %mul3A_834 = arith.constant 16 : i32
        %mul3A_835 = arith.muli %scan3A_64, %mul3A_834 : i32
        %add3A_836 = arith.constant 5 : i32
        %add3A_837 = arith.addi %mul3A_835, %add3A_836 : i32
        %get3A_838 = arith.index_cast %add3A_837 : i32 to index
        %get3A_839 = arith.constant 80 : index
        %get3A_840 = tpu.vector_load %arg6[%get3A_838, %get3A_839] {strides = array<i32>} : memref<128x128xf32, #tpu.memory_space<vmem>>, vector<1x16xf32>,
        %get3A_841 = vector.shape_cast %get3A_840 : vector<1x16xf32> to vector<16xf32>
        %max3A_842 = arith.maximumf %max3A_833, %get3A_841 : vector<16xf32>
        %mul3A_843 = arith.constant 16 : i32
        %mul3A_844 = arith.muli %scan3A_64, %mul3A_843 : i32
        %add3A_845 = arith.constant 6 : i32
        %add3A_846 = arith.addi %mul3A_844, %add3A_845 : i32
        %get3A_847 = arith.index_cast %add3A_846 : i32 to index
        %get3A_848 = arith.constant 80 : index
        %get3A_849 = tpu.vector_load %arg6[%get3A_847, %get3A_848] {strides = array<i32>} : memref<128x128xf32, #tpu.memory_space<vmem>>, vector<1x16xf32>,
        %get3A_850 = vector.shape_cast %get3A_849 : vector<1x16xf32> to vector<16xf32>
        %max3A_851 = arith.maximumf %max3A_842, %get3A_850 : vector<16xf32>
        %mul3A_852 = arith.constant 16 : i32
        %mul3A_853 = arith.muli %scan3A_64, %mul3A_852 : i32
        %add3A_854 = arith.constant 7 : i32
        %add3A_855 = arith.addi %mul3A_853, %add3A_854 : i32
        %get3A_856 = arith.index_cast %add3A_855 : i32 to index
        %get3A_857 = arith.constant 80 : index
        %get3A_858 = tpu.vector_load %arg6[%get3A_856, %get3A_857] {strides = array<i32>} : memref<128x128xf32, #tpu.memory_space<vmem>>, vector<1x16xf32>,
        %get3A_859 = vector.shape_cast %get3A_858 : vector<1x16xf32> to vector<16xf32>
        %max3A_860 = arith.maximumf %max3A_851, %get3A_859 : vector<16xf32>
        %mul3A_861 = arith.constant 16 : i32
        %mul3A_862 = arith.muli %scan3A_64, %mul3A_861 : i32
        %add3A_863 = arith.constant 8 : i32
        %add3A_864 = arith.addi %mul3A_862, %add3A_863 : i32
        %get3A_865 = arith.index_cast %add3A_864 : i32 to index
        %get3A_866 = arith.constant 80 : index
        %get3A_867 = tpu.vector_load %arg6[%get3A_865, %get3A_866] {strides = array<i32>} : memref<128x128xf32, #tpu.memory_space<vmem>>, vector<1x16xf32>,
        %get3A_868 = vector.shape_cast %get3A_867 : vector<1x16xf32> to vector<16xf32>
        %max3A_869 = arith.maximumf %max3A_860, %get3A_868 : vector<16xf32>
        %mul3A_870 = arith.constant 16 : i32
        %mul3A_871 = arith.muli %scan3A_64, %mul3A_870 : i32
        %add3A_872 = arith.constant 9 : i32
        %add3A_873 = arith.addi %mul3A_871, %add3A_872 : i32
        %get3A_874 = arith.index_cast %add3A_873 : i32 to index
        %get3A_875 = arith.constant 80 : index
        %get3A_876 = tpu.vector_load %arg6[%get3A_874, %get3A_875] {strides = array<i32>} : memref<128x128xf32, #tpu.memory_space<vmem>>, vector<1x16xf32>,
        %get3A_877 = vector.shape_cast %get3A_876 : vector<1x16xf32> to vector<16xf32>
        %max3A_878 = arith.maximumf %max3A_869, %get3A_877 : vector<16xf32>
        %mul3A_879 = arith.constant 16 : i32
        %mul3A_880 = arith.muli %scan3A_64, %mul3A_879 : i32
        %add3A_881 = arith.constant 10 : i32
        %add3A_882 = arith.addi %mul3A_880, %add3A_881 : i32
        %get3A_883 = arith.index_cast %add3A_882 : i32 to index
        %get3A_884 = arith.constant 80 : index
        %get3A_885 = tpu.vector_load %arg6[%get3A_883, %get3A_884] {strides = array<i32>} : memref<128x128xf32, #tpu.memory_space<vmem>>, vector<1x16xf32>,
        %get3A_886 = vector.shape_cast %get3A_885 : vector<1x16xf32> to vector<16xf32>
        %max3A_887 = arith.maximumf %max3A_878, %get3A_886 : vector<16xf32>
        %mul3A_888 = arith.constant 16 : i32
        %mul3A_889 = arith.muli %scan3A_64, %mul3A_888 : i32
        %add3A_890 = arith.constant 11 : i32
        %add3A_891 = arith.addi %mul3A_889, %add3A_890 : i32
        %get3A_892 = arith.index_cast %add3A_891 : i32 to index
        %get3A_893 = arith.constant 80 : index
        %get3A_894 = tpu.vector_load %arg6[%get3A_892, %get3A_893] {strides = array<i32>} : memref<128x128xf32, #tpu.memory_space<vmem>>, vector<1x16xf32>,
        %get3A_895 = vector.shape_cast %get3A_894 : vector<1x16xf32> to vector<16xf32>
        %max3A_896 = arith.maximumf %max3A_887, %get3A_895 : vector<16xf32>
        %mul3A_897 = arith.constant 16 : i32
        %mul3A_898 = arith.muli %scan3A_64, %mul3A_897 : i32
        %add3A_899 = arith.constant 12 : i32
        %add3A_900 = arith.addi %mul3A_898, %add3A_899 : i32
        %get3A_901 = arith.index_cast %add3A_900 : i32 to index
        %get3A_902 = arith.constant 80 : index
        %get3A_903 = tpu.vector_load %arg6[%get3A_901, %get3A_902] {strides = array<i32>} : memref<128x128xf32, #tpu.memory_space<vmem>>, vector<1x16xf32>,
        %get3A_904 = vector.shape_cast %get3A_903 : vector<1x16xf32> to vector<16xf32>
        %max3A_905 = arith.maximumf %max3A_896, %get3A_904 : vector<16xf32>
        %mul3A_906 = arith.constant 16 : i32
        %mul3A_907 = arith.muli %scan3A_64, %mul3A_906 : i32
        %add3A_908 = arith.constant 13 : i32
        %add3A_909 = arith.addi %mul3A_907, %add3A_908 : i32
        %get3A_910 = arith.index_cast %add3A_909 : i32 to index
        %get3A_911 = arith.constant 80 : index
        %get3A_912 = tpu.vector_load %arg6[%get3A_910, %get3A_911] {strides = array<i32>} : memref<128x128xf32, #tpu.memory_space<vmem>>, vector<1x16xf32>,
        %get3A_913 = vector.shape_cast %get3A_912 : vector<1x16xf32> to vector<16xf32>
        %max3A_914 = arith.maximumf %max3A_905, %get3A_913 : vector<16xf32>
        %mul3A_915 = arith.constant 16 : i32
        %mul3A_916 = arith.muli %scan3A_64, %mul3A_915 : i32
        %add3A_917 = arith.constant 14 : i32
        %add3A_918 = arith.addi %mul3A_916, %add3A_917 : i32
        %get3A_919 = arith.index_cast %add3A_918 : i32 to index
        %get3A_920 = arith.constant 80 : index
        %get3A_921 = tpu.vector_load %arg6[%get3A_919, %get3A_920] {strides = array<i32>} : memref<128x128xf32, #tpu.memory_space<vmem>>, vector<1x16xf32>,
        %get3A_922 = vector.shape_cast %get3A_921 : vector<1x16xf32> to vector<16xf32>
        %max3A_923 = arith.maximumf %max3A_914, %get3A_922 : vector<16xf32>
        %mul3A_924 = arith.constant 16 : i32
        %mul3A_925 = arith.muli %scan3A_64, %mul3A_924 : i32
        %add3A_926 = arith.constant 15 : i32
        %add3A_927 = arith.addi %mul3A_925, %add3A_926 : i32
        %get3A_928 = arith.index_cast %add3A_927 : i32 to index
        %get3A_929 = arith.constant 80 : index
        %get3A_930 = tpu.vector_load %arg6[%get3A_928, %get3A_929] {strides = array<i32>} : memref<128x128xf32, #tpu.memory_space<vmem>>, vector<1x16xf32>,
        %get3A_931 = vector.shape_cast %get3A_930 : vector<1x16xf32> to vector<16xf32>
        %max3A_932 = arith.maximumf %max3A_923, %get3A_931 : vector<16xf32>
        %swap3A_933 = arith.index_cast %scan3A_64 : i32 to index
        %swap3A_934 = arith.constant 80 : index
        %swap3A_935 = tpu.vector_load %arg8[%swap3A_933, %swap3A_934] {strides = array<i32>} : memref<8x128xf32, #tpu.memory_space<vmem>>, vector<1x16xf32>,
        %swap3A_936 = vector.shape_cast %swap3A_935 : vector<1x16xf32> to vector<16xf32>
        %swap3A_937 = vector.shape_cast %max3A_932 : vector<16xf32> to vector<1x16xf32>
        tpu.vector_store %arg8[%swap3A_933, %swap3A_934], %swap3A_937 {strides = array<i32>} : memref<8x128xf32, #tpu.memory_space<vmem>>, vector<1x16xf32>,
        %mul3A_938 = arith.constant 16 : i32
        %mul3A_939 = arith.muli %scan3A_64, %mul3A_938 : i32
        %get3A_940 = arith.index_cast %mul3A_939 : i32 to index
        %get3A_941 = arith.constant 96 : index
        %get3A_942 = tpu.vector_load %arg6[%get3A_940, %get3A_941] {strides = array<i32>} : memref<128x128xf32, #tpu.memory_space<vmem>>, vector<1x16xf32>,
        %get3A_943 = vector.shape_cast %get3A_942 : vector<1x16xf32> to vector<16xf32>
        %mul3A_944 = arith.constant 16 : i32
        %mul3A_945 = arith.muli %scan3A_64, %mul3A_944 : i32
        %add3A_946 = arith.constant 1 : i32
        %add3A_947 = arith.addi %mul3A_945, %add3A_946 : i32
        %get3A_948 = arith.index_cast %add3A_947 : i32 to index
        %get3A_949 = arith.constant 96 : index
        %get3A_950 = tpu.vector_load %arg6[%get3A_948, %get3A_949] {strides = array<i32>} : memref<128x128xf32, #tpu.memory_space<vmem>>, vector<1x16xf32>,
        %get3A_951 = vector.shape_cast %get3A_950 : vector<1x16xf32> to vector<16xf32>
        %max3A_952 = arith.maximumf %get3A_943, %get3A_951 : vector<16xf32>
        %mul3A_953 = arith.constant 16 : i32
        %mul3A_954 = arith.muli %scan3A_64, %mul3A_953 : i32
        %add3A_955 = arith.constant 2 : i32
        %add3A_956 = arith.addi %mul3A_954, %add3A_955 : i32
        %get3A_957 = arith.index_cast %add3A_956 : i32 to index
        %get3A_958 = arith.constant 96 : index
        %get3A_959 = tpu.vector_load %arg6[%get3A_957, %get3A_958] {strides = array<i32>} : memref<128x128xf32, #tpu.memory_space<vmem>>, vector<1x16xf32>,
        %get3A_960 = vector.shape_cast %get3A_959 : vector<1x16xf32> to vector<16xf32>
        %max3A_961 = arith.maximumf %max3A_952, %get3A_960 : vector<16xf32>
        %mul3A_962 = arith.constant 16 : i32
        %mul3A_963 = arith.muli %scan3A_64, %mul3A_962 : i32
        %add3A_964 = arith.constant 3 : i32
        %add3A_965 = arith.addi %mul3A_963, %add3A_964 : i32
        %get3A_966 = arith.index_cast %add3A_965 : i32 to index
        %get3A_967 = arith.constant 96 : index
        %get3A_968 = tpu.vector_load %arg6[%get3A_966, %get3A_967] {strides = array<i32>} : memref<128x128xf32, #tpu.memory_space<vmem>>, vector<1x16xf32>,
        %get3A_969 = vector.shape_cast %get3A_968 : vector<1x16xf32> to vector<16xf32>
        %max3A_970 = arith.maximumf %max3A_961, %get3A_969 : vector<16xf32>
        %mul3A_971 = arith.constant 16 : i32
        %mul3A_972 = arith.muli %scan3A_64, %mul3A_971 : i32
        %add3A_973 = arith.constant 4 : i32
        %add3A_974 = arith.addi %mul3A_972, %add3A_973 : i32
        %get3A_975 = arith.index_cast %add3A_974 : i32 to index
        %get3A_976 = arith.constant 96 : index
        %get3A_977 = tpu.vector_load %arg6[%get3A_975, %get3A_976] {strides = array<i32>} : memref<128x128xf32, #tpu.memory_space<vmem>>, vector<1x16xf32>,
        %get3A_978 = vector.shape_cast %get3A_977 : vector<1x16xf32> to vector<16xf32>
        %max3A_979 = arith.maximumf %max3A_970, %get3A_978 : vector<16xf32>
        %mul3A_980 = arith.constant 16 : i32
        %mul3A_981 = arith.muli %scan3A_64, %mul3A_980 : i32
        %add3A_982 = arith.constant 5 : i32
        %add3A_983 = arith.addi %mul3A_981, %add3A_982 : i32
        %get3A_984 = arith.index_cast %add3A_983 : i32 to index
        %get3A_985 = arith.constant 96 : index
        %get3A_986 = tpu.vector_load %arg6[%get3A_984, %get3A_985] {strides = array<i32>} : memref<128x128xf32, #tpu.memory_space<vmem>>, vector<1x16xf32>,
        %get3A_987 = vector.shape_cast %get3A_986 : vector<1x16xf32> to vector<16xf32>
        %max3A_988 = arith.maximumf %max3A_979, %get3A_987 : vector<16xf32>
        %mul3A_989 = arith.constant 16 : i32
        %mul3A_990 = arith.muli %scan3A_64, %mul3A_989 : i32
        %add3A_991 = arith.constant 6 : i32
        %add3A_992 = arith.addi %mul3A_990, %add3A_991 : i32
        %get3A_993 = arith.index_cast %add3A_992 : i32 to index
        %get3A_994 = arith.constant 96 : index
        %get3A_995 = tpu.vector_load %arg6[%get3A_993, %get3A_994] {strides = array<i32>} : memref<128x128xf32, #tpu.memory_space<vmem>>, vector<1x16xf32>,
        %get3A_996 = vector.shape_cast %get3A_995 : vector<1x16xf32> to vector<16xf32>
        %max3A_997 = arith.maximumf %max3A_988, %get3A_996 : vector<16xf32>
        %mul3A_998 = arith.constant 16 : i32
        %mul3A_999 = arith.muli %scan3A_64, %mul3A_998 : i32
        %add3A_1000 = arith.constant 7 : i32
        %add3A_1001 = arith.addi %mul3A_999, %add3A_1000 : i32
        %get3A_1002 = arith.index_cast %add3A_1001 : i32 to index
        %get3A_1003 = arith.constant 96 : index
        %get3A_1004 = tpu.vector_load %arg6[%get3A_1002, %get3A_1003] {strides = array<i32>} : memref<128x128xf32, #tpu.memory_space<vmem>>, vector<1x16xf32>,
        %get3A_1005 = vector.shape_cast %get3A_1004 : vector<1x16xf32> to vector<16xf32>
        %max3A_1006 = arith.maximumf %max3A_997, %get3A_1005 : vector<16xf32>
        %mul3A_1007 = arith.constant 16 : i32
        %mul3A_1008 = arith.muli %scan3A_64, %mul3A_1007 : i32
        %add3A_1009 = arith.constant 8 : i32
        %add3A_1010 = arith.addi %mul3A_1008, %add3A_1009 : i32
        %get3A_1011 = arith.index_cast %add3A_1010 : i32 to index
        %get3A_1012 = arith.constant 96 : index
        %get3A_1013 = tpu.vector_load %arg6[%get3A_1011, %get3A_1012] {strides = array<i32>} : memref<128x128xf32, #tpu.memory_space<vmem>>, vector<1x16xf32>,
        %get3A_1014 = vector.shape_cast %get3A_1013 : vector<1x16xf32> to vector<16xf32>
        %max3A_1015 = arith.maximumf %max3A_1006, %get3A_1014 : vector<16xf32>
        %mul3A_1016 = arith.constant 16 : i32
        %mul3A_1017 = arith.muli %scan3A_64, %mul3A_1016 : i32
        %add3A_1018 = arith.constant 9 : i32
        %add3A_1019 = arith.addi %mul3A_1017, %add3A_1018 : i32
        %get3A_1020 = arith.index_cast %add3A_1019 : i32 to index
        %get3A_1021 = arith.constant 96 : index
        %get3A_1022 = tpu.vector_load %arg6[%get3A_1020, %get3A_1021] {strides = array<i32>} : memref<128x128xf32, #tpu.memory_space<vmem>>, vector<1x16xf32>,
        %get3A_1023 = vector.shape_cast %get3A_1022 : vector<1x16xf32> to vector<16xf32>
        %max3A_1024 = arith.maximumf %max3A_1015, %get3A_1023 : vector<16xf32>
        %mul3A_1025 = arith.constant 16 : i32
        %mul3A_1026 = arith.muli %scan3A_64, %mul3A_1025 : i32
        %add3A_1027 = arith.constant 10 : i32
        %add3A_1028 = arith.addi %mul3A_1026, %add3A_1027 : i32
        %get3A_1029 = arith.index_cast %add3A_1028 : i32 to index
        %get3A_1030 = arith.constant 96 : index
        %get3A_1031 = tpu.vector_load %arg6[%get3A_1029, %get3A_1030] {strides = array<i32>} : memref<128x128xf32, #tpu.memory_space<vmem>>, vector<1x16xf32>,
        %get3A_1032 = vector.shape_cast %get3A_1031 : vector<1x16xf32> to vector<16xf32>
        %max3A_1033 = arith.maximumf %max3A_1024, %get3A_1032 : vector<16xf32>
        %mul3A_1034 = arith.constant 16 : i32
        %mul3A_1035 = arith.muli %scan3A_64, %mul3A_1034 : i32
        %add3A_1036 = arith.constant 11 : i32
        %add3A_1037 = arith.addi %mul3A_1035, %add3A_1036 : i32
        %get3A_1038 = arith.index_cast %add3A_1037 : i32 to index
        %get3A_1039 = arith.constant 96 : index
        %get3A_1040 = tpu.vector_load %arg6[%get3A_1038, %get3A_1039] {strides = array<i32>} : memref<128x128xf32, #tpu.memory_space<vmem>>, vector<1x16xf32>,
        %get3A_1041 = vector.shape_cast %get3A_1040 : vector<1x16xf32> to vector<16xf32>
        %max3A_1042 = arith.maximumf %max3A_1033, %get3A_1041 : vector<16xf32>
        %mul3A_1043 = arith.constant 16 : i32
        %mul3A_1044 = arith.muli %scan3A_64, %mul3A_1043 : i32
        %add3A_1045 = arith.constant 12 : i32
        %add3A_1046 = arith.addi %mul3A_1044, %add3A_1045 : i32
        %get3A_1047 = arith.index_cast %add3A_1046 : i32 to index
        %get3A_1048 = arith.constant 96 : index
        %get3A_1049 = tpu.vector_load %arg6[%get3A_1047, %get3A_1048] {strides = array<i32>} : memref<128x128xf32, #tpu.memory_space<vmem>>, vector<1x16xf32>,
        %get3A_1050 = vector.shape_cast %get3A_1049 : vector<1x16xf32> to vector<16xf32>
        %max3A_1051 = arith.maximumf %max3A_1042, %get3A_1050 : vector<16xf32>
        %mul3A_1052 = arith.constant 16 : i32
        %mul3A_1053 = arith.muli %scan3A_64, %mul3A_1052 : i32
        %add3A_1054 = arith.constant 13 : i32
        %add3A_1055 = arith.addi %mul3A_1053, %add3A_1054 : i32
        %get3A_1056 = arith.index_cast %add3A_1055 : i32 to index
        %get3A_1057 = arith.constant 96 : index
        %get3A_1058 = tpu.vector_load %arg6[%get3A_1056, %get3A_1057] {strides = array<i32>} : memref<128x128xf32, #tpu.memory_space<vmem>>, vector<1x16xf32>,
        %get3A_1059 = vector.shape_cast %get3A_1058 : vector<1x16xf32> to vector<16xf32>
        %max3A_1060 = arith.maximumf %max3A_1051, %get3A_1059 : vector<16xf32>
        %mul3A_1061 = arith.constant 16 : i32
        %mul3A_1062 = arith.muli %scan3A_64, %mul3A_1061 : i32
        %add3A_1063 = arith.constant 14 : i32
        %add3A_1064 = arith.addi %mul3A_1062, %add3A_1063 : i32
        %get3A_1065 = arith.index_cast %add3A_1064 : i32 to index
        %get3A_1066 = arith.constant 96 : index
        %get3A_1067 = tpu.vector_load %arg6[%get3A_1065, %get3A_1066] {strides = array<i32>} : memref<128x128xf32, #tpu.memory_space<vmem>>, vector<1x16xf32>,
        %get3A_1068 = vector.shape_cast %get3A_1067 : vector<1x16xf32> to vector<16xf32>
        %max3A_1069 = arith.maximumf %max3A_1060, %get3A_1068 : vector<16xf32>
        %mul3A_1070 = arith.constant 16 : i32
        %mul3A_1071 = arith.muli %scan3A_64, %mul3A_1070 : i32
        %add3A_1072 = arith.constant 15 : i32
        %add3A_1073 = arith.addi %mul3A_1071, %add3A_1072 : i32
        %get3A_1074 = arith.index_cast %add3A_1073 : i32 to index
        %get3A_1075 = arith.constant 96 : index
        %get3A_1076 = tpu.vector_load %arg6[%get3A_1074, %get3A_1075] {strides = array<i32>} : memref<128x128xf32, #tpu.memory_space<vmem>>, vector<1x16xf32>,
        %get3A_1077 = vector.shape_cast %get3A_1076 : vector<1x16xf32> to vector<16xf32>
        %max3A_1078 = arith.maximumf %max3A_1069, %get3A_1077 : vector<16xf32>
        %swap3A_1079 = arith.index_cast %scan3A_64 : i32 to index
        %swap3A_1080 = arith.constant 96 : index
        %swap3A_1081 = tpu.vector_load %arg8[%swap3A_1079, %swap3A_1080] {strides = array<i32>} : memref<8x128xf32, #tpu.memory_space<vmem>>, vector<1x16xf32>,
        %swap3A_1082 = vector.shape_cast %swap3A_1081 : vector<1x16xf32> to vector<16xf32>
        %swap3A_1083 = vector.shape_cast %max3A_1078 : vector<16xf32> to vector<1x16xf32>
        tpu.vector_store %arg8[%swap3A_1079, %swap3A_1080], %swap3A_1083 {strides = array<i32>} : memref<8x128xf32, #tpu.memory_space<vmem>>, vector<1x16xf32>,
        %mul3A_1084 = arith.constant 16 : i32
        %mul3A_1085 = arith.muli %scan3A_64, %mul3A_1084 : i32
        %get3A_1086 = arith.index_cast %mul3A_1085 : i32 to index
        %get3A_1087 = arith.constant 112 : index
        %get3A_1088 = tpu.vector_load %arg6[%get3A_1086, %get3A_1087] {strides = array<i32>} : memref<128x128xf32, #tpu.memory_space<vmem>>, vector<1x16xf32>,
        %get3A_1089 = vector.shape_cast %get3A_1088 : vector<1x16xf32> to vector<16xf32>
        %mul3A_1090 = arith.constant 16 : i32
        %mul3A_1091 = arith.muli %scan3A_64, %mul3A_1090 : i32
        %add3A_1092 = arith.constant 1 : i32
        %add3A_1093 = arith.addi %mul3A_1091, %add3A_1092 : i32
        %get3A_1094 = arith.index_cast %add3A_1093 : i32 to index
        %get3A_1095 = arith.constant 112 : index
        %get3A_1096 = tpu.vector_load %arg6[%get3A_1094, %get3A_1095] {strides = array<i32>} : memref<128x128xf32, #tpu.memory_space<vmem>>, vector<1x16xf32>,
        %get3A_1097 = vector.shape_cast %get3A_1096 : vector<1x16xf32> to vector<16xf32>
        %max3A_1098 = arith.maximumf %get3A_1089, %get3A_1097 : vector<16xf32>
        %mul3A_1099 = arith.constant 16 : i32
        %mul3A_1100 = arith.muli %scan3A_64, %mul3A_1099 : i32
        %add3A_1101 = arith.constant 2 : i32
        %add3A_1102 = arith.addi %mul3A_1100, %add3A_1101 : i32
        %get3A_1103 = arith.index_cast %add3A_1102 : i32 to index
        %get3A_1104 = arith.constant 112 : index
        %get3A_1105 = tpu.vector_load %arg6[%get3A_1103, %get3A_1104] {strides = array<i32>} : memref<128x128xf32, #tpu.memory_space<vmem>>, vector<1x16xf32>,
        %get3A_1106 = vector.shape_cast %get3A_1105 : vector<1x16xf32> to vector<16xf32>
        %max3A_1107 = arith.maximumf %max3A_1098, %get3A_1106 : vector<16xf32>
        %mul3A_1108 = arith.constant 16 : i32
        %mul3A_1109 = arith.muli %scan3A_64, %mul3A_1108 : i32
        %add3A_1110 = arith.constant 3 : i32
        %add3A_1111 = arith.addi %mul3A_1109, %add3A_1110 : i32
        %get3A_1112 = arith.index_cast %add3A_1111 : i32 to index
        %get3A_1113 = arith.constant 112 : index
        %get3A_1114 = tpu.vector_load %arg6[%get3A_1112, %get3A_1113] {strides = array<i32>} : memref<128x128xf32, #tpu.memory_space<vmem>>, vector<1x16xf32>,
        %get3A_1115 = vector.shape_cast %get3A_1114 : vector<1x16xf32> to vector<16xf32>
        %max3A_1116 = arith.maximumf %max3A_1107, %get3A_1115 : vector<16xf32>
        %mul3A_1117 = arith.constant 16 : i32
        %mul3A_1118 = arith.muli %scan3A_64, %mul3A_1117 : i32
        %add3A_1119 = arith.constant 4 : i32
        %add3A_1120 = arith.addi %mul3A_1118, %add3A_1119 : i32
        %get3A_1121 = arith.index_cast %add3A_1120 : i32 to index
        %get3A_1122 = arith.constant 112 : index
        %get3A_1123 = tpu.vector_load %arg6[%get3A_1121, %get3A_1122] {strides = array<i32>} : memref<128x128xf32, #tpu.memory_space<vmem>>, vector<1x16xf32>,
        %get3A_1124 = vector.shape_cast %get3A_1123 : vector<1x16xf32> to vector<16xf32>
        %max3A_1125 = arith.maximumf %max3A_1116, %get3A_1124 : vector<16xf32>
        %mul3A_1126 = arith.constant 16 : i32
        %mul3A_1127 = arith.muli %scan3A_64, %mul3A_1126 : i32
        %add3A_1128 = arith.constant 5 : i32
        %add3A_1129 = arith.addi %mul3A_1127, %add3A_1128 : i32
        %get3A_1130 = arith.index_cast %add3A_1129 : i32 to index
        %get3A_1131 = arith.constant 112 : index
        %get3A_1132 = tpu.vector_load %arg6[%get3A_1130, %get3A_1131] {strides = array<i32>} : memref<128x128xf32, #tpu.memory_space<vmem>>, vector<1x16xf32>,
        %get3A_1133 = vector.shape_cast %get3A_1132 : vector<1x16xf32> to vector<16xf32>
        %max3A_1134 = arith.maximumf %max3A_1125, %get3A_1133 : vector<16xf32>
        %mul3A_1135 = arith.constant 16 : i32
        %mul3A_1136 = arith.muli %scan3A_64, %mul3A_1135 : i32
        %add3A_1137 = arith.constant 6 : i32
        %add3A_1138 = arith.addi %mul3A_1136, %add3A_1137 : i32
        %get3A_1139 = arith.index_cast %add3A_1138 : i32 to index
        %get3A_1140 = arith.constant 112 : index
        %get3A_1141 = tpu.vector_load %arg6[%get3A_1139, %get3A_1140] {strides = array<i32>} : memref<128x128xf32, #tpu.memory_space<vmem>>, vector<1x16xf32>,
        %get3A_1142 = vector.shape_cast %get3A_1141 : vector<1x16xf32> to vector<16xf32>
        %max3A_1143 = arith.maximumf %max3A_1134, %get3A_1142 : vector<16xf32>
        %mul3A_1144 = arith.constant 16 : i32
        %mul3A_1145 = arith.muli %scan3A_64, %mul3A_1144 : i32
        %add3A_1146 = arith.constant 7 : i32
        %add3A_1147 = arith.addi %mul3A_1145, %add3A_1146 : i32
        %get3A_1148 = arith.index_cast %add3A_1147 : i32 to index
        %get3A_1149 = arith.constant 112 : index
        %get3A_1150 = tpu.vector_load %arg6[%get3A_1148, %get3A_1149] {strides = array<i32>} : memref<128x128xf32, #tpu.memory_space<vmem>>, vector<1x16xf32>,
        %get3A_1151 = vector.shape_cast %get3A_1150 : vector<1x16xf32> to vector<16xf32>
        %max3A_1152 = arith.maximumf %max3A_1143, %get3A_1151 : vector<16xf32>
        %mul3A_1153 = arith.constant 16 : i32
        %mul3A_1154 = arith.muli %scan3A_64, %mul3A_1153 : i32
        %add3A_1155 = arith.constant 8 : i32
        %add3A_1156 = arith.addi %mul3A_1154, %add3A_1155 : i32
        %get3A_1157 = arith.index_cast %add3A_1156 : i32 to index
        %get3A_1158 = arith.constant 112 : index
        %get3A_1159 = tpu.vector_load %arg6[%get3A_1157, %get3A_1158] {strides = array<i32>} : memref<128x128xf32, #tpu.memory_space<vmem>>, vector<1x16xf32>,
        %get3A_1160 = vector.shape_cast %get3A_1159 : vector<1x16xf32> to vector<16xf32>
        %max3A_1161 = arith.maximumf %max3A_1152, %get3A_1160 : vector<16xf32>
        %mul3A_1162 = arith.constant 16 : i32
        %mul3A_1163 = arith.muli %scan3A_64, %mul3A_1162 : i32
        %add3A_1164 = arith.constant 9 : i32
        %add3A_1165 = arith.addi %mul3A_1163, %add3A_1164 : i32
        %get3A_1166 = arith.index_cast %add3A_1165 : i32 to index
        %get3A_1167 = arith.constant 112 : index
        %get3A_1168 = tpu.vector_load %arg6[%get3A_1166, %get3A_1167] {strides = array<i32>} : memref<128x128xf32, #tpu.memory_space<vmem>>, vector<1x16xf32>,
        %get3A_1169 = vector.shape_cast %get3A_1168 : vector<1x16xf32> to vector<16xf32>
        %max3A_1170 = arith.maximumf %max3A_1161, %get3A_1169 : vector<16xf32>
        %mul3A_1171 = arith.constant 16 : i32
        %mul3A_1172 = arith.muli %scan3A_64, %mul3A_1171 : i32
        %add3A_1173 = arith.constant 10 : i32
        %add3A_1174 = arith.addi %mul3A_1172, %add3A_1173 : i32
        %get3A_1175 = arith.index_cast %add3A_1174 : i32 to index
        %get3A_1176 = arith.constant 112 : index
        %get3A_1177 = tpu.vector_load %arg6[%get3A_1175, %get3A_1176] {strides = array<i32>} : memref<128x128xf32, #tpu.memory_space<vmem>>, vector<1x16xf32>,
        %get3A_1178 = vector.shape_cast %get3A_1177 : vector<1x16xf32> to vector<16xf32>
        %max3A_1179 = arith.maximumf %max3A_1170, %get3A_1178 : vector<16xf32>
        %mul3A_1180 = arith.constant 16 : i32
        %mul3A_1181 = arith.muli %scan3A_64, %mul3A_1180 : i32
        %add3A_1182 = arith.constant 11 : i32
        %add3A_1183 = arith.addi %mul3A_1181, %add3A_1182 : i32
        %get3A_1184 = arith.index_cast %add3A_1183 : i32 to index
        %get3A_1185 = arith.constant 112 : index
        %get3A_1186 = tpu.vector_load %arg6[%get3A_1184, %get3A_1185] {strides = array<i32>} : memref<128x128xf32, #tpu.memory_space<vmem>>, vector<1x16xf32>,
        %get3A_1187 = vector.shape_cast %get3A_1186 : vector<1x16xf32> to vector<16xf32>
        %max3A_1188 = arith.maximumf %max3A_1179, %get3A_1187 : vector<16xf32>
        %mul3A_1189 = arith.constant 16 : i32
        %mul3A_1190 = arith.muli %scan3A_64, %mul3A_1189 : i32
        %add3A_1191 = arith.constant 12 : i32
        %add3A_1192 = arith.addi %mul3A_1190, %add3A_1191 : i32
        %get3A_1193 = arith.index_cast %add3A_1192 : i32 to index
        %get3A_1194 = arith.constant 112 : index
        %get3A_1195 = tpu.vector_load %arg6[%get3A_1193, %get3A_1194] {strides = array<i32>} : memref<128x128xf32, #tpu.memory_space<vmem>>, vector<1x16xf32>,
        %get3A_1196 = vector.shape_cast %get3A_1195 : vector<1x16xf32> to vector<16xf32>
        %max3A_1197 = arith.maximumf %max3A_1188, %get3A_1196 : vector<16xf32>
        %mul3A_1198 = arith.constant 16 : i32
        %mul3A_1199 = arith.muli %scan3A_64, %mul3A_1198 : i32
        %add3A_1200 = arith.constant 13 : i32
        %add3A_1201 = arith.addi %mul3A_1199, %add3A_1200 : i32
        %get3A_1202 = arith.index_cast %add3A_1201 : i32 to index
        %get3A_1203 = arith.constant 112 : index
        %get3A_1204 = tpu.vector_load %arg6[%get3A_1202, %get3A_1203] {strides = array<i32>} : memref<128x128xf32, #tpu.memory_space<vmem>>, vector<1x16xf32>,
        %get3A_1205 = vector.shape_cast %get3A_1204 : vector<1x16xf32> to vector<16xf32>
        %max3A_1206 = arith.maximumf %max3A_1197, %get3A_1205 : vector<16xf32>
        %mul3A_1207 = arith.constant 16 : i32
        %mul3A_1208 = arith.muli %scan3A_64, %mul3A_1207 : i32
        %add3A_1209 = arith.constant 14 : i32
        %add3A_1210 = arith.addi %mul3A_1208, %add3A_1209 : i32
        %get3A_1211 = arith.index_cast %add3A_1210 : i32 to index
        %get3A_1212 = arith.constant 112 : index
        %get3A_1213 = tpu.vector_load %arg6[%get3A_1211, %get3A_1212] {strides = array<i32>} : memref<128x128xf32, #tpu.memory_space<vmem>>, vector<1x16xf32>,
        %get3A_1214 = vector.shape_cast %get3A_1213 : vector<1x16xf32> to vector<16xf32>
        %max3A_1215 = arith.maximumf %max3A_1206, %get3A_1214 : vector<16xf32>
        %mul3A_1216 = arith.constant 16 : i32
        %mul3A_1217 = arith.muli %scan3A_64, %mul3A_1216 : i32
        %add3A_1218 = arith.constant 15 : i32
        %add3A_1219 = arith.addi %mul3A_1217, %add3A_1218 : i32
        %get3A_1220 = arith.index_cast %add3A_1219 : i32 to index
        %get3A_1221 = arith.constant 112 : index
        %get3A_1222 = tpu.vector_load %arg6[%get3A_1220, %get3A_1221] {strides = array<i32>} : memref<128x128xf32, #tpu.memory_space<vmem>>, vector<1x16xf32>,
        %get3A_1223 = vector.shape_cast %get3A_1222 : vector<1x16xf32> to vector<16xf32>
        %max3A_1224 = arith.maximumf %max3A_1215, %get3A_1223 : vector<16xf32>
        %swap3A_1225 = arith.index_cast %scan3A_64 : i32 to index
        %swap3A_1226 = arith.constant 112 : index
        %swap3A_1227 = tpu.vector_load %arg8[%swap3A_1225, %swap3A_1226] {strides = array<i32>} : memref<8x128xf32, #tpu.memory_space<vmem>>, vector<1x16xf32>,
        %swap3A_1228 = vector.shape_cast %swap3A_1227 : vector<1x16xf32> to vector<16xf32>
        %swap3A_1229 = vector.shape_cast %max3A_1224 : vector<16xf32> to vector<1x16xf32>
        tpu.vector_store %arg8[%swap3A_1225, %swap3A_1226], %swap3A_1229 {strides = array<i32>} : memref<8x128xf32, #tpu.memory_space<vmem>>, vector<1x16xf32>,
      }
      %scan3A_37 = arith.constant 8 : i32
      %mul3A_38 = arith.constant 8 : i32
      %mul3A_39 = arith.muli %mul3A_31, %mul3A_38 : i32
      %add3A_40 = arith.addi %mul3A_2, %mul3A_39 : i32
      "tpu.region"() ({
        %run_scoped3A = tpu.sem_alloc : memref<!tpu.dma_semaphore, #tpu.memory_space<semaphore_mem>>
        %dma_start3A_64 = arith.constant 0 : i32
        %dma_start3A_65 = tpu.memref_slice %arg4[%add3A_40, %dma_start3A_64] : memref<8192x128xf32, #tpu.memory_space<hbm>> -> memref<8x128xf32, #tpu.memory_space<hbm>>
        %dma_start3A_66 = arith.constant 0 : i32
        %dma_start3A_67 = tpu.memref_slice %arg4[%add3A_40, %dma_start3A_66] : memref<8192x128xf32, #tpu.memory_space<hbm>> -> memref<8x128xf32, #tpu.memory_space<hbm>>
        tpu.enqueue_dma source(%arg8 : memref<8x128xf32, #tpu.memory_space<vmem>>) target(%dma_start3A_67 : memref<8x128xf32, #tpu.memory_space<hbm>>) target_semaphore(%run_scoped3A : memref<!tpu.dma_semaphore, #tpu.memory_space<semaphore_mem>>)
        %dma_wait3A_68 = arith.constant 0 : i32
        %dma_wait3A_69 = tpu.memref_slice %arg4[%add3A_40, %dma_wait3A_68] : memref<8192x128xf32, #tpu.memory_space<hbm>> -> memref<8x128xf32, #tpu.memory_space<hbm>>
        %dma_wait3A_70 = arith.constant 0 : i32
        %dma_wait3A_71 = tpu.memref_slice %arg4[%add3A_40, %dma_wait3A_70] : memref<8192x128xf32, #tpu.memory_space<hbm>> -> memref<8x128xf32, #tpu.memory_space<hbm>>
        tpu.wait_dma2 semaphore(%run_scoped3A : memref<!tpu.dma_semaphore, #tpu.memory_space<semaphore_mem>>) src(%arg8 : memref<8x128xf32, #tpu.memory_space<vmem>>) dst(%dma_wait3A_71 : memref<8x128xf32, #tpu.memory_space<hbm>>)
        tpu.yield
      }) : () -> ()
      %add3A_41 = arith.constant 1 : i32
      %add3A_42 = arith.addi %scan3A_14, %add3A_41 : i32
      %lt3A = arith.constant 16 : i32
      %lt3A_43 = arith.cmpi slt, %add3A_42, %lt3A : i32
      %convert_element_type3A = arith.extui %lt3A_43 : i1 to i32
      %cond3A = arith.constant 0 : i32
      %cond3A_44 = arith.cmpi ne, %convert_element_type3A, %cond3A : i32
      scf.if %cond3A_44 {
        %mul3A_64 = arith.constant 2 : i32
        %mul3A_65 = arith.muli %mul3A_64, %scan3A_14 : i32
        %add3A_66 = arith.constant 2 : i32
        %add3A_67 = arith.addi %mul3A_65, %add3A_66 : i32
        %mul3A_68 = arith.constant 128 : i32
        %mul3A_69 = arith.muli %add3A_67, %mul3A_68 : i32
        %dma_start3A_70 = tpu.memref_slice %arg5[%mul3A_69] : memref<4096xi32, #tpu.memory_space<vmem>> -> memref<128xi32, #tpu.memory_space<vmem>>
        %dma_start3A_71 = arith.constant 0 : i32
        %dma_start3A_72 = arith.constant 0 : i32
        %dma_start3A_73 = tpu.memref_slice %arg2[%dma_start3A_71, %dma_start3A_72] : memref<8192x128xf32, #tpu.memory_space<hbm>> -> memref<8192x128xf32, #tpu.memory_space<hbm>>
        tpu.enqueue_indirect_dma source(%dma_start3A_73 : memref<8192x128xf32, #tpu.memory_space<hbm>>) target(%arg6 : memref<128x128xf32, #tpu.memory_space<vmem>>) offsets(%dma_start3A_70 : memref<128xi32, #tpu.memory_space<vmem>>) semaphore(%arg10 : memref<!tpu.dma_semaphore, #tpu.memory_space<semaphore_mem>>)
      } else {
      }
      %dma_wait3A_45 = arith.constant 0 : i32
      %dma_wait3A_46 = arith.constant 0 : i32
      %dma_wait3A_47 = tpu.memref_slice %arg2[%dma_wait3A_45, %dma_wait3A_46] : memref<8192x128xf32, #tpu.memory_space<hbm>> -> memref<128x128xf32, #tpu.memory_space<hbm>>
      %dma_wait3A_48 = arith.constant 0 : i32
      %dma_wait3A_49 = arith.constant 0 : i32
      %dma_wait3A_50 = tpu.memref_slice %arg2[%dma_wait3A_48, %dma_wait3A_49] : memref<8192x128xf32, #tpu.memory_space<hbm>> -> memref<128x128xf32, #tpu.memory_space<hbm>>
      tpu.wait_dma2 semaphore(%arg11 : memref<!tpu.dma_semaphore, #tpu.memory_space<semaphore_mem>>) src(%dma_wait3A_50 : memref<128x128xf32, #tpu.memory_space<hbm>>) dst(%arg7 : memref<128x128xf32, #tpu.memory_space<vmem>>)
      %mul3A_51 = arith.constant 2 : i32
      %mul3A_52 = arith.muli %mul3A_51, %scan3A_14 : i32
      %add3A_53 = arith.constant 1 : i32
      %add3A_54 = arith.addi %mul3A_52, %add3A_53 : i32
      %scan3A_55 = arith.constant 0 : i32
      %scan3A_56 = arith.constant 0 : i32
      %scan3A_57 = arith.constant 8 : i32
      %scan3A_58 = arith.addi %scan3A_56, %scan3A_57 : i32
      %scan3A_59 = arith.constant 1 : i32
      scf.for %scan3A_64 = %scan3A_56 to %scan3A_58 step %scan3A_59  : i32 {
        %mul3A_65 = arith.constant 16 : i32
        %mul3A_66 = arith.muli %scan3A_64, %mul3A_65 : i32
        %get3A = arith.index_cast %mul3A_66 : i32 to index
        %get3A_67 = arith.constant 0 : index
        %get3A_68 = tpu.vector_load %arg7[%get3A, %get3A_67] {strides = array<i32>} : memref<128x128xf32, #tpu.memory_space<vmem>>, vector<1x16xf32>,
        %get3A_69 = vector.shape_cast %get3A_68 : vector<1x16xf32> to vector<16xf32>
        %mul3A_70 = arith.constant 16 : i32
        %mul3A_71 = arith.muli %scan3A_64, %mul3A_70 : i32
        %add3A_72 = arith.constant 1 : i32
        %add3A_73 = arith.addi %mul3A_71, %add3A_72 : i32
        %get3A_74 = arith.index_cast %add3A_73 : i32 to index
        %get3A_75 = arith.constant 0 : index
        %get3A_76 = tpu.vector_load %arg7[%get3A_74, %get3A_75] {strides = array<i32>} : memref<128x128xf32, #tpu.memory_space<vmem>>, vector<1x16xf32>,
        %get3A_77 = vector.shape_cast %get3A_76 : vector<1x16xf32> to vector<16xf32>
        %max3A = arith.maximumf %get3A_69, %get3A_77 : vector<16xf32>
        %mul3A_78 = arith.constant 16 : i32
        %mul3A_79 = arith.muli %scan3A_64, %mul3A_78 : i32
        %add3A_80 = arith.constant 2 : i32
        %add3A_81 = arith.addi %mul3A_79, %add3A_80 : i32
        %get3A_82 = arith.index_cast %add3A_81 : i32 to index
        %get3A_83 = arith.constant 0 : index
        %get3A_84 = tpu.vector_load %arg7[%get3A_82, %get3A_83] {strides = array<i32>} : memref<128x128xf32, #tpu.memory_space<vmem>>, vector<1x16xf32>,
        %get3A_85 = vector.shape_cast %get3A_84 : vector<1x16xf32> to vector<16xf32>
        %max3A_86 = arith.maximumf %max3A, %get3A_85 : vector<16xf32>
        %mul3A_87 = arith.constant 16 : i32
        %mul3A_88 = arith.muli %scan3A_64, %mul3A_87 : i32
        %add3A_89 = arith.constant 3 : i32
        %add3A_90 = arith.addi %mul3A_88, %add3A_89 : i32
        %get3A_91 = arith.index_cast %add3A_90 : i32 to index
        %get3A_92 = arith.constant 0 : index
        %get3A_93 = tpu.vector_load %arg7[%get3A_91, %get3A_92] {strides = array<i32>} : memref<128x128xf32, #tpu.memory_space<vmem>>, vector<1x16xf32>,
        %get3A_94 = vector.shape_cast %get3A_93 : vector<1x16xf32> to vector<16xf32>
        %max3A_95 = arith.maximumf %max3A_86, %get3A_94 : vector<16xf32>
        %mul3A_96 = arith.constant 16 : i32
        %mul3A_97 = arith.muli %scan3A_64, %mul3A_96 : i32
        %add3A_98 = arith.constant 4 : i32
        %add3A_99 = arith.addi %mul3A_97, %add3A_98 : i32
        %get3A_100 = arith.index_cast %add3A_99 : i32 to index
        %get3A_101 = arith.constant 0 : index
        %get3A_102 = tpu.vector_load %arg7[%get3A_100, %get3A_101] {strides = array<i32>} : memref<128x128xf32, #tpu.memory_space<vmem>>, vector<1x16xf32>,
        %get3A_103 = vector.shape_cast %get3A_102 : vector<1x16xf32> to vector<16xf32>
        %max3A_104 = arith.maximumf %max3A_95, %get3A_103 : vector<16xf32>
        %mul3A_105 = arith.constant 16 : i32
        %mul3A_106 = arith.muli %scan3A_64, %mul3A_105 : i32
        %add3A_107 = arith.constant 5 : i32
        %add3A_108 = arith.addi %mul3A_106, %add3A_107 : i32
        %get3A_109 = arith.index_cast %add3A_108 : i32 to index
        %get3A_110 = arith.constant 0 : index
        %get3A_111 = tpu.vector_load %arg7[%get3A_109, %get3A_110] {strides = array<i32>} : memref<128x128xf32, #tpu.memory_space<vmem>>, vector<1x16xf32>,
        %get3A_112 = vector.shape_cast %get3A_111 : vector<1x16xf32> to vector<16xf32>
        %max3A_113 = arith.maximumf %max3A_104, %get3A_112 : vector<16xf32>
        %mul3A_114 = arith.constant 16 : i32
        %mul3A_115 = arith.muli %scan3A_64, %mul3A_114 : i32
        %add3A_116 = arith.constant 6 : i32
        %add3A_117 = arith.addi %mul3A_115, %add3A_116 : i32
        %get3A_118 = arith.index_cast %add3A_117 : i32 to index
        %get3A_119 = arith.constant 0 : index
        %get3A_120 = tpu.vector_load %arg7[%get3A_118, %get3A_119] {strides = array<i32>} : memref<128x128xf32, #tpu.memory_space<vmem>>, vector<1x16xf32>,
        %get3A_121 = vector.shape_cast %get3A_120 : vector<1x16xf32> to vector<16xf32>
        %max3A_122 = arith.maximumf %max3A_113, %get3A_121 : vector<16xf32>
        %mul3A_123 = arith.constant 16 : i32
        %mul3A_124 = arith.muli %scan3A_64, %mul3A_123 : i32
        %add3A_125 = arith.constant 7 : i32
        %add3A_126 = arith.addi %mul3A_124, %add3A_125 : i32
        %get3A_127 = arith.index_cast %add3A_126 : i32 to index
        %get3A_128 = arith.constant 0 : index
        %get3A_129 = tpu.vector_load %arg7[%get3A_127, %get3A_128] {strides = array<i32>} : memref<128x128xf32, #tpu.memory_space<vmem>>, vector<1x16xf32>,
        %get3A_130 = vector.shape_cast %get3A_129 : vector<1x16xf32> to vector<16xf32>
        %max3A_131 = arith.maximumf %max3A_122, %get3A_130 : vector<16xf32>
        %mul3A_132 = arith.constant 16 : i32
        %mul3A_133 = arith.muli %scan3A_64, %mul3A_132 : i32
        %add3A_134 = arith.constant 8 : i32
        %add3A_135 = arith.addi %mul3A_133, %add3A_134 : i32
        %get3A_136 = arith.index_cast %add3A_135 : i32 to index
        %get3A_137 = arith.constant 0 : index
        %get3A_138 = tpu.vector_load %arg7[%get3A_136, %get3A_137] {strides = array<i32>} : memref<128x128xf32, #tpu.memory_space<vmem>>, vector<1x16xf32>,
        %get3A_139 = vector.shape_cast %get3A_138 : vector<1x16xf32> to vector<16xf32>
        %max3A_140 = arith.maximumf %max3A_131, %get3A_139 : vector<16xf32>
        %mul3A_141 = arith.constant 16 : i32
        %mul3A_142 = arith.muli %scan3A_64, %mul3A_141 : i32
        %add3A_143 = arith.constant 9 : i32
        %add3A_144 = arith.addi %mul3A_142, %add3A_143 : i32
        %get3A_145 = arith.index_cast %add3A_144 : i32 to index
        %get3A_146 = arith.constant 0 : index
        %get3A_147 = tpu.vector_load %arg7[%get3A_145, %get3A_146] {strides = array<i32>} : memref<128x128xf32, #tpu.memory_space<vmem>>, vector<1x16xf32>,
        %get3A_148 = vector.shape_cast %get3A_147 : vector<1x16xf32> to vector<16xf32>
        %max3A_149 = arith.maximumf %max3A_140, %get3A_148 : vector<16xf32>
        %mul3A_150 = arith.constant 16 : i32
        %mul3A_151 = arith.muli %scan3A_64, %mul3A_150 : i32
        %add3A_152 = arith.constant 10 : i32
        %add3A_153 = arith.addi %mul3A_151, %add3A_152 : i32
        %get3A_154 = arith.index_cast %add3A_153 : i32 to index
        %get3A_155 = arith.constant 0 : index
        %get3A_156 = tpu.vector_load %arg7[%get3A_154, %get3A_155] {strides = array<i32>} : memref<128x128xf32, #tpu.memory_space<vmem>>, vector<1x16xf32>,
        %get3A_157 = vector.shape_cast %get3A_156 : vector<1x16xf32> to vector<16xf32>
        %max3A_158 = arith.maximumf %max3A_149, %get3A_157 : vector<16xf32>
        %mul3A_159 = arith.constant 16 : i32
        %mul3A_160 = arith.muli %scan3A_64, %mul3A_159 : i32
        %add3A_161 = arith.constant 11 : i32
        %add3A_162 = arith.addi %mul3A_160, %add3A_161 : i32
        %get3A_163 = arith.index_cast %add3A_162 : i32 to index
        %get3A_164 = arith.constant 0 : index
        %get3A_165 = tpu.vector_load %arg7[%get3A_163, %get3A_164] {strides = array<i32>} : memref<128x128xf32, #tpu.memory_space<vmem>>, vector<1x16xf32>,
        %get3A_166 = vector.shape_cast %get3A_165 : vector<1x16xf32> to vector<16xf32>
        %max3A_167 = arith.maximumf %max3A_158, %get3A_166 : vector<16xf32>
        %mul3A_168 = arith.constant 16 : i32
        %mul3A_169 = arith.muli %scan3A_64, %mul3A_168 : i32
        %add3A_170 = arith.constant 12 : i32
        %add3A_171 = arith.addi %mul3A_169, %add3A_170 : i32
        %get3A_172 = arith.index_cast %add3A_171 : i32 to index
        %get3A_173 = arith.constant 0 : index
        %get3A_174 = tpu.vector_load %arg7[%get3A_172, %get3A_173] {strides = array<i32>} : memref<128x128xf32, #tpu.memory_space<vmem>>, vector<1x16xf32>,
        %get3A_175 = vector.shape_cast %get3A_174 : vector<1x16xf32> to vector<16xf32>
        %max3A_176 = arith.maximumf %max3A_167, %get3A_175 : vector<16xf32>
        %mul3A_177 = arith.constant 16 : i32
        %mul3A_178 = arith.muli %scan3A_64, %mul3A_177 : i32
        %add3A_179 = arith.constant 13 : i32
        %add3A_180 = arith.addi %mul3A_178, %add3A_179 : i32
        %get3A_181 = arith.index_cast %add3A_180 : i32 to index
        %get3A_182 = arith.constant 0 : index
        %get3A_183 = tpu.vector_load %arg7[%get3A_181, %get3A_182] {strides = array<i32>} : memref<128x128xf32, #tpu.memory_space<vmem>>, vector<1x16xf32>,
        %get3A_184 = vector.shape_cast %get3A_183 : vector<1x16xf32> to vector<16xf32>
        %max3A_185 = arith.maximumf %max3A_176, %get3A_184 : vector<16xf32>
        %mul3A_186 = arith.constant 16 : i32
        %mul3A_187 = arith.muli %scan3A_64, %mul3A_186 : i32
        %add3A_188 = arith.constant 14 : i32
        %add3A_189 = arith.addi %mul3A_187, %add3A_188 : i32
        %get3A_190 = arith.index_cast %add3A_189 : i32 to index
        %get3A_191 = arith.constant 0 : index
        %get3A_192 = tpu.vector_load %arg7[%get3A_190, %get3A_191] {strides = array<i32>} : memref<128x128xf32, #tpu.memory_space<vmem>>, vector<1x16xf32>,
        %get3A_193 = vector.shape_cast %get3A_192 : vector<1x16xf32> to vector<16xf32>
        %max3A_194 = arith.maximumf %max3A_185, %get3A_193 : vector<16xf32>
        %mul3A_195 = arith.constant 16 : i32
        %mul3A_196 = arith.muli %scan3A_64, %mul3A_195 : i32
        %add3A_197 = arith.constant 15 : i32
        %add3A_198 = arith.addi %mul3A_196, %add3A_197 : i32
        %get3A_199 = arith.index_cast %add3A_198 : i32 to index
        %get3A_200 = arith.constant 0 : index
        %get3A_201 = tpu.vector_load %arg7[%get3A_199, %get3A_200] {strides = array<i32>} : memref<128x128xf32, #tpu.memory_space<vmem>>, vector<1x16xf32>,
        %get3A_202 = vector.shape_cast %get3A_201 : vector<1x16xf32> to vector<16xf32>
        %max3A_203 = arith.maximumf %max3A_194, %get3A_202 : vector<16xf32>
        %swap3A = arith.index_cast %scan3A_64 : i32 to index
        %swap3A_204 = arith.constant 0 : index
        %swap3A_205 = tpu.vector_load %arg9[%swap3A, %swap3A_204] {strides = array<i32>} : memref<8x128xf32, #tpu.memory_space<vmem>>, vector<1x16xf32>,
        %swap3A_206 = vector.shape_cast %swap3A_205 : vector<1x16xf32> to vector<16xf32>
        %swap3A_207 = vector.shape_cast %max3A_203 : vector<16xf32> to vector<1x16xf32>
        tpu.vector_store %arg9[%swap3A, %swap3A_204], %swap3A_207 {strides = array<i32>} : memref<8x128xf32, #tpu.memory_space<vmem>>, vector<1x16xf32>,
        %mul3A_208 = arith.constant 16 : i32
        %mul3A_209 = arith.muli %scan3A_64, %mul3A_208 : i32
        %get3A_210 = arith.index_cast %mul3A_209 : i32 to index
        %get3A_211 = arith.constant 16 : index
        %get3A_212 = tpu.vector_load %arg7[%get3A_210, %get3A_211] {strides = array<i32>} : memref<128x128xf32, #tpu.memory_space<vmem>>, vector<1x16xf32>,
        %get3A_213 = vector.shape_cast %get3A_212 : vector<1x16xf32> to vector<16xf32>
        %mul3A_214 = arith.constant 16 : i32
        %mul3A_215 = arith.muli %scan3A_64, %mul3A_214 : i32
        %add3A_216 = arith.constant 1 : i32
        %add3A_217 = arith.addi %mul3A_215, %add3A_216 : i32
        %get3A_218 = arith.index_cast %add3A_217 : i32 to index
        %get3A_219 = arith.constant 16 : index
        %get3A_220 = tpu.vector_load %arg7[%get3A_218, %get3A_219] {strides = array<i32>} : memref<128x128xf32, #tpu.memory_space<vmem>>, vector<1x16xf32>,
        %get3A_221 = vector.shape_cast %get3A_220 : vector<1x16xf32> to vector<16xf32>
        %max3A_222 = arith.maximumf %get3A_213, %get3A_221 : vector<16xf32>
        %mul3A_223 = arith.constant 16 : i32
        %mul3A_224 = arith.muli %scan3A_64, %mul3A_223 : i32
        %add3A_225 = arith.constant 2 : i32
        %add3A_226 = arith.addi %mul3A_224, %add3A_225 : i32
        %get3A_227 = arith.index_cast %add3A_226 : i32 to index
        %get3A_228 = arith.constant 16 : index
        %get3A_229 = tpu.vector_load %arg7[%get3A_227, %get3A_228] {strides = array<i32>} : memref<128x128xf32, #tpu.memory_space<vmem>>, vector<1x16xf32>,
        %get3A_230 = vector.shape_cast %get3A_229 : vector<1x16xf32> to vector<16xf32>
        %max3A_231 = arith.maximumf %max3A_222, %get3A_230 : vector<16xf32>
        %mul3A_232 = arith.constant 16 : i32
        %mul3A_233 = arith.muli %scan3A_64, %mul3A_232 : i32
        %add3A_234 = arith.constant 3 : i32
        %add3A_235 = arith.addi %mul3A_233, %add3A_234 : i32
        %get3A_236 = arith.index_cast %add3A_235 : i32 to index
        %get3A_237 = arith.constant 16 : index
        %get3A_238 = tpu.vector_load %arg7[%get3A_236, %get3A_237] {strides = array<i32>} : memref<128x128xf32, #tpu.memory_space<vmem>>, vector<1x16xf32>,
        %get3A_239 = vector.shape_cast %get3A_238 : vector<1x16xf32> to vector<16xf32>
        %max3A_240 = arith.maximumf %max3A_231, %get3A_239 : vector<16xf32>
        %mul3A_241 = arith.constant 16 : i32
        %mul3A_242 = arith.muli %scan3A_64, %mul3A_241 : i32
        %add3A_243 = arith.constant 4 : i32
        %add3A_244 = arith.addi %mul3A_242, %add3A_243 : i32
        %get3A_245 = arith.index_cast %add3A_244 : i32 to index
        %get3A_246 = arith.constant 16 : index
        %get3A_247 = tpu.vector_load %arg7[%get3A_245, %get3A_246] {strides = array<i32>} : memref<128x128xf32, #tpu.memory_space<vmem>>, vector<1x16xf32>,
        %get3A_248 = vector.shape_cast %get3A_247 : vector<1x16xf32> to vector<16xf32>
        %max3A_249 = arith.maximumf %max3A_240, %get3A_248 : vector<16xf32>
        %mul3A_250 = arith.constant 16 : i32
        %mul3A_251 = arith.muli %scan3A_64, %mul3A_250 : i32
        %add3A_252 = arith.constant 5 : i32
        %add3A_253 = arith.addi %mul3A_251, %add3A_252 : i32
        %get3A_254 = arith.index_cast %add3A_253 : i32 to index
        %get3A_255 = arith.constant 16 : index
        %get3A_256 = tpu.vector_load %arg7[%get3A_254, %get3A_255] {strides = array<i32>} : memref<128x128xf32, #tpu.memory_space<vmem>>, vector<1x16xf32>,
        %get3A_257 = vector.shape_cast %get3A_256 : vector<1x16xf32> to vector<16xf32>
        %max3A_258 = arith.maximumf %max3A_249, %get3A_257 : vector<16xf32>
        %mul3A_259 = arith.constant 16 : i32
        %mul3A_260 = arith.muli %scan3A_64, %mul3A_259 : i32
        %add3A_261 = arith.constant 6 : i32
        %add3A_262 = arith.addi %mul3A_260, %add3A_261 : i32
        %get3A_263 = arith.index_cast %add3A_262 : i32 to index
        %get3A_264 = arith.constant 16 : index
        %get3A_265 = tpu.vector_load %arg7[%get3A_263, %get3A_264] {strides = array<i32>} : memref<128x128xf32, #tpu.memory_space<vmem>>, vector<1x16xf32>,
        %get3A_266 = vector.shape_cast %get3A_265 : vector<1x16xf32> to vector<16xf32>
        %max3A_267 = arith.maximumf %max3A_258, %get3A_266 : vector<16xf32>
        %mul3A_268 = arith.constant 16 : i32
        %mul3A_269 = arith.muli %scan3A_64, %mul3A_268 : i32
        %add3A_270 = arith.constant 7 : i32
        %add3A_271 = arith.addi %mul3A_269, %add3A_270 : i32
        %get3A_272 = arith.index_cast %add3A_271 : i32 to index
        %get3A_273 = arith.constant 16 : index
        %get3A_274 = tpu.vector_load %arg7[%get3A_272, %get3A_273] {strides = array<i32>} : memref<128x128xf32, #tpu.memory_space<vmem>>, vector<1x16xf32>,
        %get3A_275 = vector.shape_cast %get3A_274 : vector<1x16xf32> to vector<16xf32>
        %max3A_276 = arith.maximumf %max3A_267, %get3A_275 : vector<16xf32>
        %mul3A_277 = arith.constant 16 : i32
        %mul3A_278 = arith.muli %scan3A_64, %mul3A_277 : i32
        %add3A_279 = arith.constant 8 : i32
        %add3A_280 = arith.addi %mul3A_278, %add3A_279 : i32
        %get3A_281 = arith.index_cast %add3A_280 : i32 to index
        %get3A_282 = arith.constant 16 : index
        %get3A_283 = tpu.vector_load %arg7[%get3A_281, %get3A_282] {strides = array<i32>} : memref<128x128xf32, #tpu.memory_space<vmem>>, vector<1x16xf32>,
        %get3A_284 = vector.shape_cast %get3A_283 : vector<1x16xf32> to vector<16xf32>
        %max3A_285 = arith.maximumf %max3A_276, %get3A_284 : vector<16xf32>
        %mul3A_286 = arith.constant 16 : i32
        %mul3A_287 = arith.muli %scan3A_64, %mul3A_286 : i32
        %add3A_288 = arith.constant 9 : i32
        %add3A_289 = arith.addi %mul3A_287, %add3A_288 : i32
        %get3A_290 = arith.index_cast %add3A_289 : i32 to index
        %get3A_291 = arith.constant 16 : index
        %get3A_292 = tpu.vector_load %arg7[%get3A_290, %get3A_291] {strides = array<i32>} : memref<128x128xf32, #tpu.memory_space<vmem>>, vector<1x16xf32>,
        %get3A_293 = vector.shape_cast %get3A_292 : vector<1x16xf32> to vector<16xf32>
        %max3A_294 = arith.maximumf %max3A_285, %get3A_293 : vector<16xf32>
        %mul3A_295 = arith.constant 16 : i32
        %mul3A_296 = arith.muli %scan3A_64, %mul3A_295 : i32
        %add3A_297 = arith.constant 10 : i32
        %add3A_298 = arith.addi %mul3A_296, %add3A_297 : i32
        %get3A_299 = arith.index_cast %add3A_298 : i32 to index
        %get3A_300 = arith.constant 16 : index
        %get3A_301 = tpu.vector_load %arg7[%get3A_299, %get3A_300] {strides = array<i32>} : memref<128x128xf32, #tpu.memory_space<vmem>>, vector<1x16xf32>,
        %get3A_302 = vector.shape_cast %get3A_301 : vector<1x16xf32> to vector<16xf32>
        %max3A_303 = arith.maximumf %max3A_294, %get3A_302 : vector<16xf32>
        %mul3A_304 = arith.constant 16 : i32
        %mul3A_305 = arith.muli %scan3A_64, %mul3A_304 : i32
        %add3A_306 = arith.constant 11 : i32
        %add3A_307 = arith.addi %mul3A_305, %add3A_306 : i32
        %get3A_308 = arith.index_cast %add3A_307 : i32 to index
        %get3A_309 = arith.constant 16 : index
        %get3A_310 = tpu.vector_load %arg7[%get3A_308, %get3A_309] {strides = array<i32>} : memref<128x128xf32, #tpu.memory_space<vmem>>, vector<1x16xf32>,
        %get3A_311 = vector.shape_cast %get3A_310 : vector<1x16xf32> to vector<16xf32>
        %max3A_312 = arith.maximumf %max3A_303, %get3A_311 : vector<16xf32>
        %mul3A_313 = arith.constant 16 : i32
        %mul3A_314 = arith.muli %scan3A_64, %mul3A_313 : i32
        %add3A_315 = arith.constant 12 : i32
        %add3A_316 = arith.addi %mul3A_314, %add3A_315 : i32
        %get3A_317 = arith.index_cast %add3A_316 : i32 to index
        %get3A_318 = arith.constant 16 : index
        %get3A_319 = tpu.vector_load %arg7[%get3A_317, %get3A_318] {strides = array<i32>} : memref<128x128xf32, #tpu.memory_space<vmem>>, vector<1x16xf32>,
        %get3A_320 = vector.shape_cast %get3A_319 : vector<1x16xf32> to vector<16xf32>
        %max3A_321 = arith.maximumf %max3A_312, %get3A_320 : vector<16xf32>
        %mul3A_322 = arith.constant 16 : i32
        %mul3A_323 = arith.muli %scan3A_64, %mul3A_322 : i32
        %add3A_324 = arith.constant 13 : i32
        %add3A_325 = arith.addi %mul3A_323, %add3A_324 : i32
        %get3A_326 = arith.index_cast %add3A_325 : i32 to index
        %get3A_327 = arith.constant 16 : index
        %get3A_328 = tpu.vector_load %arg7[%get3A_326, %get3A_327] {strides = array<i32>} : memref<128x128xf32, #tpu.memory_space<vmem>>, vector<1x16xf32>,
        %get3A_329 = vector.shape_cast %get3A_328 : vector<1x16xf32> to vector<16xf32>
        %max3A_330 = arith.maximumf %max3A_321, %get3A_329 : vector<16xf32>
        %mul3A_331 = arith.constant 16 : i32
        %mul3A_332 = arith.muli %scan3A_64, %mul3A_331 : i32
        %add3A_333 = arith.constant 14 : i32
        %add3A_334 = arith.addi %mul3A_332, %add3A_333 : i32
        %get3A_335 = arith.index_cast %add3A_334 : i32 to index
        %get3A_336 = arith.constant 16 : index
        %get3A_337 = tpu.vector_load %arg7[%get3A_335, %get3A_336] {strides = array<i32>} : memref<128x128xf32, #tpu.memory_space<vmem>>, vector<1x16xf32>,
        %get3A_338 = vector.shape_cast %get3A_337 : vector<1x16xf32> to vector<16xf32>
        %max3A_339 = arith.maximumf %max3A_330, %get3A_338 : vector<16xf32>
        %mul3A_340 = arith.constant 16 : i32
        %mul3A_341 = arith.muli %scan3A_64, %mul3A_340 : i32
        %add3A_342 = arith.constant 15 : i32
        %add3A_343 = arith.addi %mul3A_341, %add3A_342 : i32
        %get3A_344 = arith.index_cast %add3A_343 : i32 to index
        %get3A_345 = arith.constant 16 : index
        %get3A_346 = tpu.vector_load %arg7[%get3A_344, %get3A_345] {strides = array<i32>} : memref<128x128xf32, #tpu.memory_space<vmem>>, vector<1x16xf32>,
        %get3A_347 = vector.shape_cast %get3A_346 : vector<1x16xf32> to vector<16xf32>
        %max3A_348 = arith.maximumf %max3A_339, %get3A_347 : vector<16xf32>
        %swap3A_349 = arith.index_cast %scan3A_64 : i32 to index
        %swap3A_350 = arith.constant 16 : index
        %swap3A_351 = tpu.vector_load %arg9[%swap3A_349, %swap3A_350] {strides = array<i32>} : memref<8x128xf32, #tpu.memory_space<vmem>>, vector<1x16xf32>,
        %swap3A_352 = vector.shape_cast %swap3A_351 : vector<1x16xf32> to vector<16xf32>
        %swap3A_353 = vector.shape_cast %max3A_348 : vector<16xf32> to vector<1x16xf32>
        tpu.vector_store %arg9[%swap3A_349, %swap3A_350], %swap3A_353 {strides = array<i32>} : memref<8x128xf32, #tpu.memory_space<vmem>>, vector<1x16xf32>,
        %mul3A_354 = arith.constant 16 : i32
        %mul3A_355 = arith.muli %scan3A_64, %mul3A_354 : i32
        %get3A_356 = arith.index_cast %mul3A_355 : i32 to index
        %get3A_357 = arith.constant 32 : index
        %get3A_358 = tpu.vector_load %arg7[%get3A_356, %get3A_357] {strides = array<i32>} : memref<128x128xf32, #tpu.memory_space<vmem>>, vector<1x16xf32>,
        %get3A_359 = vector.shape_cast %get3A_358 : vector<1x16xf32> to vector<16xf32>
        %mul3A_360 = arith.constant 16 : i32
        %mul3A_361 = arith.muli %scan3A_64, %mul3A_360 : i32
        %add3A_362 = arith.constant 1 : i32
        %add3A_363 = arith.addi %mul3A_361, %add3A_362 : i32
        %get3A_364 = arith.index_cast %add3A_363 : i32 to index
        %get3A_365 = arith.constant 32 : index
        %get3A_366 = tpu.vector_load %arg7[%get3A_364, %get3A_365] {strides = array<i32>} : memref<128x128xf32, #tpu.memory_space<vmem>>, vector<1x16xf32>,
        %get3A_367 = vector.shape_cast %get3A_366 : vector<1x16xf32> to vector<16xf32>
        %max3A_368 = arith.maximumf %get3A_359, %get3A_367 : vector<16xf32>
        %mul3A_369 = arith.constant 16 : i32
        %mul3A_370 = arith.muli %scan3A_64, %mul3A_369 : i32
        %add3A_371 = arith.constant 2 : i32
        %add3A_372 = arith.addi %mul3A_370, %add3A_371 : i32
        %get3A_373 = arith.index_cast %add3A_372 : i32 to index
        %get3A_374 = arith.constant 32 : index
        %get3A_375 = tpu.vector_load %arg7[%get3A_373, %get3A_374] {strides = array<i32>} : memref<128x128xf32, #tpu.memory_space<vmem>>, vector<1x16xf32>,
        %get3A_376 = vector.shape_cast %get3A_375 : vector<1x16xf32> to vector<16xf32>
        %max3A_377 = arith.maximumf %max3A_368, %get3A_376 : vector<16xf32>
        %mul3A_378 = arith.constant 16 : i32
        %mul3A_379 = arith.muli %scan3A_64, %mul3A_378 : i32
        %add3A_380 = arith.constant 3 : i32
        %add3A_381 = arith.addi %mul3A_379, %add3A_380 : i32
        %get3A_382 = arith.index_cast %add3A_381 : i32 to index
        %get3A_383 = arith.constant 32 : index
        %get3A_384 = tpu.vector_load %arg7[%get3A_382, %get3A_383] {strides = array<i32>} : memref<128x128xf32, #tpu.memory_space<vmem>>, vector<1x16xf32>,
        %get3A_385 = vector.shape_cast %get3A_384 : vector<1x16xf32> to vector<16xf32>
        %max3A_386 = arith.maximumf %max3A_377, %get3A_385 : vector<16xf32>
        %mul3A_387 = arith.constant 16 : i32
        %mul3A_388 = arith.muli %scan3A_64, %mul3A_387 : i32
        %add3A_389 = arith.constant 4 : i32
        %add3A_390 = arith.addi %mul3A_388, %add3A_389 : i32
        %get3A_391 = arith.index_cast %add3A_390 : i32 to index
        %get3A_392 = arith.constant 32 : index
        %get3A_393 = tpu.vector_load %arg7[%get3A_391, %get3A_392] {strides = array<i32>} : memref<128x128xf32, #tpu.memory_space<vmem>>, vector<1x16xf32>,
        %get3A_394 = vector.shape_cast %get3A_393 : vector<1x16xf32> to vector<16xf32>
        %max3A_395 = arith.maximumf %max3A_386, %get3A_394 : vector<16xf32>
        %mul3A_396 = arith.constant 16 : i32
        %mul3A_397 = arith.muli %scan3A_64, %mul3A_396 : i32
        %add3A_398 = arith.constant 5 : i32
        %add3A_399 = arith.addi %mul3A_397, %add3A_398 : i32
        %get3A_400 = arith.index_cast %add3A_399 : i32 to index
        %get3A_401 = arith.constant 32 : index
        %get3A_402 = tpu.vector_load %arg7[%get3A_400, %get3A_401] {strides = array<i32>} : memref<128x128xf32, #tpu.memory_space<vmem>>, vector<1x16xf32>,
        %get3A_403 = vector.shape_cast %get3A_402 : vector<1x16xf32> to vector<16xf32>
        %max3A_404 = arith.maximumf %max3A_395, %get3A_403 : vector<16xf32>
        %mul3A_405 = arith.constant 16 : i32
        %mul3A_406 = arith.muli %scan3A_64, %mul3A_405 : i32
        %add3A_407 = arith.constant 6 : i32
        %add3A_408 = arith.addi %mul3A_406, %add3A_407 : i32
        %get3A_409 = arith.index_cast %add3A_408 : i32 to index
        %get3A_410 = arith.constant 32 : index
        %get3A_411 = tpu.vector_load %arg7[%get3A_409, %get3A_410] {strides = array<i32>} : memref<128x128xf32, #tpu.memory_space<vmem>>, vector<1x16xf32>,
        %get3A_412 = vector.shape_cast %get3A_411 : vector<1x16xf32> to vector<16xf32>
        %max3A_413 = arith.maximumf %max3A_404, %get3A_412 : vector<16xf32>
        %mul3A_414 = arith.constant 16 : i32
        %mul3A_415 = arith.muli %scan3A_64, %mul3A_414 : i32
        %add3A_416 = arith.constant 7 : i32
        %add3A_417 = arith.addi %mul3A_415, %add3A_416 : i32
        %get3A_418 = arith.index_cast %add3A_417 : i32 to index
        %get3A_419 = arith.constant 32 : index
        %get3A_420 = tpu.vector_load %arg7[%get3A_418, %get3A_419] {strides = array<i32>} : memref<128x128xf32, #tpu.memory_space<vmem>>, vector<1x16xf32>,
        %get3A_421 = vector.shape_cast %get3A_420 : vector<1x16xf32> to vector<16xf32>
        %max3A_422 = arith.maximumf %max3A_413, %get3A_421 : vector<16xf32>
        %mul3A_423 = arith.constant 16 : i32
        %mul3A_424 = arith.muli %scan3A_64, %mul3A_423 : i32
        %add3A_425 = arith.constant 8 : i32
        %add3A_426 = arith.addi %mul3A_424, %add3A_425 : i32
        %get3A_427 = arith.index_cast %add3A_426 : i32 to index
        %get3A_428 = arith.constant 32 : index
        %get3A_429 = tpu.vector_load %arg7[%get3A_427, %get3A_428] {strides = array<i32>} : memref<128x128xf32, #tpu.memory_space<vmem>>, vector<1x16xf32>,
        %get3A_430 = vector.shape_cast %get3A_429 : vector<1x16xf32> to vector<16xf32>
        %max3A_431 = arith.maximumf %max3A_422, %get3A_430 : vector<16xf32>
        %mul3A_432 = arith.constant 16 : i32
        %mul3A_433 = arith.muli %scan3A_64, %mul3A_432 : i32
        %add3A_434 = arith.constant 9 : i32
        %add3A_435 = arith.addi %mul3A_433, %add3A_434 : i32
        %get3A_436 = arith.index_cast %add3A_435 : i32 to index
        %get3A_437 = arith.constant 32 : index
        %get3A_438 = tpu.vector_load %arg7[%get3A_436, %get3A_437] {strides = array<i32>} : memref<128x128xf32, #tpu.memory_space<vmem>>, vector<1x16xf32>,
        %get3A_439 = vector.shape_cast %get3A_438 : vector<1x16xf32> to vector<16xf32>
        %max3A_440 = arith.maximumf %max3A_431, %get3A_439 : vector<16xf32>
        %mul3A_441 = arith.constant 16 : i32
        %mul3A_442 = arith.muli %scan3A_64, %mul3A_441 : i32
        %add3A_443 = arith.constant 10 : i32
        %add3A_444 = arith.addi %mul3A_442, %add3A_443 : i32
        %get3A_445 = arith.index_cast %add3A_444 : i32 to index
        %get3A_446 = arith.constant 32 : index
        %get3A_447 = tpu.vector_load %arg7[%get3A_445, %get3A_446] {strides = array<i32>} : memref<128x128xf32, #tpu.memory_space<vmem>>, vector<1x16xf32>,
        %get3A_448 = vector.shape_cast %get3A_447 : vector<1x16xf32> to vector<16xf32>
        %max3A_449 = arith.maximumf %max3A_440, %get3A_448 : vector<16xf32>
        %mul3A_450 = arith.constant 16 : i32
        %mul3A_451 = arith.muli %scan3A_64, %mul3A_450 : i32
        %add3A_452 = arith.constant 11 : i32
        %add3A_453 = arith.addi %mul3A_451, %add3A_452 : i32
        %get3A_454 = arith.index_cast %add3A_453 : i32 to index
        %get3A_455 = arith.constant 32 : index
        %get3A_456 = tpu.vector_load %arg7[%get3A_454, %get3A_455] {strides = array<i32>} : memref<128x128xf32, #tpu.memory_space<vmem>>, vector<1x16xf32>,
        %get3A_457 = vector.shape_cast %get3A_456 : vector<1x16xf32> to vector<16xf32>
        %max3A_458 = arith.maximumf %max3A_449, %get3A_457 : vector<16xf32>
        %mul3A_459 = arith.constant 16 : i32
        %mul3A_460 = arith.muli %scan3A_64, %mul3A_459 : i32
        %add3A_461 = arith.constant 12 : i32
        %add3A_462 = arith.addi %mul3A_460, %add3A_461 : i32
        %get3A_463 = arith.index_cast %add3A_462 : i32 to index
        %get3A_464 = arith.constant 32 : index
        %get3A_465 = tpu.vector_load %arg7[%get3A_463, %get3A_464] {strides = array<i32>} : memref<128x128xf32, #tpu.memory_space<vmem>>, vector<1x16xf32>,
        %get3A_466 = vector.shape_cast %get3A_465 : vector<1x16xf32> to vector<16xf32>
        %max3A_467 = arith.maximumf %max3A_458, %get3A_466 : vector<16xf32>
        %mul3A_468 = arith.constant 16 : i32
        %mul3A_469 = arith.muli %scan3A_64, %mul3A_468 : i32
        %add3A_470 = arith.constant 13 : i32
        %add3A_471 = arith.addi %mul3A_469, %add3A_470 : i32
        %get3A_472 = arith.index_cast %add3A_471 : i32 to index
        %get3A_473 = arith.constant 32 : index
        %get3A_474 = tpu.vector_load %arg7[%get3A_472, %get3A_473] {strides = array<i32>} : memref<128x128xf32, #tpu.memory_space<vmem>>, vector<1x16xf32>,
        %get3A_475 = vector.shape_cast %get3A_474 : vector<1x16xf32> to vector<16xf32>
        %max3A_476 = arith.maximumf %max3A_467, %get3A_475 : vector<16xf32>
        %mul3A_477 = arith.constant 16 : i32
        %mul3A_478 = arith.muli %scan3A_64, %mul3A_477 : i32
        %add3A_479 = arith.constant 14 : i32
        %add3A_480 = arith.addi %mul3A_478, %add3A_479 : i32
        %get3A_481 = arith.index_cast %add3A_480 : i32 to index
        %get3A_482 = arith.constant 32 : index
        %get3A_483 = tpu.vector_load %arg7[%get3A_481, %get3A_482] {strides = array<i32>} : memref<128x128xf32, #tpu.memory_space<vmem>>, vector<1x16xf32>,
        %get3A_484 = vector.shape_cast %get3A_483 : vector<1x16xf32> to vector<16xf32>
        %max3A_485 = arith.maximumf %max3A_476, %get3A_484 : vector<16xf32>
        %mul3A_486 = arith.constant 16 : i32
        %mul3A_487 = arith.muli %scan3A_64, %mul3A_486 : i32
        %add3A_488 = arith.constant 15 : i32
        %add3A_489 = arith.addi %mul3A_487, %add3A_488 : i32
        %get3A_490 = arith.index_cast %add3A_489 : i32 to index
        %get3A_491 = arith.constant 32 : index
        %get3A_492 = tpu.vector_load %arg7[%get3A_490, %get3A_491] {strides = array<i32>} : memref<128x128xf32, #tpu.memory_space<vmem>>, vector<1x16xf32>,
        %get3A_493 = vector.shape_cast %get3A_492 : vector<1x16xf32> to vector<16xf32>
        %max3A_494 = arith.maximumf %max3A_485, %get3A_493 : vector<16xf32>
        %swap3A_495 = arith.index_cast %scan3A_64 : i32 to index
        %swap3A_496 = arith.constant 32 : index
        %swap3A_497 = tpu.vector_load %arg9[%swap3A_495, %swap3A_496] {strides = array<i32>} : memref<8x128xf32, #tpu.memory_space<vmem>>, vector<1x16xf32>,
        %swap3A_498 = vector.shape_cast %swap3A_497 : vector<1x16xf32> to vector<16xf32>
        %swap3A_499 = vector.shape_cast %max3A_494 : vector<16xf32> to vector<1x16xf32>
        tpu.vector_store %arg9[%swap3A_495, %swap3A_496], %swap3A_499 {strides = array<i32>} : memref<8x128xf32, #tpu.memory_space<vmem>>, vector<1x16xf32>,
        %mul3A_500 = arith.constant 16 : i32
        %mul3A_501 = arith.muli %scan3A_64, %mul3A_500 : i32
        %get3A_502 = arith.index_cast %mul3A_501 : i32 to index
        %get3A_503 = arith.constant 48 : index
        %get3A_504 = tpu.vector_load %arg7[%get3A_502, %get3A_503] {strides = array<i32>} : memref<128x128xf32, #tpu.memory_space<vmem>>, vector<1x16xf32>,
        %get3A_505 = vector.shape_cast %get3A_504 : vector<1x16xf32> to vector<16xf32>
        %mul3A_506 = arith.constant 16 : i32
        %mul3A_507 = arith.muli %scan3A_64, %mul3A_506 : i32
        %add3A_508 = arith.constant 1 : i32
        %add3A_509 = arith.addi %mul3A_507, %add3A_508 : i32
        %get3A_510 = arith.index_cast %add3A_509 : i32 to index
        %get3A_511 = arith.constant 48 : index
        %get3A_512 = tpu.vector_load %arg7[%get3A_510, %get3A_511] {strides = array<i32>} : memref<128x128xf32, #tpu.memory_space<vmem>>, vector<1x16xf32>,
        %get3A_513 = vector.shape_cast %get3A_512 : vector<1x16xf32> to vector<16xf32>
        %max3A_514 = arith.maximumf %get3A_505, %get3A_513 : vector<16xf32>
        %mul3A_515 = arith.constant 16 : i32
        %mul3A_516 = arith.muli %scan3A_64, %mul3A_515 : i32
        %add3A_517 = arith.constant 2 : i32
        %add3A_518 = arith.addi %mul3A_516, %add3A_517 : i32
        %get3A_519 = arith.index_cast %add3A_518 : i32 to index
        %get3A_520 = arith.constant 48 : index
        %get3A_521 = tpu.vector_load %arg7[%get3A_519, %get3A_520] {strides = array<i32>} : memref<128x128xf32, #tpu.memory_space<vmem>>, vector<1x16xf32>,
        %get3A_522 = vector.shape_cast %get3A_521 : vector<1x16xf32> to vector<16xf32>
        %max3A_523 = arith.maximumf %max3A_514, %get3A_522 : vector<16xf32>
        %mul3A_524 = arith.constant 16 : i32
        %mul3A_525 = arith.muli %scan3A_64, %mul3A_524 : i32
        %add3A_526 = arith.constant 3 : i32
        %add3A_527 = arith.addi %mul3A_525, %add3A_526 : i32
        %get3A_528 = arith.index_cast %add3A_527 : i32 to index
        %get3A_529 = arith.constant 48 : index
        %get3A_530 = tpu.vector_load %arg7[%get3A_528, %get3A_529] {strides = array<i32>} : memref<128x128xf32, #tpu.memory_space<vmem>>, vector<1x16xf32>,
        %get3A_531 = vector.shape_cast %get3A_530 : vector<1x16xf32> to vector<16xf32>
        %max3A_532 = arith.maximumf %max3A_523, %get3A_531 : vector<16xf32>
        %mul3A_533 = arith.constant 16 : i32
        %mul3A_534 = arith.muli %scan3A_64, %mul3A_533 : i32
        %add3A_535 = arith.constant 4 : i32
        %add3A_536 = arith.addi %mul3A_534, %add3A_535 : i32
        %get3A_537 = arith.index_cast %add3A_536 : i32 to index
        %get3A_538 = arith.constant 48 : index
        %get3A_539 = tpu.vector_load %arg7[%get3A_537, %get3A_538] {strides = array<i32>} : memref<128x128xf32, #tpu.memory_space<vmem>>, vector<1x16xf32>,
        %get3A_540 = vector.shape_cast %get3A_539 : vector<1x16xf32> to vector<16xf32>
        %max3A_541 = arith.maximumf %max3A_532, %get3A_540 : vector<16xf32>
        %mul3A_542 = arith.constant 16 : i32
        %mul3A_543 = arith.muli %scan3A_64, %mul3A_542 : i32
        %add3A_544 = arith.constant 5 : i32
        %add3A_545 = arith.addi %mul3A_543, %add3A_544 : i32
        %get3A_546 = arith.index_cast %add3A_545 : i32 to index
        %get3A_547 = arith.constant 48 : index
        %get3A_548 = tpu.vector_load %arg7[%get3A_546, %get3A_547] {strides = array<i32>} : memref<128x128xf32, #tpu.memory_space<vmem>>, vector<1x16xf32>,
        %get3A_549 = vector.shape_cast %get3A_548 : vector<1x16xf32> to vector<16xf32>
        %max3A_550 = arith.maximumf %max3A_541, %get3A_549 : vector<16xf32>
        %mul3A_551 = arith.constant 16 : i32
        %mul3A_552 = arith.muli %scan3A_64, %mul3A_551 : i32
        %add3A_553 = arith.constant 6 : i32
        %add3A_554 = arith.addi %mul3A_552, %add3A_553 : i32
        %get3A_555 = arith.index_cast %add3A_554 : i32 to index
        %get3A_556 = arith.constant 48 : index
        %get3A_557 = tpu.vector_load %arg7[%get3A_555, %get3A_556] {strides = array<i32>} : memref<128x128xf32, #tpu.memory_space<vmem>>, vector<1x16xf32>,
        %get3A_558 = vector.shape_cast %get3A_557 : vector<1x16xf32> to vector<16xf32>
        %max3A_559 = arith.maximumf %max3A_550, %get3A_558 : vector<16xf32>
        %mul3A_560 = arith.constant 16 : i32
        %mul3A_561 = arith.muli %scan3A_64, %mul3A_560 : i32
        %add3A_562 = arith.constant 7 : i32
        %add3A_563 = arith.addi %mul3A_561, %add3A_562 : i32
        %get3A_564 = arith.index_cast %add3A_563 : i32 to index
        %get3A_565 = arith.constant 48 : index
        %get3A_566 = tpu.vector_load %arg7[%get3A_564, %get3A_565] {strides = array<i32>} : memref<128x128xf32, #tpu.memory_space<vmem>>, vector<1x16xf32>,
        %get3A_567 = vector.shape_cast %get3A_566 : vector<1x16xf32> to vector<16xf32>
        %max3A_568 = arith.maximumf %max3A_559, %get3A_567 : vector<16xf32>
        %mul3A_569 = arith.constant 16 : i32
        %mul3A_570 = arith.muli %scan3A_64, %mul3A_569 : i32
        %add3A_571 = arith.constant 8 : i32
        %add3A_572 = arith.addi %mul3A_570, %add3A_571 : i32
        %get3A_573 = arith.index_cast %add3A_572 : i32 to index
        %get3A_574 = arith.constant 48 : index
        %get3A_575 = tpu.vector_load %arg7[%get3A_573, %get3A_574] {strides = array<i32>} : memref<128x128xf32, #tpu.memory_space<vmem>>, vector<1x16xf32>,
        %get3A_576 = vector.shape_cast %get3A_575 : vector<1x16xf32> to vector<16xf32>
        %max3A_577 = arith.maximumf %max3A_568, %get3A_576 : vector<16xf32>
        %mul3A_578 = arith.constant 16 : i32
        %mul3A_579 = arith.muli %scan3A_64, %mul3A_578 : i32
        %add3A_580 = arith.constant 9 : i32
        %add3A_581 = arith.addi %mul3A_579, %add3A_580 : i32
        %get3A_582 = arith.index_cast %add3A_581 : i32 to index
        %get3A_583 = arith.constant 48 : index
        %get3A_584 = tpu.vector_load %arg7[%get3A_582, %get3A_583] {strides = array<i32>} : memref<128x128xf32, #tpu.memory_space<vmem>>, vector<1x16xf32>,
        %get3A_585 = vector.shape_cast %get3A_584 : vector<1x16xf32> to vector<16xf32>
        %max3A_586 = arith.maximumf %max3A_577, %get3A_585 : vector<16xf32>
        %mul3A_587 = arith.constant 16 : i32
        %mul3A_588 = arith.muli %scan3A_64, %mul3A_587 : i32
        %add3A_589 = arith.constant 10 : i32
        %add3A_590 = arith.addi %mul3A_588, %add3A_589 : i32
        %get3A_591 = arith.index_cast %add3A_590 : i32 to index
        %get3A_592 = arith.constant 48 : index
        %get3A_593 = tpu.vector_load %arg7[%get3A_591, %get3A_592] {strides = array<i32>} : memref<128x128xf32, #tpu.memory_space<vmem>>, vector<1x16xf32>,
        %get3A_594 = vector.shape_cast %get3A_593 : vector<1x16xf32> to vector<16xf32>
        %max3A_595 = arith.maximumf %max3A_586, %get3A_594 : vector<16xf32>
        %mul3A_596 = arith.constant 16 : i32
        %mul3A_597 = arith.muli %scan3A_64, %mul3A_596 : i32
        %add3A_598 = arith.constant 11 : i32
        %add3A_599 = arith.addi %mul3A_597, %add3A_598 : i32
        %get3A_600 = arith.index_cast %add3A_599 : i32 to index
        %get3A_601 = arith.constant 48 : index
        %get3A_602 = tpu.vector_load %arg7[%get3A_600, %get3A_601] {strides = array<i32>} : memref<128x128xf32, #tpu.memory_space<vmem>>, vector<1x16xf32>,
        %get3A_603 = vector.shape_cast %get3A_602 : vector<1x16xf32> to vector<16xf32>
        %max3A_604 = arith.maximumf %max3A_595, %get3A_603 : vector<16xf32>
        %mul3A_605 = arith.constant 16 : i32
        %mul3A_606 = arith.muli %scan3A_64, %mul3A_605 : i32
        %add3A_607 = arith.constant 12 : i32
        %add3A_608 = arith.addi %mul3A_606, %add3A_607 : i32
        %get3A_609 = arith.index_cast %add3A_608 : i32 to index
        %get3A_610 = arith.constant 48 : index
        %get3A_611 = tpu.vector_load %arg7[%get3A_609, %get3A_610] {strides = array<i32>} : memref<128x128xf32, #tpu.memory_space<vmem>>, vector<1x16xf32>,
        %get3A_612 = vector.shape_cast %get3A_611 : vector<1x16xf32> to vector<16xf32>
        %max3A_613 = arith.maximumf %max3A_604, %get3A_612 : vector<16xf32>
        %mul3A_614 = arith.constant 16 : i32
        %mul3A_615 = arith.muli %scan3A_64, %mul3A_614 : i32
        %add3A_616 = arith.constant 13 : i32
        %add3A_617 = arith.addi %mul3A_615, %add3A_616 : i32
        %get3A_618 = arith.index_cast %add3A_617 : i32 to index
        %get3A_619 = arith.constant 48 : index
        %get3A_620 = tpu.vector_load %arg7[%get3A_618, %get3A_619] {strides = array<i32>} : memref<128x128xf32, #tpu.memory_space<vmem>>, vector<1x16xf32>,
        %get3A_621 = vector.shape_cast %get3A_620 : vector<1x16xf32> to vector<16xf32>
        %max3A_622 = arith.maximumf %max3A_613, %get3A_621 : vector<16xf32>
        %mul3A_623 = arith.constant 16 : i32
        %mul3A_624 = arith.muli %scan3A_64, %mul3A_623 : i32
        %add3A_625 = arith.constant 14 : i32
        %add3A_626 = arith.addi %mul3A_624, %add3A_625 : i32
        %get3A_627 = arith.index_cast %add3A_626 : i32 to index
        %get3A_628 = arith.constant 48 : index
        %get3A_629 = tpu.vector_load %arg7[%get3A_627, %get3A_628] {strides = array<i32>} : memref<128x128xf32, #tpu.memory_space<vmem>>, vector<1x16xf32>,
        %get3A_630 = vector.shape_cast %get3A_629 : vector<1x16xf32> to vector<16xf32>
        %max3A_631 = arith.maximumf %max3A_622, %get3A_630 : vector<16xf32>
        %mul3A_632 = arith.constant 16 : i32
        %mul3A_633 = arith.muli %scan3A_64, %mul3A_632 : i32
        %add3A_634 = arith.constant 15 : i32
        %add3A_635 = arith.addi %mul3A_633, %add3A_634 : i32
        %get3A_636 = arith.index_cast %add3A_635 : i32 to index
        %get3A_637 = arith.constant 48 : index
        %get3A_638 = tpu.vector_load %arg7[%get3A_636, %get3A_637] {strides = array<i32>} : memref<128x128xf32, #tpu.memory_space<vmem>>, vector<1x16xf32>,
        %get3A_639 = vector.shape_cast %get3A_638 : vector<1x16xf32> to vector<16xf32>
        %max3A_640 = arith.maximumf %max3A_631, %get3A_639 : vector<16xf32>
        %swap3A_641 = arith.index_cast %scan3A_64 : i32 to index
        %swap3A_642 = arith.constant 48 : index
        %swap3A_643 = tpu.vector_load %arg9[%swap3A_641, %swap3A_642] {strides = array<i32>} : memref<8x128xf32, #tpu.memory_space<vmem>>, vector<1x16xf32>,
        %swap3A_644 = vector.shape_cast %swap3A_643 : vector<1x16xf32> to vector<16xf32>
        %swap3A_645 = vector.shape_cast %max3A_640 : vector<16xf32> to vector<1x16xf32>
        tpu.vector_store %arg9[%swap3A_641, %swap3A_642], %swap3A_645 {strides = array<i32>} : memref<8x128xf32, #tpu.memory_space<vmem>>, vector<1x16xf32>,
        %mul3A_646 = arith.constant 16 : i32
        %mul3A_647 = arith.muli %scan3A_64, %mul3A_646 : i32
        %get3A_648 = arith.index_cast %mul3A_647 : i32 to index
        %get3A_649 = arith.constant 64 : index
        %get3A_650 = tpu.vector_load %arg7[%get3A_648, %get3A_649] {strides = array<i32>} : memref<128x128xf32, #tpu.memory_space<vmem>>, vector<1x16xf32>,
        %get3A_651 = vector.shape_cast %get3A_650 : vector<1x16xf32> to vector<16xf32>
        %mul3A_652 = arith.constant 16 : i32
        %mul3A_653 = arith.muli %scan3A_64, %mul3A_652 : i32
        %add3A_654 = arith.constant 1 : i32
        %add3A_655 = arith.addi %mul3A_653, %add3A_654 : i32
        %get3A_656 = arith.index_cast %add3A_655 : i32 to index
        %get3A_657 = arith.constant 64 : index
        %get3A_658 = tpu.vector_load %arg7[%get3A_656, %get3A_657] {strides = array<i32>} : memref<128x128xf32, #tpu.memory_space<vmem>>, vector<1x16xf32>,
        %get3A_659 = vector.shape_cast %get3A_658 : vector<1x16xf32> to vector<16xf32>
        %max3A_660 = arith.maximumf %get3A_651, %get3A_659 : vector<16xf32>
        %mul3A_661 = arith.constant 16 : i32
        %mul3A_662 = arith.muli %scan3A_64, %mul3A_661 : i32
        %add3A_663 = arith.constant 2 : i32
        %add3A_664 = arith.addi %mul3A_662, %add3A_663 : i32
        %get3A_665 = arith.index_cast %add3A_664 : i32 to index
        %get3A_666 = arith.constant 64 : index
        %get3A_667 = tpu.vector_load %arg7[%get3A_665, %get3A_666] {strides = array<i32>} : memref<128x128xf32, #tpu.memory_space<vmem>>, vector<1x16xf32>,
        %get3A_668 = vector.shape_cast %get3A_667 : vector<1x16xf32> to vector<16xf32>
        %max3A_669 = arith.maximumf %max3A_660, %get3A_668 : vector<16xf32>
        %mul3A_670 = arith.constant 16 : i32
        %mul3A_671 = arith.muli %scan3A_64, %mul3A_670 : i32
        %add3A_672 = arith.constant 3 : i32
        %add3A_673 = arith.addi %mul3A_671, %add3A_672 : i32
        %get3A_674 = arith.index_cast %add3A_673 : i32 to index
        %get3A_675 = arith.constant 64 : index
        %get3A_676 = tpu.vector_load %arg7[%get3A_674, %get3A_675] {strides = array<i32>} : memref<128x128xf32, #tpu.memory_space<vmem>>, vector<1x16xf32>,
        %get3A_677 = vector.shape_cast %get3A_676 : vector<1x16xf32> to vector<16xf32>
        %max3A_678 = arith.maximumf %max3A_669, %get3A_677 : vector<16xf32>
        %mul3A_679 = arith.constant 16 : i32
        %mul3A_680 = arith.muli %scan3A_64, %mul3A_679 : i32
        %add3A_681 = arith.constant 4 : i32
        %add3A_682 = arith.addi %mul3A_680, %add3A_681 : i32
        %get3A_683 = arith.index_cast %add3A_682 : i32 to index
        %get3A_684 = arith.constant 64 : index
        %get3A_685 = tpu.vector_load %arg7[%get3A_683, %get3A_684] {strides = array<i32>} : memref<128x128xf32, #tpu.memory_space<vmem>>, vector<1x16xf32>,
        %get3A_686 = vector.shape_cast %get3A_685 : vector<1x16xf32> to vector<16xf32>
        %max3A_687 = arith.maximumf %max3A_678, %get3A_686 : vector<16xf32>
        %mul3A_688 = arith.constant 16 : i32
        %mul3A_689 = arith.muli %scan3A_64, %mul3A_688 : i32
        %add3A_690 = arith.constant 5 : i32
        %add3A_691 = arith.addi %mul3A_689, %add3A_690 : i32
        %get3A_692 = arith.index_cast %add3A_691 : i32 to index
        %get3A_693 = arith.constant 64 : index
        %get3A_694 = tpu.vector_load %arg7[%get3A_692, %get3A_693] {strides = array<i32>} : memref<128x128xf32, #tpu.memory_space<vmem>>, vector<1x16xf32>,
        %get3A_695 = vector.shape_cast %get3A_694 : vector<1x16xf32> to vector<16xf32>
        %max3A_696 = arith.maximumf %max3A_687, %get3A_695 : vector<16xf32>
        %mul3A_697 = arith.constant 16 : i32
        %mul3A_698 = arith.muli %scan3A_64, %mul3A_697 : i32
        %add3A_699 = arith.constant 6 : i32
        %add3A_700 = arith.addi %mul3A_698, %add3A_699 : i32
        %get3A_701 = arith.index_cast %add3A_700 : i32 to index
        %get3A_702 = arith.constant 64 : index
        %get3A_703 = tpu.vector_load %arg7[%get3A_701, %get3A_702] {strides = array<i32>} : memref<128x128xf32, #tpu.memory_space<vmem>>, vector<1x16xf32>,
        %get3A_704 = vector.shape_cast %get3A_703 : vector<1x16xf32> to vector<16xf32>
        %max3A_705 = arith.maximumf %max3A_696, %get3A_704 : vector<16xf32>
        %mul3A_706 = arith.constant 16 : i32
        %mul3A_707 = arith.muli %scan3A_64, %mul3A_706 : i32
        %add3A_708 = arith.constant 7 : i32
        %add3A_709 = arith.addi %mul3A_707, %add3A_708 : i32
        %get3A_710 = arith.index_cast %add3A_709 : i32 to index
        %get3A_711 = arith.constant 64 : index
        %get3A_712 = tpu.vector_load %arg7[%get3A_710, %get3A_711] {strides = array<i32>} : memref<128x128xf32, #tpu.memory_space<vmem>>, vector<1x16xf32>,
        %get3A_713 = vector.shape_cast %get3A_712 : vector<1x16xf32> to vector<16xf32>
        %max3A_714 = arith.maximumf %max3A_705, %get3A_713 : vector<16xf32>
        %mul3A_715 = arith.constant 16 : i32
        %mul3A_716 = arith.muli %scan3A_64, %mul3A_715 : i32
        %add3A_717 = arith.constant 8 : i32
        %add3A_718 = arith.addi %mul3A_716, %add3A_717 : i32
        %get3A_719 = arith.index_cast %add3A_718 : i32 to index
        %get3A_720 = arith.constant 64 : index
        %get3A_721 = tpu.vector_load %arg7[%get3A_719, %get3A_720] {strides = array<i32>} : memref<128x128xf32, #tpu.memory_space<vmem>>, vector<1x16xf32>,
        %get3A_722 = vector.shape_cast %get3A_721 : vector<1x16xf32> to vector<16xf32>
        %max3A_723 = arith.maximumf %max3A_714, %get3A_722 : vector<16xf32>
        %mul3A_724 = arith.constant 16 : i32
        %mul3A_725 = arith.muli %scan3A_64, %mul3A_724 : i32
        %add3A_726 = arith.constant 9 : i32
        %add3A_727 = arith.addi %mul3A_725, %add3A_726 : i32
        %get3A_728 = arith.index_cast %add3A_727 : i32 to index
        %get3A_729 = arith.constant 64 : index
        %get3A_730 = tpu.vector_load %arg7[%get3A_728, %get3A_729] {strides = array<i32>} : memref<128x128xf32, #tpu.memory_space<vmem>>, vector<1x16xf32>,
        %get3A_731 = vector.shape_cast %get3A_730 : vector<1x16xf32> to vector<16xf32>
        %max3A_732 = arith.maximumf %max3A_723, %get3A_731 : vector<16xf32>
        %mul3A_733 = arith.constant 16 : i32
        %mul3A_734 = arith.muli %scan3A_64, %mul3A_733 : i32
        %add3A_735 = arith.constant 10 : i32
        %add3A_736 = arith.addi %mul3A_734, %add3A_735 : i32
        %get3A_737 = arith.index_cast %add3A_736 : i32 to index
        %get3A_738 = arith.constant 64 : index
        %get3A_739 = tpu.vector_load %arg7[%get3A_737, %get3A_738] {strides = array<i32>} : memref<128x128xf32, #tpu.memory_space<vmem>>, vector<1x16xf32>,
        %get3A_740 = vector.shape_cast %get3A_739 : vector<1x16xf32> to vector<16xf32>
        %max3A_741 = arith.maximumf %max3A_732, %get3A_740 : vector<16xf32>
        %mul3A_742 = arith.constant 16 : i32
        %mul3A_743 = arith.muli %scan3A_64, %mul3A_742 : i32
        %add3A_744 = arith.constant 11 : i32
        %add3A_745 = arith.addi %mul3A_743, %add3A_744 : i32
        %get3A_746 = arith.index_cast %add3A_745 : i32 to index
        %get3A_747 = arith.constant 64 : index
        %get3A_748 = tpu.vector_load %arg7[%get3A_746, %get3A_747] {strides = array<i32>} : memref<128x128xf32, #tpu.memory_space<vmem>>, vector<1x16xf32>,
        %get3A_749 = vector.shape_cast %get3A_748 : vector<1x16xf32> to vector<16xf32>
        %max3A_750 = arith.maximumf %max3A_741, %get3A_749 : vector<16xf32>
        %mul3A_751 = arith.constant 16 : i32
        %mul3A_752 = arith.muli %scan3A_64, %mul3A_751 : i32
        %add3A_753 = arith.constant 12 : i32
        %add3A_754 = arith.addi %mul3A_752, %add3A_753 : i32
        %get3A_755 = arith.index_cast %add3A_754 : i32 to index
        %get3A_756 = arith.constant 64 : index
        %get3A_757 = tpu.vector_load %arg7[%get3A_755, %get3A_756] {strides = array<i32>} : memref<128x128xf32, #tpu.memory_space<vmem>>, vector<1x16xf32>,
        %get3A_758 = vector.shape_cast %get3A_757 : vector<1x16xf32> to vector<16xf32>
        %max3A_759 = arith.maximumf %max3A_750, %get3A_758 : vector<16xf32>
        %mul3A_760 = arith.constant 16 : i32
        %mul3A_761 = arith.muli %scan3A_64, %mul3A_760 : i32
        %add3A_762 = arith.constant 13 : i32
        %add3A_763 = arith.addi %mul3A_761, %add3A_762 : i32
        %get3A_764 = arith.index_cast %add3A_763 : i32 to index
        %get3A_765 = arith.constant 64 : index
        %get3A_766 = tpu.vector_load %arg7[%get3A_764, %get3A_765] {strides = array<i32>} : memref<128x128xf32, #tpu.memory_space<vmem>>, vector<1x16xf32>,
        %get3A_767 = vector.shape_cast %get3A_766 : vector<1x16xf32> to vector<16xf32>
        %max3A_768 = arith.maximumf %max3A_759, %get3A_767 : vector<16xf32>
        %mul3A_769 = arith.constant 16 : i32
        %mul3A_770 = arith.muli %scan3A_64, %mul3A_769 : i32
        %add3A_771 = arith.constant 14 : i32
        %add3A_772 = arith.addi %mul3A_770, %add3A_771 : i32
        %get3A_773 = arith.index_cast %add3A_772 : i32 to index
        %get3A_774 = arith.constant 64 : index
        %get3A_775 = tpu.vector_load %arg7[%get3A_773, %get3A_774] {strides = array<i32>} : memref<128x128xf32, #tpu.memory_space<vmem>>, vector<1x16xf32>,
        %get3A_776 = vector.shape_cast %get3A_775 : vector<1x16xf32> to vector<16xf32>
        %max3A_777 = arith.maximumf %max3A_768, %get3A_776 : vector<16xf32>
        %mul3A_778 = arith.constant 16 : i32
        %mul3A_779 = arith.muli %scan3A_64, %mul3A_778 : i32
        %add3A_780 = arith.constant 15 : i32
        %add3A_781 = arith.addi %mul3A_779, %add3A_780 : i32
        %get3A_782 = arith.index_cast %add3A_781 : i32 to index
        %get3A_783 = arith.constant 64 : index
        %get3A_784 = tpu.vector_load %arg7[%get3A_782, %get3A_783] {strides = array<i32>} : memref<128x128xf32, #tpu.memory_space<vmem>>, vector<1x16xf32>,
        %get3A_785 = vector.shape_cast %get3A_784 : vector<1x16xf32> to vector<16xf32>
        %max3A_786 = arith.maximumf %max3A_777, %get3A_785 : vector<16xf32>
        %swap3A_787 = arith.index_cast %scan3A_64 : i32 to index
        %swap3A_788 = arith.constant 64 : index
        %swap3A_789 = tpu.vector_load %arg9[%swap3A_787, %swap3A_788] {strides = array<i32>} : memref<8x128xf32, #tpu.memory_space<vmem>>, vector<1x16xf32>,
        %swap3A_790 = vector.shape_cast %swap3A_789 : vector<1x16xf32> to vector<16xf32>
        %swap3A_791 = vector.shape_cast %max3A_786 : vector<16xf32> to vector<1x16xf32>
        tpu.vector_store %arg9[%swap3A_787, %swap3A_788], %swap3A_791 {strides = array<i32>} : memref<8x128xf32, #tpu.memory_space<vmem>>, vector<1x16xf32>,
        %mul3A_792 = arith.constant 16 : i32
        %mul3A_793 = arith.muli %scan3A_64, %mul3A_792 : i32
        %get3A_794 = arith.index_cast %mul3A_793 : i32 to index
        %get3A_795 = arith.constant 80 : index
        %get3A_796 = tpu.vector_load %arg7[%get3A_794, %get3A_795] {strides = array<i32>} : memref<128x128xf32, #tpu.memory_space<vmem>>, vector<1x16xf32>,
        %get3A_797 = vector.shape_cast %get3A_796 : vector<1x16xf32> to vector<16xf32>
        %mul3A_798 = arith.constant 16 : i32
        %mul3A_799 = arith.muli %scan3A_64, %mul3A_798 : i32
        %add3A_800 = arith.constant 1 : i32
        %add3A_801 = arith.addi %mul3A_799, %add3A_800 : i32
        %get3A_802 = arith.index_cast %add3A_801 : i32 to index
        %get3A_803 = arith.constant 80 : index
        %get3A_804 = tpu.vector_load %arg7[%get3A_802, %get3A_803] {strides = array<i32>} : memref<128x128xf32, #tpu.memory_space<vmem>>, vector<1x16xf32>,
        %get3A_805 = vector.shape_cast %get3A_804 : vector<1x16xf32> to vector<16xf32>
        %max3A_806 = arith.maximumf %get3A_797, %get3A_805 : vector<16xf32>
        %mul3A_807 = arith.constant 16 : i32
        %mul3A_808 = arith.muli %scan3A_64, %mul3A_807 : i32
        %add3A_809 = arith.constant 2 : i32
        %add3A_810 = arith.addi %mul3A_808, %add3A_809 : i32
        %get3A_811 = arith.index_cast %add3A_810 : i32 to index
        %get3A_812 = arith.constant 80 : index
        %get3A_813 = tpu.vector_load %arg7[%get3A_811, %get3A_812] {strides = array<i32>} : memref<128x128xf32, #tpu.memory_space<vmem>>, vector<1x16xf32>,
        %get3A_814 = vector.shape_cast %get3A_813 : vector<1x16xf32> to vector<16xf32>
        %max3A_815 = arith.maximumf %max3A_806, %get3A_814 : vector<16xf32>
        %mul3A_816 = arith.constant 16 : i32
        %mul3A_817 = arith.muli %scan3A_64, %mul3A_816 : i32
        %add3A_818 = arith.constant 3 : i32
        %add3A_819 = arith.addi %mul3A_817, %add3A_818 : i32
        %get3A_820 = arith.index_cast %add3A_819 : i32 to index
        %get3A_821 = arith.constant 80 : index
        %get3A_822 = tpu.vector_load %arg7[%get3A_820, %get3A_821] {strides = array<i32>} : memref<128x128xf32, #tpu.memory_space<vmem>>, vector<1x16xf32>,
        %get3A_823 = vector.shape_cast %get3A_822 : vector<1x16xf32> to vector<16xf32>
        %max3A_824 = arith.maximumf %max3A_815, %get3A_823 : vector<16xf32>
        %mul3A_825 = arith.constant 16 : i32
        %mul3A_826 = arith.muli %scan3A_64, %mul3A_825 : i32
        %add3A_827 = arith.constant 4 : i32
        %add3A_828 = arith.addi %mul3A_826, %add3A_827 : i32
        %get3A_829 = arith.index_cast %add3A_828 : i32 to index
        %get3A_830 = arith.constant 80 : index
        %get3A_831 = tpu.vector_load %arg7[%get3A_829, %get3A_830] {strides = array<i32>} : memref<128x128xf32, #tpu.memory_space<vmem>>, vector<1x16xf32>,
        %get3A_832 = vector.shape_cast %get3A_831 : vector<1x16xf32> to vector<16xf32>
        %max3A_833 = arith.maximumf %max3A_824, %get3A_832 : vector<16xf32>
        %mul3A_834 = arith.constant 16 : i32
        %mul3A_835 = arith.muli %scan3A_64, %mul3A_834 : i32
        %add3A_836 = arith.constant 5 : i32
        %add3A_837 = arith.addi %mul3A_835, %add3A_836 : i32
        %get3A_838 = arith.index_cast %add3A_837 : i32 to index
        %get3A_839 = arith.constant 80 : index
        %get3A_840 = tpu.vector_load %arg7[%get3A_838, %get3A_839] {strides = array<i32>} : memref<128x128xf32, #tpu.memory_space<vmem>>, vector<1x16xf32>,
        %get3A_841 = vector.shape_cast %get3A_840 : vector<1x16xf32> to vector<16xf32>
        %max3A_842 = arith.maximumf %max3A_833, %get3A_841 : vector<16xf32>
        %mul3A_843 = arith.constant 16 : i32
        %mul3A_844 = arith.muli %scan3A_64, %mul3A_843 : i32
        %add3A_845 = arith.constant 6 : i32
        %add3A_846 = arith.addi %mul3A_844, %add3A_845 : i32
        %get3A_847 = arith.index_cast %add3A_846 : i32 to index
        %get3A_848 = arith.constant 80 : index
        %get3A_849 = tpu.vector_load %arg7[%get3A_847, %get3A_848] {strides = array<i32>} : memref<128x128xf32, #tpu.memory_space<vmem>>, vector<1x16xf32>,
        %get3A_850 = vector.shape_cast %get3A_849 : vector<1x16xf32> to vector<16xf32>
        %max3A_851 = arith.maximumf %max3A_842, %get3A_850 : vector<16xf32>
        %mul3A_852 = arith.constant 16 : i32
        %mul3A_853 = arith.muli %scan3A_64, %mul3A_852 : i32
        %add3A_854 = arith.constant 7 : i32
        %add3A_855 = arith.addi %mul3A_853, %add3A_854 : i32
        %get3A_856 = arith.index_cast %add3A_855 : i32 to index
        %get3A_857 = arith.constant 80 : index
        %get3A_858 = tpu.vector_load %arg7[%get3A_856, %get3A_857] {strides = array<i32>} : memref<128x128xf32, #tpu.memory_space<vmem>>, vector<1x16xf32>,
        %get3A_859 = vector.shape_cast %get3A_858 : vector<1x16xf32> to vector<16xf32>
        %max3A_860 = arith.maximumf %max3A_851, %get3A_859 : vector<16xf32>
        %mul3A_861 = arith.constant 16 : i32
        %mul3A_862 = arith.muli %scan3A_64, %mul3A_861 : i32
        %add3A_863 = arith.constant 8 : i32
        %add3A_864 = arith.addi %mul3A_862, %add3A_863 : i32
        %get3A_865 = arith.index_cast %add3A_864 : i32 to index
        %get3A_866 = arith.constant 80 : index
        %get3A_867 = tpu.vector_load %arg7[%get3A_865, %get3A_866] {strides = array<i32>} : memref<128x128xf32, #tpu.memory_space<vmem>>, vector<1x16xf32>,
        %get3A_868 = vector.shape_cast %get3A_867 : vector<1x16xf32> to vector<16xf32>
        %max3A_869 = arith.maximumf %max3A_860, %get3A_868 : vector<16xf32>
        %mul3A_870 = arith.constant 16 : i32
        %mul3A_871 = arith.muli %scan3A_64, %mul3A_870 : i32
        %add3A_872 = arith.constant 9 : i32
        %add3A_873 = arith.addi %mul3A_871, %add3A_872 : i32
        %get3A_874 = arith.index_cast %add3A_873 : i32 to index
        %get3A_875 = arith.constant 80 : index
        %get3A_876 = tpu.vector_load %arg7[%get3A_874, %get3A_875] {strides = array<i32>} : memref<128x128xf32, #tpu.memory_space<vmem>>, vector<1x16xf32>,
        %get3A_877 = vector.shape_cast %get3A_876 : vector<1x16xf32> to vector<16xf32>
        %max3A_878 = arith.maximumf %max3A_869, %get3A_877 : vector<16xf32>
        %mul3A_879 = arith.constant 16 : i32
        %mul3A_880 = arith.muli %scan3A_64, %mul3A_879 : i32
        %add3A_881 = arith.constant 10 : i32
        %add3A_882 = arith.addi %mul3A_880, %add3A_881 : i32
        %get3A_883 = arith.index_cast %add3A_882 : i32 to index
        %get3A_884 = arith.constant 80 : index
        %get3A_885 = tpu.vector_load %arg7[%get3A_883, %get3A_884] {strides = array<i32>} : memref<128x128xf32, #tpu.memory_space<vmem>>, vector<1x16xf32>,
        %get3A_886 = vector.shape_cast %get3A_885 : vector<1x16xf32> to vector<16xf32>
        %max3A_887 = arith.maximumf %max3A_878, %get3A_886 : vector<16xf32>
        %mul3A_888 = arith.constant 16 : i32
        %mul3A_889 = arith.muli %scan3A_64, %mul3A_888 : i32
        %add3A_890 = arith.constant 11 : i32
        %add3A_891 = arith.addi %mul3A_889, %add3A_890 : i32
        %get3A_892 = arith.index_cast %add3A_891 : i32 to index
        %get3A_893 = arith.constant 80 : index
        %get3A_894 = tpu.vector_load %arg7[%get3A_892, %get3A_893] {strides = array<i32>} : memref<128x128xf32, #tpu.memory_space<vmem>>, vector<1x16xf32>,
        %get3A_895 = vector.shape_cast %get3A_894 : vector<1x16xf32> to vector<16xf32>
        %max3A_896 = arith.maximumf %max3A_887, %get3A_895 : vector<16xf32>
        %mul3A_897 = arith.constant 16 : i32
        %mul3A_898 = arith.muli %scan3A_64, %mul3A_897 : i32
        %add3A_899 = arith.constant 12 : i32
        %add3A_900 = arith.addi %mul3A_898, %add3A_899 : i32
        %get3A_901 = arith.index_cast %add3A_900 : i32 to index
        %get3A_902 = arith.constant 80 : index
        %get3A_903 = tpu.vector_load %arg7[%get3A_901, %get3A_902] {strides = array<i32>} : memref<128x128xf32, #tpu.memory_space<vmem>>, vector<1x16xf32>,
        %get3A_904 = vector.shape_cast %get3A_903 : vector<1x16xf32> to vector<16xf32>
        %max3A_905 = arith.maximumf %max3A_896, %get3A_904 : vector<16xf32>
        %mul3A_906 = arith.constant 16 : i32
        %mul3A_907 = arith.muli %scan3A_64, %mul3A_906 : i32
        %add3A_908 = arith.constant 13 : i32
        %add3A_909 = arith.addi %mul3A_907, %add3A_908 : i32
        %get3A_910 = arith.index_cast %add3A_909 : i32 to index
        %get3A_911 = arith.constant 80 : index
        %get3A_912 = tpu.vector_load %arg7[%get3A_910, %get3A_911] {strides = array<i32>} : memref<128x128xf32, #tpu.memory_space<vmem>>, vector<1x16xf32>,
        %get3A_913 = vector.shape_cast %get3A_912 : vector<1x16xf32> to vector<16xf32>
        %max3A_914 = arith.maximumf %max3A_905, %get3A_913 : vector<16xf32>
        %mul3A_915 = arith.constant 16 : i32
        %mul3A_916 = arith.muli %scan3A_64, %mul3A_915 : i32
        %add3A_917 = arith.constant 14 : i32
        %add3A_918 = arith.addi %mul3A_916, %add3A_917 : i32
        %get3A_919 = arith.index_cast %add3A_918 : i32 to index
        %get3A_920 = arith.constant 80 : index
        %get3A_921 = tpu.vector_load %arg7[%get3A_919, %get3A_920] {strides = array<i32>} : memref<128x128xf32, #tpu.memory_space<vmem>>, vector<1x16xf32>,
        %get3A_922 = vector.shape_cast %get3A_921 : vector<1x16xf32> to vector<16xf32>
        %max3A_923 = arith.maximumf %max3A_914, %get3A_922 : vector<16xf32>
        %mul3A_924 = arith.constant 16 : i32
        %mul3A_925 = arith.muli %scan3A_64, %mul3A_924 : i32
        %add3A_926 = arith.constant 15 : i32
        %add3A_927 = arith.addi %mul3A_925, %add3A_926 : i32
        %get3A_928 = arith.index_cast %add3A_927 : i32 to index
        %get3A_929 = arith.constant 80 : index
        %get3A_930 = tpu.vector_load %arg7[%get3A_928, %get3A_929] {strides = array<i32>} : memref<128x128xf32, #tpu.memory_space<vmem>>, vector<1x16xf32>,
        %get3A_931 = vector.shape_cast %get3A_930 : vector<1x16xf32> to vector<16xf32>
        %max3A_932 = arith.maximumf %max3A_923, %get3A_931 : vector<16xf32>
        %swap3A_933 = arith.index_cast %scan3A_64 : i32 to index
        %swap3A_934 = arith.constant 80 : index
        %swap3A_935 = tpu.vector_load %arg9[%swap3A_933, %swap3A_934] {strides = array<i32>} : memref<8x128xf32, #tpu.memory_space<vmem>>, vector<1x16xf32>,
        %swap3A_936 = vector.shape_cast %swap3A_935 : vector<1x16xf32> to vector<16xf32>
        %swap3A_937 = vector.shape_cast %max3A_932 : vector<16xf32> to vector<1x16xf32>
        tpu.vector_store %arg9[%swap3A_933, %swap3A_934], %swap3A_937 {strides = array<i32>} : memref<8x128xf32, #tpu.memory_space<vmem>>, vector<1x16xf32>,
        %mul3A_938 = arith.constant 16 : i32
        %mul3A_939 = arith.muli %scan3A_64, %mul3A_938 : i32
        %get3A_940 = arith.index_cast %mul3A_939 : i32 to index
        %get3A_941 = arith.constant 96 : index
        %get3A_942 = tpu.vector_load %arg7[%get3A_940, %get3A_941] {strides = array<i32>} : memref<128x128xf32, #tpu.memory_space<vmem>>, vector<1x16xf32>,
        %get3A_943 = vector.shape_cast %get3A_942 : vector<1x16xf32> to vector<16xf32>
        %mul3A_944 = arith.constant 16 : i32
        %mul3A_945 = arith.muli %scan3A_64, %mul3A_944 : i32
        %add3A_946 = arith.constant 1 : i32
        %add3A_947 = arith.addi %mul3A_945, %add3A_946 : i32
        %get3A_948 = arith.index_cast %add3A_947 : i32 to index
        %get3A_949 = arith.constant 96 : index
        %get3A_950 = tpu.vector_load %arg7[%get3A_948, %get3A_949] {strides = array<i32>} : memref<128x128xf32, #tpu.memory_space<vmem>>, vector<1x16xf32>,
        %get3A_951 = vector.shape_cast %get3A_950 : vector<1x16xf32> to vector<16xf32>
        %max3A_952 = arith.maximumf %get3A_943, %get3A_951 : vector<16xf32>
        %mul3A_953 = arith.constant 16 : i32
        %mul3A_954 = arith.muli %scan3A_64, %mul3A_953 : i32
        %add3A_955 = arith.constant 2 : i32
        %add3A_956 = arith.addi %mul3A_954, %add3A_955 : i32
        %get3A_957 = arith.index_cast %add3A_956 : i32 to index
        %get3A_958 = arith.constant 96 : index
        %get3A_959 = tpu.vector_load %arg7[%get3A_957, %get3A_958] {strides = array<i32>} : memref<128x128xf32, #tpu.memory_space<vmem>>, vector<1x16xf32>,
        %get3A_960 = vector.shape_cast %get3A_959 : vector<1x16xf32> to vector<16xf32>
        %max3A_961 = arith.maximumf %max3A_952, %get3A_960 : vector<16xf32>
        %mul3A_962 = arith.constant 16 : i32
        %mul3A_963 = arith.muli %scan3A_64, %mul3A_962 : i32
        %add3A_964 = arith.constant 3 : i32
        %add3A_965 = arith.addi %mul3A_963, %add3A_964 : i32
        %get3A_966 = arith.index_cast %add3A_965 : i32 to index
        %get3A_967 = arith.constant 96 : index
        %get3A_968 = tpu.vector_load %arg7[%get3A_966, %get3A_967] {strides = array<i32>} : memref<128x128xf32, #tpu.memory_space<vmem>>, vector<1x16xf32>,
        %get3A_969 = vector.shape_cast %get3A_968 : vector<1x16xf32> to vector<16xf32>
        %max3A_970 = arith.maximumf %max3A_961, %get3A_969 : vector<16xf32>
        %mul3A_971 = arith.constant 16 : i32
        %mul3A_972 = arith.muli %scan3A_64, %mul3A_971 : i32
        %add3A_973 = arith.constant 4 : i32
        %add3A_974 = arith.addi %mul3A_972, %add3A_973 : i32
        %get3A_975 = arith.index_cast %add3A_974 : i32 to index
        %get3A_976 = arith.constant 96 : index
        %get3A_977 = tpu.vector_load %arg7[%get3A_975, %get3A_976] {strides = array<i32>} : memref<128x128xf32, #tpu.memory_space<vmem>>, vector<1x16xf32>,
        %get3A_978 = vector.shape_cast %get3A_977 : vector<1x16xf32> to vector<16xf32>
        %max3A_979 = arith.maximumf %max3A_970, %get3A_978 : vector<16xf32>
        %mul3A_980 = arith.constant 16 : i32
        %mul3A_981 = arith.muli %scan3A_64, %mul3A_980 : i32
        %add3A_982 = arith.constant 5 : i32
        %add3A_983 = arith.addi %mul3A_981, %add3A_982 : i32
        %get3A_984 = arith.index_cast %add3A_983 : i32 to index
        %get3A_985 = arith.constant 96 : index
        %get3A_986 = tpu.vector_load %arg7[%get3A_984, %get3A_985] {strides = array<i32>} : memref<128x128xf32, #tpu.memory_space<vmem>>, vector<1x16xf32>,
        %get3A_987 = vector.shape_cast %get3A_986 : vector<1x16xf32> to vector<16xf32>
        %max3A_988 = arith.maximumf %max3A_979, %get3A_987 : vector<16xf32>
        %mul3A_989 = arith.constant 16 : i32
        %mul3A_990 = arith.muli %scan3A_64, %mul3A_989 : i32
        %add3A_991 = arith.constant 6 : i32
        %add3A_992 = arith.addi %mul3A_990, %add3A_991 : i32
        %get3A_993 = arith.index_cast %add3A_992 : i32 to index
        %get3A_994 = arith.constant 96 : index
        %get3A_995 = tpu.vector_load %arg7[%get3A_993, %get3A_994] {strides = array<i32>} : memref<128x128xf32, #tpu.memory_space<vmem>>, vector<1x16xf32>,
        %get3A_996 = vector.shape_cast %get3A_995 : vector<1x16xf32> to vector<16xf32>
        %max3A_997 = arith.maximumf %max3A_988, %get3A_996 : vector<16xf32>
        %mul3A_998 = arith.constant 16 : i32
        %mul3A_999 = arith.muli %scan3A_64, %mul3A_998 : i32
        %add3A_1000 = arith.constant 7 : i32
        %add3A_1001 = arith.addi %mul3A_999, %add3A_1000 : i32
        %get3A_1002 = arith.index_cast %add3A_1001 : i32 to index
        %get3A_1003 = arith.constant 96 : index
        %get3A_1004 = tpu.vector_load %arg7[%get3A_1002, %get3A_1003] {strides = array<i32>} : memref<128x128xf32, #tpu.memory_space<vmem>>, vector<1x16xf32>,
        %get3A_1005 = vector.shape_cast %get3A_1004 : vector<1x16xf32> to vector<16xf32>
        %max3A_1006 = arith.maximumf %max3A_997, %get3A_1005 : vector<16xf32>
        %mul3A_1007 = arith.constant 16 : i32
        %mul3A_1008 = arith.muli %scan3A_64, %mul3A_1007 : i32
        %add3A_1009 = arith.constant 8 : i32
        %add3A_1010 = arith.addi %mul3A_1008, %add3A_1009 : i32
        %get3A_1011 = arith.index_cast %add3A_1010 : i32 to index
        %get3A_1012 = arith.constant 96 : index
        %get3A_1013 = tpu.vector_load %arg7[%get3A_1011, %get3A_1012] {strides = array<i32>} : memref<128x128xf32, #tpu.memory_space<vmem>>, vector<1x16xf32>,
        %get3A_1014 = vector.shape_cast %get3A_1013 : vector<1x16xf32> to vector<16xf32>
        %max3A_1015 = arith.maximumf %max3A_1006, %get3A_1014 : vector<16xf32>
        %mul3A_1016 = arith.constant 16 : i32
        %mul3A_1017 = arith.muli %scan3A_64, %mul3A_1016 : i32
        %add3A_1018 = arith.constant 9 : i32
        %add3A_1019 = arith.addi %mul3A_1017, %add3A_1018 : i32
        %get3A_1020 = arith.index_cast %add3A_1019 : i32 to index
        %get3A_1021 = arith.constant 96 : index
        %get3A_1022 = tpu.vector_load %arg7[%get3A_1020, %get3A_1021] {strides = array<i32>} : memref<128x128xf32, #tpu.memory_space<vmem>>, vector<1x16xf32>,
        %get3A_1023 = vector.shape_cast %get3A_1022 : vector<1x16xf32> to vector<16xf32>
        %max3A_1024 = arith.maximumf %max3A_1015, %get3A_1023 : vector<16xf32>
        %mul3A_1025 = arith.constant 16 : i32
        %mul3A_1026 = arith.muli %scan3A_64, %mul3A_1025 : i32
        %add3A_1027 = arith.constant 10 : i32
        %add3A_1028 = arith.addi %mul3A_1026, %add3A_1027 : i32
        %get3A_1029 = arith.index_cast %add3A_1028 : i32 to index
        %get3A_1030 = arith.constant 96 : index
        %get3A_1031 = tpu.vector_load %arg7[%get3A_1029, %get3A_1030] {strides = array<i32>} : memref<128x128xf32, #tpu.memory_space<vmem>>, vector<1x16xf32>,
        %get3A_1032 = vector.shape_cast %get3A_1031 : vector<1x16xf32> to vector<16xf32>
        %max3A_1033 = arith.maximumf %max3A_1024, %get3A_1032 : vector<16xf32>
        %mul3A_1034 = arith.constant 16 : i32
        %mul3A_1035 = arith.muli %scan3A_64, %mul3A_1034 : i32
        %add3A_1036 = arith.constant 11 : i32
        %add3A_1037 = arith.addi %mul3A_1035, %add3A_1036 : i32
        %get3A_1038 = arith.index_cast %add3A_1037 : i32 to index
        %get3A_1039 = arith.constant 96 : index
        %get3A_1040 = tpu.vector_load %arg7[%get3A_1038, %get3A_1039] {strides = array<i32>} : memref<128x128xf32, #tpu.memory_space<vmem>>, vector<1x16xf32>,
        %get3A_1041 = vector.shape_cast %get3A_1040 : vector<1x16xf32> to vector<16xf32>
        %max3A_1042 = arith.maximumf %max3A_1033, %get3A_1041 : vector<16xf32>
        %mul3A_1043 = arith.constant 16 : i32
        %mul3A_1044 = arith.muli %scan3A_64, %mul3A_1043 : i32
        %add3A_1045 = arith.constant 12 : i32
        %add3A_1046 = arith.addi %mul3A_1044, %add3A_1045 : i32
        %get3A_1047 = arith.index_cast %add3A_1046 : i32 to index
        %get3A_1048 = arith.constant 96 : index
        %get3A_1049 = tpu.vector_load %arg7[%get3A_1047, %get3A_1048] {strides = array<i32>} : memref<128x128xf32, #tpu.memory_space<vmem>>, vector<1x16xf32>,
        %get3A_1050 = vector.shape_cast %get3A_1049 : vector<1x16xf32> to vector<16xf32>
        %max3A_1051 = arith.maximumf %max3A_1042, %get3A_1050 : vector<16xf32>
        %mul3A_1052 = arith.constant 16 : i32
        %mul3A_1053 = arith.muli %scan3A_64, %mul3A_1052 : i32
        %add3A_1054 = arith.constant 13 : i32
        %add3A_1055 = arith.addi %mul3A_1053, %add3A_1054 : i32
        %get3A_1056 = arith.index_cast %add3A_1055 : i32 to index
        %get3A_1057 = arith.constant 96 : index
        %get3A_1058 = tpu.vector_load %arg7[%get3A_1056, %get3A_1057] {strides = array<i32>} : memref<128x128xf32, #tpu.memory_space<vmem>>, vector<1x16xf32>,
        %get3A_1059 = vector.shape_cast %get3A_1058 : vector<1x16xf32> to vector<16xf32>
        %max3A_1060 = arith.maximumf %max3A_1051, %get3A_1059 : vector<16xf32>
        %mul3A_1061 = arith.constant 16 : i32
        %mul3A_1062 = arith.muli %scan3A_64, %mul3A_1061 : i32
        %add3A_1063 = arith.constant 14 : i32
        %add3A_1064 = arith.addi %mul3A_1062, %add3A_1063 : i32
        %get3A_1065 = arith.index_cast %add3A_1064 : i32 to index
        %get3A_1066 = arith.constant 96 : index
        %get3A_1067 = tpu.vector_load %arg7[%get3A_1065, %get3A_1066] {strides = array<i32>} : memref<128x128xf32, #tpu.memory_space<vmem>>, vector<1x16xf32>,
        %get3A_1068 = vector.shape_cast %get3A_1067 : vector<1x16xf32> to vector<16xf32>
        %max3A_1069 = arith.maximumf %max3A_1060, %get3A_1068 : vector<16xf32>
        %mul3A_1070 = arith.constant 16 : i32
        %mul3A_1071 = arith.muli %scan3A_64, %mul3A_1070 : i32
        %add3A_1072 = arith.constant 15 : i32
        %add3A_1073 = arith.addi %mul3A_1071, %add3A_1072 : i32
        %get3A_1074 = arith.index_cast %add3A_1073 : i32 to index
        %get3A_1075 = arith.constant 96 : index
        %get3A_1076 = tpu.vector_load %arg7[%get3A_1074, %get3A_1075] {strides = array<i32>} : memref<128x128xf32, #tpu.memory_space<vmem>>, vector<1x16xf32>,
        %get3A_1077 = vector.shape_cast %get3A_1076 : vector<1x16xf32> to vector<16xf32>
        %max3A_1078 = arith.maximumf %max3A_1069, %get3A_1077 : vector<16xf32>
        %swap3A_1079 = arith.index_cast %scan3A_64 : i32 to index
        %swap3A_1080 = arith.constant 96 : index
        %swap3A_1081 = tpu.vector_load %arg9[%swap3A_1079, %swap3A_1080] {strides = array<i32>} : memref<8x128xf32, #tpu.memory_space<vmem>>, vector<1x16xf32>,
        %swap3A_1082 = vector.shape_cast %swap3A_1081 : vector<1x16xf32> to vector<16xf32>
        %swap3A_1083 = vector.shape_cast %max3A_1078 : vector<16xf32> to vector<1x16xf32>
        tpu.vector_store %arg9[%swap3A_1079, %swap3A_1080], %swap3A_1083 {strides = array<i32>} : memref<8x128xf32, #tpu.memory_space<vmem>>, vector<1x16xf32>,
        %mul3A_1084 = arith.constant 16 : i32
        %mul3A_1085 = arith.muli %scan3A_64, %mul3A_1084 : i32
        %get3A_1086 = arith.index_cast %mul3A_1085 : i32 to index
        %get3A_1087 = arith.constant 112 : index
        %get3A_1088 = tpu.vector_load %arg7[%get3A_1086, %get3A_1087] {strides = array<i32>} : memref<128x128xf32, #tpu.memory_space<vmem>>, vector<1x16xf32>,
        %get3A_1089 = vector.shape_cast %get3A_1088 : vector<1x16xf32> to vector<16xf32>
        %mul3A_1090 = arith.constant 16 : i32
        %mul3A_1091 = arith.muli %scan3A_64, %mul3A_1090 : i32
        %add3A_1092 = arith.constant 1 : i32
        %add3A_1093 = arith.addi %mul3A_1091, %add3A_1092 : i32
        %get3A_1094 = arith.index_cast %add3A_1093 : i32 to index
        %get3A_1095 = arith.constant 112 : index
        %get3A_1096 = tpu.vector_load %arg7[%get3A_1094, %get3A_1095] {strides = array<i32>} : memref<128x128xf32, #tpu.memory_space<vmem>>, vector<1x16xf32>,
        %get3A_1097 = vector.shape_cast %get3A_1096 : vector<1x16xf32> to vector<16xf32>
        %max3A_1098 = arith.maximumf %get3A_1089, %get3A_1097 : vector<16xf32>
        %mul3A_1099 = arith.constant 16 : i32
        %mul3A_1100 = arith.muli %scan3A_64, %mul3A_1099 : i32
        %add3A_1101 = arith.constant 2 : i32
        %add3A_1102 = arith.addi %mul3A_1100, %add3A_1101 : i32
        %get3A_1103 = arith.index_cast %add3A_1102 : i32 to index
        %get3A_1104 = arith.constant 112 : index
        %get3A_1105 = tpu.vector_load %arg7[%get3A_1103, %get3A_1104] {strides = array<i32>} : memref<128x128xf32, #tpu.memory_space<vmem>>, vector<1x16xf32>,
        %get3A_1106 = vector.shape_cast %get3A_1105 : vector<1x16xf32> to vector<16xf32>
        %max3A_1107 = arith.maximumf %max3A_1098, %get3A_1106 : vector<16xf32>
        %mul3A_1108 = arith.constant 16 : i32
        %mul3A_1109 = arith.muli %scan3A_64, %mul3A_1108 : i32
        %add3A_1110 = arith.constant 3 : i32
        %add3A_1111 = arith.addi %mul3A_1109, %add3A_1110 : i32
        %get3A_1112 = arith.index_cast %add3A_1111 : i32 to index
        %get3A_1113 = arith.constant 112 : index
        %get3A_1114 = tpu.vector_load %arg7[%get3A_1112, %get3A_1113] {strides = array<i32>} : memref<128x128xf32, #tpu.memory_space<vmem>>, vector<1x16xf32>,
        %get3A_1115 = vector.shape_cast %get3A_1114 : vector<1x16xf32> to vector<16xf32>
        %max3A_1116 = arith.maximumf %max3A_1107, %get3A_1115 : vector<16xf32>
        %mul3A_1117 = arith.constant 16 : i32
        %mul3A_1118 = arith.muli %scan3A_64, %mul3A_1117 : i32
        %add3A_1119 = arith.constant 4 : i32
        %add3A_1120 = arith.addi %mul3A_1118, %add3A_1119 : i32
        %get3A_1121 = arith.index_cast %add3A_1120 : i32 to index
        %get3A_1122 = arith.constant 112 : index
        %get3A_1123 = tpu.vector_load %arg7[%get3A_1121, %get3A_1122] {strides = array<i32>} : memref<128x128xf32, #tpu.memory_space<vmem>>, vector<1x16xf32>,
        %get3A_1124 = vector.shape_cast %get3A_1123 : vector<1x16xf32> to vector<16xf32>
        %max3A_1125 = arith.maximumf %max3A_1116, %get3A_1124 : vector<16xf32>
        %mul3A_1126 = arith.constant 16 : i32
        %mul3A_1127 = arith.muli %scan3A_64, %mul3A_1126 : i32
        %add3A_1128 = arith.constant 5 : i32
        %add3A_1129 = arith.addi %mul3A_1127, %add3A_1128 : i32
        %get3A_1130 = arith.index_cast %add3A_1129 : i32 to index
        %get3A_1131 = arith.constant 112 : index
        %get3A_1132 = tpu.vector_load %arg7[%get3A_1130, %get3A_1131] {strides = array<i32>} : memref<128x128xf32, #tpu.memory_space<vmem>>, vector<1x16xf32>,
        %get3A_1133 = vector.shape_cast %get3A_1132 : vector<1x16xf32> to vector<16xf32>
        %max3A_1134 = arith.maximumf %max3A_1125, %get3A_1133 : vector<16xf32>
        %mul3A_1135 = arith.constant 16 : i32
        %mul3A_1136 = arith.muli %scan3A_64, %mul3A_1135 : i32
        %add3A_1137 = arith.constant 6 : i32
        %add3A_1138 = arith.addi %mul3A_1136, %add3A_1137 : i32
        %get3A_1139 = arith.index_cast %add3A_1138 : i32 to index
        %get3A_1140 = arith.constant 112 : index
        %get3A_1141 = tpu.vector_load %arg7[%get3A_1139, %get3A_1140] {strides = array<i32>} : memref<128x128xf32, #tpu.memory_space<vmem>>, vector<1x16xf32>,
        %get3A_1142 = vector.shape_cast %get3A_1141 : vector<1x16xf32> to vector<16xf32>
        %max3A_1143 = arith.maximumf %max3A_1134, %get3A_1142 : vector<16xf32>
        %mul3A_1144 = arith.constant 16 : i32
        %mul3A_1145 = arith.muli %scan3A_64, %mul3A_1144 : i32
        %add3A_1146 = arith.constant 7 : i32
        %add3A_1147 = arith.addi %mul3A_1145, %add3A_1146 : i32
        %get3A_1148 = arith.index_cast %add3A_1147 : i32 to index
        %get3A_1149 = arith.constant 112 : index
        %get3A_1150 = tpu.vector_load %arg7[%get3A_1148, %get3A_1149] {strides = array<i32>} : memref<128x128xf32, #tpu.memory_space<vmem>>, vector<1x16xf32>,
        %get3A_1151 = vector.shape_cast %get3A_1150 : vector<1x16xf32> to vector<16xf32>
        %max3A_1152 = arith.maximumf %max3A_1143, %get3A_1151 : vector<16xf32>
        %mul3A_1153 = arith.constant 16 : i32
        %mul3A_1154 = arith.muli %scan3A_64, %mul3A_1153 : i32
        %add3A_1155 = arith.constant 8 : i32
        %add3A_1156 = arith.addi %mul3A_1154, %add3A_1155 : i32
        %get3A_1157 = arith.index_cast %add3A_1156 : i32 to index
        %get3A_1158 = arith.constant 112 : index
        %get3A_1159 = tpu.vector_load %arg7[%get3A_1157, %get3A_1158] {strides = array<i32>} : memref<128x128xf32, #tpu.memory_space<vmem>>, vector<1x16xf32>,
        %get3A_1160 = vector.shape_cast %get3A_1159 : vector<1x16xf32> to vector<16xf32>
        %max3A_1161 = arith.maximumf %max3A_1152, %get3A_1160 : vector<16xf32>
        %mul3A_1162 = arith.constant 16 : i32
        %mul3A_1163 = arith.muli %scan3A_64, %mul3A_1162 : i32
        %add3A_1164 = arith.constant 9 : i32
        %add3A_1165 = arith.addi %mul3A_1163, %add3A_1164 : i32
        %get3A_1166 = arith.index_cast %add3A_1165 : i32 to index
        %get3A_1167 = arith.constant 112 : index
        %get3A_1168 = tpu.vector_load %arg7[%get3A_1166, %get3A_1167] {strides = array<i32>} : memref<128x128xf32, #tpu.memory_space<vmem>>, vector<1x16xf32>,
        %get3A_1169 = vector.shape_cast %get3A_1168 : vector<1x16xf32> to vector<16xf32>
        %max3A_1170 = arith.maximumf %max3A_1161, %get3A_1169 : vector<16xf32>
        %mul3A_1171 = arith.constant 16 : i32
        %mul3A_1172 = arith.muli %scan3A_64, %mul3A_1171 : i32
        %add3A_1173 = arith.constant 10 : i32
        %add3A_1174 = arith.addi %mul3A_1172, %add3A_1173 : i32
        %get3A_1175 = arith.index_cast %add3A_1174 : i32 to index
        %get3A_1176 = arith.constant 112 : index
        %get3A_1177 = tpu.vector_load %arg7[%get3A_1175, %get3A_1176] {strides = array<i32>} : memref<128x128xf32, #tpu.memory_space<vmem>>, vector<1x16xf32>,
        %get3A_1178 = vector.shape_cast %get3A_1177 : vector<1x16xf32> to vector<16xf32>
        %max3A_1179 = arith.maximumf %max3A_1170, %get3A_1178 : vector<16xf32>
        %mul3A_1180 = arith.constant 16 : i32
        %mul3A_1181 = arith.muli %scan3A_64, %mul3A_1180 : i32
        %add3A_1182 = arith.constant 11 : i32
        %add3A_1183 = arith.addi %mul3A_1181, %add3A_1182 : i32
        %get3A_1184 = arith.index_cast %add3A_1183 : i32 to index
        %get3A_1185 = arith.constant 112 : index
        %get3A_1186 = tpu.vector_load %arg7[%get3A_1184, %get3A_1185] {strides = array<i32>} : memref<128x128xf32, #tpu.memory_space<vmem>>, vector<1x16xf32>,
        %get3A_1187 = vector.shape_cast %get3A_1186 : vector<1x16xf32> to vector<16xf32>
        %max3A_1188 = arith.maximumf %max3A_1179, %get3A_1187 : vector<16xf32>
        %mul3A_1189 = arith.constant 16 : i32
        %mul3A_1190 = arith.muli %scan3A_64, %mul3A_1189 : i32
        %add3A_1191 = arith.constant 12 : i32
        %add3A_1192 = arith.addi %mul3A_1190, %add3A_1191 : i32
        %get3A_1193 = arith.index_cast %add3A_1192 : i32 to index
        %get3A_1194 = arith.constant 112 : index
        %get3A_1195 = tpu.vector_load %arg7[%get3A_1193, %get3A_1194] {strides = array<i32>} : memref<128x128xf32, #tpu.memory_space<vmem>>, vector<1x16xf32>,
        %get3A_1196 = vector.shape_cast %get3A_1195 : vector<1x16xf32> to vector<16xf32>
        %max3A_1197 = arith.maximumf %max3A_1188, %get3A_1196 : vector<16xf32>
        %mul3A_1198 = arith.constant 16 : i32
        %mul3A_1199 = arith.muli %scan3A_64, %mul3A_1198 : i32
        %add3A_1200 = arith.constant 13 : i32
        %add3A_1201 = arith.addi %mul3A_1199, %add3A_1200 : i32
        %get3A_1202 = arith.index_cast %add3A_1201 : i32 to index
        %get3A_1203 = arith.constant 112 : index
        %get3A_1204 = tpu.vector_load %arg7[%get3A_1202, %get3A_1203] {strides = array<i32>} : memref<128x128xf32, #tpu.memory_space<vmem>>, vector<1x16xf32>,
        %get3A_1205 = vector.shape_cast %get3A_1204 : vector<1x16xf32> to vector<16xf32>
        %max3A_1206 = arith.maximumf %max3A_1197, %get3A_1205 : vector<16xf32>
        %mul3A_1207 = arith.constant 16 : i32
        %mul3A_1208 = arith.muli %scan3A_64, %mul3A_1207 : i32
        %add3A_1209 = arith.constant 14 : i32
        %add3A_1210 = arith.addi %mul3A_1208, %add3A_1209 : i32
        %get3A_1211 = arith.index_cast %add3A_1210 : i32 to index
        %get3A_1212 = arith.constant 112 : index
        %get3A_1213 = tpu.vector_load %arg7[%get3A_1211, %get3A_1212] {strides = array<i32>} : memref<128x128xf32, #tpu.memory_space<vmem>>, vector<1x16xf32>,
        %get3A_1214 = vector.shape_cast %get3A_1213 : vector<1x16xf32> to vector<16xf32>
        %max3A_1215 = arith.maximumf %max3A_1206, %get3A_1214 : vector<16xf32>
        %mul3A_1216 = arith.constant 16 : i32
        %mul3A_1217 = arith.muli %scan3A_64, %mul3A_1216 : i32
        %add3A_1218 = arith.constant 15 : i32
        %add3A_1219 = arith.addi %mul3A_1217, %add3A_1218 : i32
        %get3A_1220 = arith.index_cast %add3A_1219 : i32 to index
        %get3A_1221 = arith.constant 112 : index
        %get3A_1222 = tpu.vector_load %arg7[%get3A_1220, %get3A_1221] {strides = array<i32>} : memref<128x128xf32, #tpu.memory_space<vmem>>, vector<1x16xf32>,
        %get3A_1223 = vector.shape_cast %get3A_1222 : vector<1x16xf32> to vector<16xf32>
        %max3A_1224 = arith.maximumf %max3A_1215, %get3A_1223 : vector<16xf32>
        %swap3A_1225 = arith.index_cast %scan3A_64 : i32 to index
        %swap3A_1226 = arith.constant 112 : index
        %swap3A_1227 = tpu.vector_load %arg9[%swap3A_1225, %swap3A_1226] {strides = array<i32>} : memref<8x128xf32, #tpu.memory_space<vmem>>, vector<1x16xf32>,
        %swap3A_1228 = vector.shape_cast %swap3A_1227 : vector<1x16xf32> to vector<16xf32>
        %swap3A_1229 = vector.shape_cast %max3A_1224 : vector<16xf32> to vector<1x16xf32>
        tpu.vector_store %arg9[%swap3A_1225, %swap3A_1226], %swap3A_1229 {strides = array<i32>} : memref<8x128xf32, #tpu.memory_space<vmem>>, vector<1x16xf32>,
      }
      %scan3A_60 = arith.constant 8 : i32
      %mul3A_61 = arith.constant 8 : i32
      %mul3A_62 = arith.muli %add3A_54, %mul3A_61 : i32
      %add3A_63 = arith.addi %mul3A_2, %mul3A_62 : i32
      "tpu.region"() ({
        %run_scoped3A = tpu.sem_alloc : memref<!tpu.dma_semaphore, #tpu.memory_space<semaphore_mem>>
        %dma_start3A_64 = arith.constant 0 : i32
        %dma_start3A_65 = tpu.memref_slice %arg4[%add3A_63, %dma_start3A_64] : memref<8192x128xf32, #tpu.memory_space<hbm>> -> memref<8x128xf32, #tpu.memory_space<hbm>>
        %dma_start3A_66 = arith.constant 0 : i32
        %dma_start3A_67 = tpu.memref_slice %arg4[%add3A_63, %dma_start3A_66] : memref<8192x128xf32, #tpu.memory_space<hbm>> -> memref<8x128xf32, #tpu.memory_space<hbm>>
        tpu.enqueue_dma source(%arg9 : memref<8x128xf32, #tpu.memory_space<vmem>>) target(%dma_start3A_67 : memref<8x128xf32, #tpu.memory_space<hbm>>) target_semaphore(%run_scoped3A : memref<!tpu.dma_semaphore, #tpu.memory_space<semaphore_mem>>)
        %dma_wait3A_68 = arith.constant 0 : i32
        %dma_wait3A_69 = tpu.memref_slice %arg4[%add3A_63, %dma_wait3A_68] : memref<8192x128xf32, #tpu.memory_space<hbm>> -> memref<8x128xf32, #tpu.memory_space<hbm>>
        %dma_wait3A_70 = arith.constant 0 : i32
        %dma_wait3A_71 = tpu.memref_slice %arg4[%add3A_63, %dma_wait3A_70] : memref<8192x128xf32, #tpu.memory_space<hbm>> -> memref<8x128xf32, #tpu.memory_space<hbm>>
        tpu.wait_dma2 semaphore(%run_scoped3A : memref<!tpu.dma_semaphore, #tpu.memory_space<semaphore_mem>>) src(%arg9 : memref<8x128xf32, #tpu.memory_space<vmem>>) dst(%dma_wait3A_71 : memref<8x128xf32, #tpu.memory_space<hbm>>)
        tpu.yield
      }) : () -> ()
    }
    %scan3A_13 = arith.constant 16 : i32
    return
  }
}

module attributes {stable_mosaic.version = 14 : i64} {
  func.func @_head_body(%arg0: memref<8192x128xf32, #tpu.memory_space<vmem>>, %arg1: memref<128x128xf32, #tpu.memory_space<vmem>>, %arg2: memref<1x128xf32, #tpu.memory_space<vmem>>, %arg3: memref<1x128xf32, #tpu.memory_space<vmem>>, %arg4: memref<1x128xf32, #tpu.memory_space<vmem>>, %arg5: memref<8192x128xf32, #tpu.memory_space<vmem>>) attributes {dimension_semantics = [], scalar_prefetch = 0 : i64, scratch_operands = 0 : i64, tpu.core_type = #tpu.core_type<tc>} {
    %get3A = arith.constant 0 : index
    %get3A_0 = arith.constant 0 : index
    %get3A_1 = vector.load %arg0[%get3A, %get3A_0] : memref<8192x128xf32, #tpu.memory_space<vmem>>, vector<8192x128xf32>
    %get3A_2 = arith.constant 0 : index
    %get3A_3 = arith.constant 0 : index
    %get3A_4 = vector.load %arg1[%get3A_2, %get3A_3] : memref<128x128xf32, #tpu.memory_space<vmem>>, vector<128x128xf32>
    %dot_general3A = arith.constant dense<0.000000e+00> : vector<8192x128xf32>
    %dot_general3A_5 = tpu.matmul %get3A_1, %get3A_4, %dot_general3A {dimension_numbers = #tpu.dot_dimension_numbers<[1], [1], [0], [0], [0, 0, 1, 0], [], []>, transpose_lhs_hint = false} : vector<8192x128xf32>, vector<128x128xf32>, vector<8192x128xf32> -> vector<8192x128xf32>
    %get3A_6 = arith.constant 0 : index
    %get3A_7 = arith.constant 0 : index
    %get3A_8 = vector.load %arg2[%get3A_6, %get3A_7] : memref<1x128xf32, #tpu.memory_space<vmem>>, vector<1x128xf32>
    %add3A = vector.broadcast %get3A_8 : vector<1x128xf32> to vector<8192x128xf32>
    %add3A_9 = arith.addf %dot_general3A_5, %add3A : vector<8192x128xf32>
    %reduce_sum3A = arith.constant dense<0.000000e+00> : vector<128xf32>
    %reduce_sum3A_10 = vector.multi_reduction <add>, %add3A_9, %reduce_sum3A [0] : vector<8192x128xf32> to vector<128xf32>
    %broadcast_in_dim3A = vector.shape_cast %reduce_sum3A_10 : vector<128xf32> to vector<1x128xf32>
    %div3A = arith.constant 8.192000e+03 : f32
    %div3A_11 = vector.broadcast %div3A : f32 to vector<1x128xf32>
    %div3A_12 = arith.divf %broadcast_in_dim3A, %div3A_11 : vector<1x128xf32>
    %sub3A = vector.broadcast %div3A_12 : vector<1x128xf32> to vector<8192x128xf32>
    %sub3A_13 = arith.subf %add3A_9, %sub3A : vector<8192x128xf32>
    %mul3A = arith.mulf %sub3A_13, %sub3A_13 : vector<8192x128xf32>
    %reduce_sum3A_14 = arith.constant dense<0.000000e+00> : vector<128xf32>
    %reduce_sum3A_15 = vector.multi_reduction <add>, %mul3A, %reduce_sum3A_14 [0] : vector<8192x128xf32> to vector<128xf32>
    %broadcast_in_dim3A_16 = vector.shape_cast %reduce_sum3A_15 : vector<128xf32> to vector<1x128xf32>
    %div3A_17 = arith.constant 8.192000e+03 : f32
    %div3A_18 = vector.broadcast %div3A_17 : f32 to vector<1x128xf32>
    %div3A_19 = arith.divf %broadcast_in_dim3A_16, %div3A_18 : vector<1x128xf32>
    %get3A_20 = arith.constant 0 : index
    %get3A_21 = arith.constant 0 : index
    %get3A_22 = vector.load %arg3[%get3A_20, %get3A_21] : memref<1x128xf32, #tpu.memory_space<vmem>>, vector<1x128xf32>
    %add3A_23 = arith.constant 9.99999974E-6 : f32
    %add3A_24 = vector.broadcast %add3A_23 : f32 to vector<1x128xf32>
    %add3A_25 = arith.addf %div3A_19, %add3A_24 : vector<1x128xf32>
    %sqrt3A = math.sqrt %add3A_25 : vector<1x128xf32>
    %div3A_26 = arith.divf %get3A_22, %sqrt3A : vector<1x128xf32>
    %mul3A_27 = vector.broadcast %div3A_26 : vector<1x128xf32> to vector<8192x128xf32>
    %mul3A_28 = arith.mulf %sub3A_13, %mul3A_27 : vector<8192x128xf32>
    %get3A_29 = arith.constant 0 : index
    %get3A_30 = arith.constant 0 : index
    %get3A_31 = vector.load %arg4[%get3A_29, %get3A_30] : memref<1x128xf32, #tpu.memory_space<vmem>>, vector<1x128xf32>
    %add3A_32 = vector.broadcast %get3A_31 : vector<1x128xf32> to vector<8192x128xf32>
    %add3A_33 = arith.addf %mul3A_28, %add3A_32 : vector<8192x128xf32>
    %max3A = arith.constant 0.000000e+00 : f32
    %max3A_34 = vector.broadcast %max3A : f32 to vector<8192x128xf32>
    %max3A_35 = arith.maximumf %add3A_33, %max3A_34 : vector<8192x128xf32>
    %swap3A = arith.constant 0 : index
    %swap3A_36 = arith.constant 0 : index
    %swap3A_37 = vector.load %arg5[%swap3A, %swap3A_36] : memref<8192x128xf32, #tpu.memory_space<vmem>>, vector<8192x128xf32>
    tpu.vector_store %arg5[%swap3A, %swap3A_36], %max3A_35 {strides = array<i32>} : memref<8192x128xf32, #tpu.memory_space<vmem>>, vector<8192x128xf32>,
    return
  }
}

module attributes {stable_mosaic.version = 14 : i64} {
  func.func @_knn_body(%arg0: i32, %arg1: i32, %arg2: memref<1x4096x128xf32, #tpu.memory_space<vmem>>, %arg3: memref<1x128x4096xf32, #tpu.memory_space<vmem>>, %arg4: memref<1x256x16xi32, #tpu.memory_space<vmem>>) attributes {dimension_semantics = [#tpu.dimension_semantics<arbitrary>, #tpu.dimension_semantics<arbitrary>], iteration_bounds = array<i64: 2, 16>, scalar_prefetch = 0 : i64, scratch_operands = 0 : i64, tpu.core_type = #tpu.core_type<tc>, window_params = [{transform_indices = @transform_0, window_bounds = array<i64: 1, 4096, 128>}, {transform_indices = @transform_1, window_bounds = array<i64: 1, 128, 4096>}, {transform_indices = @transform_2, window_bounds = array<i64: 1, 256, 16>}]} {
    %get3A = arith.constant 0 : index
    %get3A_0 = arith.constant 0 : index
    %get3A_1 = arith.constant 0 : index
    %get3A_2 = vector.load %arg3[%get3A, %get3A_0, %get3A_1] : memref<1x128x4096xf32, #tpu.memory_space<vmem>>, vector<1x128x4096xf32>
    %get3A_3 = vector.shape_cast %get3A_2 : vector<1x128x4096xf32> to vector<128x4096xf32>
    %mul3A = arith.constant 256 : i32
    %mul3A_4 = arith.muli %arg1, %mul3A : i32
    %get3A_5 = arith.constant 0 : index
    %get3A_6 = arith.index_cast %mul3A_4 : i32 to index
    %get3A_7 = arith.constant 0 : index
    %get3A_8 = vector.load %arg2[%get3A_5, %get3A_6, %get3A_7] : memref<1x4096x128xf32, #tpu.memory_space<vmem>>, vector<1x256x128xf32>
    %get3A_9 = vector.shape_cast %get3A_8 : vector<1x256x128xf32> to vector<256x128xf32>
    %dot_general3A = arith.constant dense<0.000000e+00> : vector<256x4096xf32>
    %dot_general3A_10 = tpu.matmul %get3A_9, %get3A_3, %dot_general3A {dimension_numbers = #tpu.dot_dimension_numbers<[1], [0], [0], [1], [0, 0, 1, 1], [], []>, transpose_lhs_hint = false} : vector<256x128xf32>, vector<128x4096xf32>, vector<256x4096xf32> -> vector<256x4096xf32>
    %mul3A_11 = arith.mulf %get3A_3, %get3A_3 : vector<128x4096xf32>
    %reduce_sum3A = arith.constant dense<0.000000e+00> : vector<4096xf32>
    %reduce_sum3A_12 = vector.multi_reduction <add>, %mul3A_11, %reduce_sum3A [0] : vector<128x4096xf32> to vector<4096xf32>
    %broadcast_in_dim3A = vector.shape_cast %reduce_sum3A_12 : vector<4096xf32> to vector<1x4096xf32>
    %mul3A_13 = arith.mulf %get3A_9, %get3A_9 : vector<256x128xf32>
    %reduce_sum3A_14 = arith.constant dense<0.000000e+00> : vector<256xf32>
    %reduce_sum3A_15 = vector.multi_reduction <add>, %mul3A_13, %reduce_sum3A_14 [1] : vector<256x128xf32> to vector<256xf32>
    %broadcast_in_dim3A_16 = vector.shape_cast %reduce_sum3A_15 : vector<256xf32> to vector<256x1xf32>
    %mul3A_17 = arith.constant 2.000000e+00 : f32
    %mul3A_18 = vector.broadcast %mul3A_17 : f32 to vector<256x4096xf32>
    %mul3A_19 = arith.mulf %mul3A_18, %dot_general3A_10 : vector<256x4096xf32>
    %sub3A = vector.broadcast %broadcast_in_dim3A_16 : vector<256x1xf32> to vector<256x4096xf32>
    %sub3A_20 = arith.subf %sub3A, %mul3A_19 : vector<256x4096xf32>
    %add3A = vector.broadcast %broadcast_in_dim3A : vector<1x4096xf32> to vector<256x4096xf32>
    %add3A_21 = arith.addf %sub3A_20, %add3A : vector<256x4096xf32>
    %iota3A = tpu.iota {dimensions = array<i32: 1>} : vector<256x4096xi32>
    %convert_element_type3A = arith.sitofp %iota3A : vector<256x4096xi32> to vector<256x4096xf32>
    %reduce_min3A = arith.constant dense<0x7F800000> : vector<256xf32>
    %reduce_min3A_22 = vector.multi_reduction <minimumf>, %add3A_21, %reduce_min3A [1] : vector<256x4096xf32> to vector<256xf32>
    %broadcast_in_dim3A_23 = vector.shape_cast %reduce_min3A_22 : vector<256xf32> to vector<256x1xf32>
    %eq3A = vector.broadcast %broadcast_in_dim3A_23 : vector<256x1xf32> to vector<256x4096xf32>
    %eq3A_24 = arith.cmpf oeq, %add3A_21, %eq3A : vector<256x4096xf32>
    %jit3A = arith.constant 3.000000e+38 : f32
    %broadcast_in_dim3A_25 = vector.broadcast %jit3A : f32 to vector<256x4096xf32>
    %select_n3A = arith.select %eq3A_24, %convert_element_type3A, %broadcast_in_dim3A_25 : vector<256x4096xi1>, vector<256x4096xf32>
    %reduce_min3A_26 = arith.constant dense<0x7F800000> : vector<256xf32>
    %reduce_min3A_27 = vector.multi_reduction <minimumf>, %select_n3A, %reduce_min3A_26 [1] : vector<256x4096xf32> to vector<256xf32>
    %broadcast_in_dim3A_28 = vector.shape_cast %reduce_min3A_27 : vector<256xf32> to vector<256x1xf32>
    %convert_element_type3A_29 = arith.fptosi %broadcast_in_dim3A_28 : vector<256x1xf32> to vector<256x1xi32>
    %eq3A_30 = vector.broadcast %broadcast_in_dim3A_28 : vector<256x1xf32> to vector<256x4096xf32>
    %eq3A_31 = arith.cmpf oeq, %convert_element_type3A, %eq3A_30 : vector<256x4096xf32>
    %jit3A_32 = arith.constant 3.000000e+38 : f32
    %broadcast_in_dim3A_33 = vector.broadcast %jit3A_32 : f32 to vector<256x4096xf32>
    %select_n3A_34 = arith.select %eq3A_31, %broadcast_in_dim3A_33, %add3A_21 : vector<256x4096xi1>, vector<256x4096xf32>
    %reduce_min3A_35 = arith.constant dense<0x7F800000> : vector<256xf32>
    %reduce_min3A_36 = vector.multi_reduction <minimumf>, %select_n3A_34, %reduce_min3A_35 [1] : vector<256x4096xf32> to vector<256xf32>
    %broadcast_in_dim3A_37 = vector.shape_cast %reduce_min3A_36 : vector<256xf32> to vector<256x1xf32>
    %eq3A_38 = vector.broadcast %broadcast_in_dim3A_37 : vector<256x1xf32> to vector<256x4096xf32>
    %eq3A_39 = arith.cmpf oeq, %select_n3A_34, %eq3A_38 : vector<256x4096xf32>
    %jit3A_40 = arith.constant 3.000000e+38 : f32
    %broadcast_in_dim3A_41 = vector.broadcast %jit3A_40 : f32 to vector<256x4096xf32>
    %select_n3A_42 = arith.select %eq3A_39, %convert_element_type3A, %broadcast_in_dim3A_41 : vector<256x4096xi1>, vector<256x4096xf32>
    %reduce_min3A_43 = arith.constant dense<0x7F800000> : vector<256xf32>
    %reduce_min3A_44 = vector.multi_reduction <minimumf>, %select_n3A_42, %reduce_min3A_43 [1] : vector<256x4096xf32> to vector<256xf32>
    %broadcast_in_dim3A_45 = vector.shape_cast %reduce_min3A_44 : vector<256xf32> to vector<256x1xf32>
    %convert_element_type3A_46 = arith.fptosi %broadcast_in_dim3A_45 : vector<256x1xf32> to vector<256x1xi32>
    %eq3A_47 = vector.broadcast %broadcast_in_dim3A_45 : vector<256x1xf32> to vector<256x4096xf32>
    %eq3A_48 = arith.cmpf oeq, %convert_element_type3A, %eq3A_47 : vector<256x4096xf32>
    %jit3A_49 = arith.constant 3.000000e+38 : f32
    %broadcast_in_dim3A_50 = vector.broadcast %jit3A_49 : f32 to vector<256x4096xf32>
    %select_n3A_51 = arith.select %eq3A_48, %broadcast_in_dim3A_50, %select_n3A_34 : vector<256x4096xi1>, vector<256x4096xf32>
    %reduce_min3A_52 = arith.constant dense<0x7F800000> : vector<256xf32>
    %reduce_min3A_53 = vector.multi_reduction <minimumf>, %select_n3A_51, %reduce_min3A_52 [1] : vector<256x4096xf32> to vector<256xf32>
    %broadcast_in_dim3A_54 = vector.shape_cast %reduce_min3A_53 : vector<256xf32> to vector<256x1xf32>
    %eq3A_55 = vector.broadcast %broadcast_in_dim3A_54 : vector<256x1xf32> to vector<256x4096xf32>
    %eq3A_56 = arith.cmpf oeq, %select_n3A_51, %eq3A_55 : vector<256x4096xf32>
    %jit3A_57 = arith.constant 3.000000e+38 : f32
    %broadcast_in_dim3A_58 = vector.broadcast %jit3A_57 : f32 to vector<256x4096xf32>
    %select_n3A_59 = arith.select %eq3A_56, %convert_element_type3A, %broadcast_in_dim3A_58 : vector<256x4096xi1>, vector<256x4096xf32>
    %reduce_min3A_60 = arith.constant dense<0x7F800000> : vector<256xf32>
    %reduce_min3A_61 = vector.multi_reduction <minimumf>, %select_n3A_59, %reduce_min3A_60 [1] : vector<256x4096xf32> to vector<256xf32>
    %broadcast_in_dim3A_62 = vector.shape_cast %reduce_min3A_61 : vector<256xf32> to vector<256x1xf32>
    %convert_element_type3A_63 = arith.fptosi %broadcast_in_dim3A_62 : vector<256x1xf32> to vector<256x1xi32>
    %eq3A_64 = vector.broadcast %broadcast_in_dim3A_62 : vector<256x1xf32> to vector<256x4096xf32>
    %eq3A_65 = arith.cmpf oeq, %convert_element_type3A, %eq3A_64 : vector<256x4096xf32>
    %jit3A_66 = arith.constant 3.000000e+38 : f32
    %broadcast_in_dim3A_67 = vector.broadcast %jit3A_66 : f32 to vector<256x4096xf32>
    %select_n3A_68 = arith.select %eq3A_65, %broadcast_in_dim3A_67, %select_n3A_51 : vector<256x4096xi1>, vector<256x4096xf32>
    %reduce_min3A_69 = arith.constant dense<0x7F800000> : vector<256xf32>
    %reduce_min3A_70 = vector.multi_reduction <minimumf>, %select_n3A_68, %reduce_min3A_69 [1] : vector<256x4096xf32> to vector<256xf32>
    %broadcast_in_dim3A_71 = vector.shape_cast %reduce_min3A_70 : vector<256xf32> to vector<256x1xf32>
    %eq3A_72 = vector.broadcast %broadcast_in_dim3A_71 : vector<256x1xf32> to vector<256x4096xf32>
    %eq3A_73 = arith.cmpf oeq, %select_n3A_68, %eq3A_72 : vector<256x4096xf32>
    %jit3A_74 = arith.constant 3.000000e+38 : f32
    %broadcast_in_dim3A_75 = vector.broadcast %jit3A_74 : f32 to vector<256x4096xf32>
    %select_n3A_76 = arith.select %eq3A_73, %convert_element_type3A, %broadcast_in_dim3A_75 : vector<256x4096xi1>, vector<256x4096xf32>
    %reduce_min3A_77 = arith.constant dense<0x7F800000> : vector<256xf32>
    %reduce_min3A_78 = vector.multi_reduction <minimumf>, %select_n3A_76, %reduce_min3A_77 [1] : vector<256x4096xf32> to vector<256xf32>
    %broadcast_in_dim3A_79 = vector.shape_cast %reduce_min3A_78 : vector<256xf32> to vector<256x1xf32>
    %convert_element_type3A_80 = arith.fptosi %broadcast_in_dim3A_79 : vector<256x1xf32> to vector<256x1xi32>
    %eq3A_81 = vector.broadcast %broadcast_in_dim3A_79 : vector<256x1xf32> to vector<256x4096xf32>
    %eq3A_82 = arith.cmpf oeq, %convert_element_type3A, %eq3A_81 : vector<256x4096xf32>
    %jit3A_83 = arith.constant 3.000000e+38 : f32
    %broadcast_in_dim3A_84 = vector.broadcast %jit3A_83 : f32 to vector<256x4096xf32>
    %select_n3A_85 = arith.select %eq3A_82, %broadcast_in_dim3A_84, %select_n3A_68 : vector<256x4096xi1>, vector<256x4096xf32>
    %reduce_min3A_86 = arith.constant dense<0x7F800000> : vector<256xf32>
    %reduce_min3A_87 = vector.multi_reduction <minimumf>, %select_n3A_85, %reduce_min3A_86 [1] : vector<256x4096xf32> to vector<256xf32>
    %broadcast_in_dim3A_88 = vector.shape_cast %reduce_min3A_87 : vector<256xf32> to vector<256x1xf32>
    %eq3A_89 = vector.broadcast %broadcast_in_dim3A_88 : vector<256x1xf32> to vector<256x4096xf32>
    %eq3A_90 = arith.cmpf oeq, %select_n3A_85, %eq3A_89 : vector<256x4096xf32>
    %jit3A_91 = arith.constant 3.000000e+38 : f32
    %broadcast_in_dim3A_92 = vector.broadcast %jit3A_91 : f32 to vector<256x4096xf32>
    %select_n3A_93 = arith.select %eq3A_90, %convert_element_type3A, %broadcast_in_dim3A_92 : vector<256x4096xi1>, vector<256x4096xf32>
    %reduce_min3A_94 = arith.constant dense<0x7F800000> : vector<256xf32>
    %reduce_min3A_95 = vector.multi_reduction <minimumf>, %select_n3A_93, %reduce_min3A_94 [1] : vector<256x4096xf32> to vector<256xf32>
    %broadcast_in_dim3A_96 = vector.shape_cast %reduce_min3A_95 : vector<256xf32> to vector<256x1xf32>
    %convert_element_type3A_97 = arith.fptosi %broadcast_in_dim3A_96 : vector<256x1xf32> to vector<256x1xi32>
    %eq3A_98 = vector.broadcast %broadcast_in_dim3A_96 : vector<256x1xf32> to vector<256x4096xf32>
    %eq3A_99 = arith.cmpf oeq, %convert_element_type3A, %eq3A_98 : vector<256x4096xf32>
    %jit3A_100 = arith.constant 3.000000e+38 : f32
    %broadcast_in_dim3A_101 = vector.broadcast %jit3A_100 : f32 to vector<256x4096xf32>
    %select_n3A_102 = arith.select %eq3A_99, %broadcast_in_dim3A_101, %select_n3A_85 : vector<256x4096xi1>, vector<256x4096xf32>
    %reduce_min3A_103 = arith.constant dense<0x7F800000> : vector<256xf32>
    %reduce_min3A_104 = vector.multi_reduction <minimumf>, %select_n3A_102, %reduce_min3A_103 [1] : vector<256x4096xf32> to vector<256xf32>
    %broadcast_in_dim3A_105 = vector.shape_cast %reduce_min3A_104 : vector<256xf32> to vector<256x1xf32>
    %eq3A_106 = vector.broadcast %broadcast_in_dim3A_105 : vector<256x1xf32> to vector<256x4096xf32>
    %eq3A_107 = arith.cmpf oeq, %select_n3A_102, %eq3A_106 : vector<256x4096xf32>
    %jit3A_108 = arith.constant 3.000000e+38 : f32
    %broadcast_in_dim3A_109 = vector.broadcast %jit3A_108 : f32 to vector<256x4096xf32>
    %select_n3A_110 = arith.select %eq3A_107, %convert_element_type3A, %broadcast_in_dim3A_109 : vector<256x4096xi1>, vector<256x4096xf32>
    %reduce_min3A_111 = arith.constant dense<0x7F800000> : vector<256xf32>
    %reduce_min3A_112 = vector.multi_reduction <minimumf>, %select_n3A_110, %reduce_min3A_111 [1] : vector<256x4096xf32> to vector<256xf32>
    %broadcast_in_dim3A_113 = vector.shape_cast %reduce_min3A_112 : vector<256xf32> to vector<256x1xf32>
    %convert_element_type3A_114 = arith.fptosi %broadcast_in_dim3A_113 : vector<256x1xf32> to vector<256x1xi32>
    %eq3A_115 = vector.broadcast %broadcast_in_dim3A_113 : vector<256x1xf32> to vector<256x4096xf32>
    %eq3A_116 = arith.cmpf oeq, %convert_element_type3A, %eq3A_115 : vector<256x4096xf32>
    %jit3A_117 = arith.constant 3.000000e+38 : f32
    %broadcast_in_dim3A_118 = vector.broadcast %jit3A_117 : f32 to vector<256x4096xf32>
    %select_n3A_119 = arith.select %eq3A_116, %broadcast_in_dim3A_118, %select_n3A_102 : vector<256x4096xi1>, vector<256x4096xf32>
    %reduce_min3A_120 = arith.constant dense<0x7F800000> : vector<256xf32>
    %reduce_min3A_121 = vector.multi_reduction <minimumf>, %select_n3A_119, %reduce_min3A_120 [1] : vector<256x4096xf32> to vector<256xf32>
    %broadcast_in_dim3A_122 = vector.shape_cast %reduce_min3A_121 : vector<256xf32> to vector<256x1xf32>
    %eq3A_123 = vector.broadcast %broadcast_in_dim3A_122 : vector<256x1xf32> to vector<256x4096xf32>
    %eq3A_124 = arith.cmpf oeq, %select_n3A_119, %eq3A_123 : vector<256x4096xf32>
    %jit3A_125 = arith.constant 3.000000e+38 : f32
    %broadcast_in_dim3A_126 = vector.broadcast %jit3A_125 : f32 to vector<256x4096xf32>
    %select_n3A_127 = arith.select %eq3A_124, %convert_element_type3A, %broadcast_in_dim3A_126 : vector<256x4096xi1>, vector<256x4096xf32>
    %reduce_min3A_128 = arith.constant dense<0x7F800000> : vector<256xf32>
    %reduce_min3A_129 = vector.multi_reduction <minimumf>, %select_n3A_127, %reduce_min3A_128 [1] : vector<256x4096xf32> to vector<256xf32>
    %broadcast_in_dim3A_130 = vector.shape_cast %reduce_min3A_129 : vector<256xf32> to vector<256x1xf32>
    %convert_element_type3A_131 = arith.fptosi %broadcast_in_dim3A_130 : vector<256x1xf32> to vector<256x1xi32>
    %eq3A_132 = vector.broadcast %broadcast_in_dim3A_130 : vector<256x1xf32> to vector<256x4096xf32>
    %eq3A_133 = arith.cmpf oeq, %convert_element_type3A, %eq3A_132 : vector<256x4096xf32>
    %jit3A_134 = arith.constant 3.000000e+38 : f32
    %broadcast_in_dim3A_135 = vector.broadcast %jit3A_134 : f32 to vector<256x4096xf32>
    %select_n3A_136 = arith.select %eq3A_133, %broadcast_in_dim3A_135, %select_n3A_119 : vector<256x4096xi1>, vector<256x4096xf32>
    %reduce_min3A_137 = arith.constant dense<0x7F800000> : vector<256xf32>
    %reduce_min3A_138 = vector.multi_reduction <minimumf>, %select_n3A_136, %reduce_min3A_137 [1] : vector<256x4096xf32> to vector<256xf32>
    %broadcast_in_dim3A_139 = vector.shape_cast %reduce_min3A_138 : vector<256xf32> to vector<256x1xf32>
    %eq3A_140 = vector.broadcast %broadcast_in_dim3A_139 : vector<256x1xf32> to vector<256x4096xf32>
    %eq3A_141 = arith.cmpf oeq, %select_n3A_136, %eq3A_140 : vector<256x4096xf32>
    %jit3A_142 = arith.constant 3.000000e+38 : f32
    %broadcast_in_dim3A_143 = vector.broadcast %jit3A_142 : f32 to vector<256x4096xf32>
    %select_n3A_144 = arith.select %eq3A_141, %convert_element_type3A, %broadcast_in_dim3A_143 : vector<256x4096xi1>, vector<256x4096xf32>
    %reduce_min3A_145 = arith.constant dense<0x7F800000> : vector<256xf32>
    %reduce_min3A_146 = vector.multi_reduction <minimumf>, %select_n3A_144, %reduce_min3A_145 [1] : vector<256x4096xf32> to vector<256xf32>
    %broadcast_in_dim3A_147 = vector.shape_cast %reduce_min3A_146 : vector<256xf32> to vector<256x1xf32>
    %convert_element_type3A_148 = arith.fptosi %broadcast_in_dim3A_147 : vector<256x1xf32> to vector<256x1xi32>
    %eq3A_149 = vector.broadcast %broadcast_in_dim3A_147 : vector<256x1xf32> to vector<256x4096xf32>
    %eq3A_150 = arith.cmpf oeq, %convert_element_type3A, %eq3A_149 : vector<256x4096xf32>
    %jit3A_151 = arith.constant 3.000000e+38 : f32
    %broadcast_in_dim3A_152 = vector.broadcast %jit3A_151 : f32 to vector<256x4096xf32>
    %select_n3A_153 = arith.select %eq3A_150, %broadcast_in_dim3A_152, %select_n3A_136 : vector<256x4096xi1>, vector<256x4096xf32>
    %reduce_min3A_154 = arith.constant dense<0x7F800000> : vector<256xf32>
    %reduce_min3A_155 = vector.multi_reduction <minimumf>, %select_n3A_153, %reduce_min3A_154 [1] : vector<256x4096xf32> to vector<256xf32>
    %broadcast_in_dim3A_156 = vector.shape_cast %reduce_min3A_155 : vector<256xf32> to vector<256x1xf32>
    %eq3A_157 = vector.broadcast %broadcast_in_dim3A_156 : vector<256x1xf32> to vector<256x4096xf32>
    %eq3A_158 = arith.cmpf oeq, %select_n3A_153, %eq3A_157 : vector<256x4096xf32>
    %jit3A_159 = arith.constant 3.000000e+38 : f32
    %broadcast_in_dim3A_160 = vector.broadcast %jit3A_159 : f32 to vector<256x4096xf32>
    %select_n3A_161 = arith.select %eq3A_158, %convert_element_type3A, %broadcast_in_dim3A_160 : vector<256x4096xi1>, vector<256x4096xf32>
    %reduce_min3A_162 = arith.constant dense<0x7F800000> : vector<256xf32>
    %reduce_min3A_163 = vector.multi_reduction <minimumf>, %select_n3A_161, %reduce_min3A_162 [1] : vector<256x4096xf32> to vector<256xf32>
    %broadcast_in_dim3A_164 = vector.shape_cast %reduce_min3A_163 : vector<256xf32> to vector<256x1xf32>
    %convert_element_type3A_165 = arith.fptosi %broadcast_in_dim3A_164 : vector<256x1xf32> to vector<256x1xi32>
    %eq3A_166 = vector.broadcast %broadcast_in_dim3A_164 : vector<256x1xf32> to vector<256x4096xf32>
    %eq3A_167 = arith.cmpf oeq, %convert_element_type3A, %eq3A_166 : vector<256x4096xf32>
    %jit3A_168 = arith.constant 3.000000e+38 : f32
    %broadcast_in_dim3A_169 = vector.broadcast %jit3A_168 : f32 to vector<256x4096xf32>
    %select_n3A_170 = arith.select %eq3A_167, %broadcast_in_dim3A_169, %select_n3A_153 : vector<256x4096xi1>, vector<256x4096xf32>
    %reduce_min3A_171 = arith.constant dense<0x7F800000> : vector<256xf32>
    %reduce_min3A_172 = vector.multi_reduction <minimumf>, %select_n3A_170, %reduce_min3A_171 [1] : vector<256x4096xf32> to vector<256xf32>
    %broadcast_in_dim3A_173 = vector.shape_cast %reduce_min3A_172 : vector<256xf32> to vector<256x1xf32>
    %eq3A_174 = vector.broadcast %broadcast_in_dim3A_173 : vector<256x1xf32> to vector<256x4096xf32>
    %eq3A_175 = arith.cmpf oeq, %select_n3A_170, %eq3A_174 : vector<256x4096xf32>
    %jit3A_176 = arith.constant 3.000000e+38 : f32
    %broadcast_in_dim3A_177 = vector.broadcast %jit3A_176 : f32 to vector<256x4096xf32>
    %select_n3A_178 = arith.select %eq3A_175, %convert_element_type3A, %broadcast_in_dim3A_177 : vector<256x4096xi1>, vector<256x4096xf32>
    %reduce_min3A_179 = arith.constant dense<0x7F800000> : vector<256xf32>
    %reduce_min3A_180 = vector.multi_reduction <minimumf>, %select_n3A_178, %reduce_min3A_179 [1] : vector<256x4096xf32> to vector<256xf32>
    %broadcast_in_dim3A_181 = vector.shape_cast %reduce_min3A_180 : vector<256xf32> to vector<256x1xf32>
    %convert_element_type3A_182 = arith.fptosi %broadcast_in_dim3A_181 : vector<256x1xf32> to vector<256x1xi32>
    %eq3A_183 = vector.broadcast %broadcast_in_dim3A_181 : vector<256x1xf32> to vector<256x4096xf32>
    %eq3A_184 = arith.cmpf oeq, %convert_element_type3A, %eq3A_183 : vector<256x4096xf32>
    %jit3A_185 = arith.constant 3.000000e+38 : f32
    %broadcast_in_dim3A_186 = vector.broadcast %jit3A_185 : f32 to vector<256x4096xf32>
    %select_n3A_187 = arith.select %eq3A_184, %broadcast_in_dim3A_186, %select_n3A_170 : vector<256x4096xi1>, vector<256x4096xf32>
    %reduce_min3A_188 = arith.constant dense<0x7F800000> : vector<256xf32>
    %reduce_min3A_189 = vector.multi_reduction <minimumf>, %select_n3A_187, %reduce_min3A_188 [1] : vector<256x4096xf32> to vector<256xf32>
    %broadcast_in_dim3A_190 = vector.shape_cast %reduce_min3A_189 : vector<256xf32> to vector<256x1xf32>
    %eq3A_191 = vector.broadcast %broadcast_in_dim3A_190 : vector<256x1xf32> to vector<256x4096xf32>
    %eq3A_192 = arith.cmpf oeq, %select_n3A_187, %eq3A_191 : vector<256x4096xf32>
    %jit3A_193 = arith.constant 3.000000e+38 : f32
    %broadcast_in_dim3A_194 = vector.broadcast %jit3A_193 : f32 to vector<256x4096xf32>
    %select_n3A_195 = arith.select %eq3A_192, %convert_element_type3A, %broadcast_in_dim3A_194 : vector<256x4096xi1>, vector<256x4096xf32>
    %reduce_min3A_196 = arith.constant dense<0x7F800000> : vector<256xf32>
    %reduce_min3A_197 = vector.multi_reduction <minimumf>, %select_n3A_195, %reduce_min3A_196 [1] : vector<256x4096xf32> to vector<256xf32>
    %broadcast_in_dim3A_198 = vector.shape_cast %reduce_min3A_197 : vector<256xf32> to vector<256x1xf32>
    %convert_element_type3A_199 = arith.fptosi %broadcast_in_dim3A_198 : vector<256x1xf32> to vector<256x1xi32>
    %eq3A_200 = vector.broadcast %broadcast_in_dim3A_198 : vector<256x1xf32> to vector<256x4096xf32>
    %eq3A_201 = arith.cmpf oeq, %convert_element_type3A, %eq3A_200 : vector<256x4096xf32>
    %jit3A_202 = arith.constant 3.000000e+38 : f32
    %broadcast_in_dim3A_203 = vector.broadcast %jit3A_202 : f32 to vector<256x4096xf32>
    %select_n3A_204 = arith.select %eq3A_201, %broadcast_in_dim3A_203, %select_n3A_187 : vector<256x4096xi1>, vector<256x4096xf32>
    %reduce_min3A_205 = arith.constant dense<0x7F800000> : vector<256xf32>
    %reduce_min3A_206 = vector.multi_reduction <minimumf>, %select_n3A_204, %reduce_min3A_205 [1] : vector<256x4096xf32> to vector<256xf32>
    %broadcast_in_dim3A_207 = vector.shape_cast %reduce_min3A_206 : vector<256xf32> to vector<256x1xf32>
    %eq3A_208 = vector.broadcast %broadcast_in_dim3A_207 : vector<256x1xf32> to vector<256x4096xf32>
    %eq3A_209 = arith.cmpf oeq, %select_n3A_204, %eq3A_208 : vector<256x4096xf32>
    %jit3A_210 = arith.constant 3.000000e+38 : f32
    %broadcast_in_dim3A_211 = vector.broadcast %jit3A_210 : f32 to vector<256x4096xf32>
    %select_n3A_212 = arith.select %eq3A_209, %convert_element_type3A, %broadcast_in_dim3A_211 : vector<256x4096xi1>, vector<256x4096xf32>
    %reduce_min3A_213 = arith.constant dense<0x7F800000> : vector<256xf32>
    %reduce_min3A_214 = vector.multi_reduction <minimumf>, %select_n3A_212, %reduce_min3A_213 [1] : vector<256x4096xf32> to vector<256xf32>
    %broadcast_in_dim3A_215 = vector.shape_cast %reduce_min3A_214 : vector<256xf32> to vector<256x1xf32>
    %convert_element_type3A_216 = arith.fptosi %broadcast_in_dim3A_215 : vector<256x1xf32> to vector<256x1xi32>
    %eq3A_217 = vector.broadcast %broadcast_in_dim3A_215 : vector<256x1xf32> to vector<256x4096xf32>
    %eq3A_218 = arith.cmpf oeq, %convert_element_type3A, %eq3A_217 : vector<256x4096xf32>
    %jit3A_219 = arith.constant 3.000000e+38 : f32
    %broadcast_in_dim3A_220 = vector.broadcast %jit3A_219 : f32 to vector<256x4096xf32>
    %select_n3A_221 = arith.select %eq3A_218, %broadcast_in_dim3A_220, %select_n3A_204 : vector<256x4096xi1>, vector<256x4096xf32>
    %reduce_min3A_222 = arith.constant dense<0x7F800000> : vector<256xf32>
    %reduce_min3A_223 = vector.multi_reduction <minimumf>, %select_n3A_221, %reduce_min3A_222 [1] : vector<256x4096xf32> to vector<256xf32>
    %broadcast_in_dim3A_224 = vector.shape_cast %reduce_min3A_223 : vector<256xf32> to vector<256x1xf32>
    %eq3A_225 = vector.broadcast %broadcast_in_dim3A_224 : vector<256x1xf32> to vector<256x4096xf32>
    %eq3A_226 = arith.cmpf oeq, %select_n3A_221, %eq3A_225 : vector<256x4096xf32>
    %jit3A_227 = arith.constant 3.000000e+38 : f32
    %broadcast_in_dim3A_228 = vector.broadcast %jit3A_227 : f32 to vector<256x4096xf32>
    %select_n3A_229 = arith.select %eq3A_226, %convert_element_type3A, %broadcast_in_dim3A_228 : vector<256x4096xi1>, vector<256x4096xf32>
    %reduce_min3A_230 = arith.constant dense<0x7F800000> : vector<256xf32>
    %reduce_min3A_231 = vector.multi_reduction <minimumf>, %select_n3A_229, %reduce_min3A_230 [1] : vector<256x4096xf32> to vector<256xf32>
    %broadcast_in_dim3A_232 = vector.shape_cast %reduce_min3A_231 : vector<256xf32> to vector<256x1xf32>
    %convert_element_type3A_233 = arith.fptosi %broadcast_in_dim3A_232 : vector<256x1xf32> to vector<256x1xi32>
    %eq3A_234 = vector.broadcast %broadcast_in_dim3A_232 : vector<256x1xf32> to vector<256x4096xf32>
    %eq3A_235 = arith.cmpf oeq, %convert_element_type3A, %eq3A_234 : vector<256x4096xf32>
    %jit3A_236 = arith.constant 3.000000e+38 : f32
    %broadcast_in_dim3A_237 = vector.broadcast %jit3A_236 : f32 to vector<256x4096xf32>
    %select_n3A_238 = arith.select %eq3A_235, %broadcast_in_dim3A_237, %select_n3A_221 : vector<256x4096xi1>, vector<256x4096xf32>
    %reduce_min3A_239 = arith.constant dense<0x7F800000> : vector<256xf32>
    %reduce_min3A_240 = vector.multi_reduction <minimumf>, %select_n3A_238, %reduce_min3A_239 [1] : vector<256x4096xf32> to vector<256xf32>
    %broadcast_in_dim3A_241 = vector.shape_cast %reduce_min3A_240 : vector<256xf32> to vector<256x1xf32>
    %eq3A_242 = vector.broadcast %broadcast_in_dim3A_241 : vector<256x1xf32> to vector<256x4096xf32>
    %eq3A_243 = arith.cmpf oeq, %select_n3A_238, %eq3A_242 : vector<256x4096xf32>
    %jit3A_244 = arith.constant 3.000000e+38 : f32
    %broadcast_in_dim3A_245 = vector.broadcast %jit3A_244 : f32 to vector<256x4096xf32>
    %select_n3A_246 = arith.select %eq3A_243, %convert_element_type3A, %broadcast_in_dim3A_245 : vector<256x4096xi1>, vector<256x4096xf32>
    %reduce_min3A_247 = arith.constant dense<0x7F800000> : vector<256xf32>
    %reduce_min3A_248 = vector.multi_reduction <minimumf>, %select_n3A_246, %reduce_min3A_247 [1] : vector<256x4096xf32> to vector<256xf32>
    %broadcast_in_dim3A_249 = vector.shape_cast %reduce_min3A_248 : vector<256xf32> to vector<256x1xf32>
    %convert_element_type3A_250 = arith.fptosi %broadcast_in_dim3A_249 : vector<256x1xf32> to vector<256x1xi32>
    %eq3A_251 = vector.broadcast %broadcast_in_dim3A_249 : vector<256x1xf32> to vector<256x4096xf32>
    %eq3A_252 = arith.cmpf oeq, %convert_element_type3A, %eq3A_251 : vector<256x4096xf32>
    %jit3A_253 = arith.constant 3.000000e+38 : f32
    %broadcast_in_dim3A_254 = vector.broadcast %jit3A_253 : f32 to vector<256x4096xf32>
    %select_n3A_255 = arith.select %eq3A_252, %broadcast_in_dim3A_254, %select_n3A_238 : vector<256x4096xi1>, vector<256x4096xf32>
    %reduce_min3A_256 = arith.constant dense<0x7F800000> : vector<256xf32>
    %reduce_min3A_257 = vector.multi_reduction <minimumf>, %select_n3A_255, %reduce_min3A_256 [1] : vector<256x4096xf32> to vector<256xf32>
    %broadcast_in_dim3A_258 = vector.shape_cast %reduce_min3A_257 : vector<256xf32> to vector<256x1xf32>
    %eq3A_259 = vector.broadcast %broadcast_in_dim3A_258 : vector<256x1xf32> to vector<256x4096xf32>
    %eq3A_260 = arith.cmpf oeq, %select_n3A_255, %eq3A_259 : vector<256x4096xf32>
    %jit3A_261 = arith.constant 3.000000e+38 : f32
    %broadcast_in_dim3A_262 = vector.broadcast %jit3A_261 : f32 to vector<256x4096xf32>
    %select_n3A_263 = arith.select %eq3A_260, %convert_element_type3A, %broadcast_in_dim3A_262 : vector<256x4096xi1>, vector<256x4096xf32>
    %reduce_min3A_264 = arith.constant dense<0x7F800000> : vector<256xf32>
    %reduce_min3A_265 = vector.multi_reduction <minimumf>, %select_n3A_263, %reduce_min3A_264 [1] : vector<256x4096xf32> to vector<256xf32>
    %broadcast_in_dim3A_266 = vector.shape_cast %reduce_min3A_265 : vector<256xf32> to vector<256x1xf32>
    %convert_element_type3A_267 = arith.fptosi %broadcast_in_dim3A_266 : vector<256x1xf32> to vector<256x1xi32>
    %eq3A_268 = vector.broadcast %broadcast_in_dim3A_266 : vector<256x1xf32> to vector<256x4096xf32>
    %eq3A_269 = arith.cmpf oeq, %convert_element_type3A, %eq3A_268 : vector<256x4096xf32>
    %jit3A_270 = arith.constant 3.000000e+38 : f32
    %broadcast_in_dim3A_271 = vector.broadcast %jit3A_270 : f32 to vector<256x4096xf32>
    %select_n3A_272 = arith.select %eq3A_269, %broadcast_in_dim3A_271, %select_n3A_255 : vector<256x4096xi1>, vector<256x4096xf32>
    %reduce_min3A_273 = arith.constant dense<0x7F800000> : vector<256xf32>
    %reduce_min3A_274 = vector.multi_reduction <minimumf>, %select_n3A_272, %reduce_min3A_273 [1] : vector<256x4096xf32> to vector<256xf32>
    %broadcast_in_dim3A_275 = vector.shape_cast %reduce_min3A_274 : vector<256xf32> to vector<256x1xf32>
    %eq3A_276 = vector.broadcast %broadcast_in_dim3A_275 : vector<256x1xf32> to vector<256x4096xf32>
    %eq3A_277 = arith.cmpf oeq, %select_n3A_272, %eq3A_276 : vector<256x4096xf32>
    %jit3A_278 = arith.constant 3.000000e+38 : f32
    %broadcast_in_dim3A_279 = vector.broadcast %jit3A_278 : f32 to vector<256x4096xf32>
    %select_n3A_280 = arith.select %eq3A_277, %convert_element_type3A, %broadcast_in_dim3A_279 : vector<256x4096xi1>, vector<256x4096xf32>
    %reduce_min3A_281 = arith.constant dense<0x7F800000> : vector<256xf32>
    %reduce_min3A_282 = vector.multi_reduction <minimumf>, %select_n3A_280, %reduce_min3A_281 [1] : vector<256x4096xf32> to vector<256xf32>
    %broadcast_in_dim3A_283 = vector.shape_cast %reduce_min3A_282 : vector<256xf32> to vector<256x1xf32>
    %convert_element_type3A_284 = arith.fptosi %broadcast_in_dim3A_283 : vector<256x1xf32> to vector<256x1xi32>
    %concatenate3A = tpu.concatenate %convert_element_type3A_29, %convert_element_type3A_46, %convert_element_type3A_63, %convert_element_type3A_80, %convert_element_type3A_97, %convert_element_type3A_114, %convert_element_type3A_131, %convert_element_type3A_148, %convert_element_type3A_165, %convert_element_type3A_182, %convert_element_type3A_199, %convert_element_type3A_216, %convert_element_type3A_233, %convert_element_type3A_250, %convert_element_type3A_267, %convert_element_type3A_284 in 1 : vector<256x1xi32>, vector<256x1xi32>, vector<256x1xi32>, vector<256x1xi32>, vector<256x1xi32>, vector<256x1xi32>, vector<256x1xi32>, vector<256x1xi32>, vector<256x1xi32>, vector<256x1xi32>, vector<256x1xi32>, vector<256x1xi32>, vector<256x1xi32>, vector<256x1xi32>, vector<256x1xi32>, vector<256x1xi32> -> vector<256x16xi32>
    %mul3A_285 = arith.constant 4096 : i32
    %mul3A_286 = arith.muli %arg0, %mul3A_285 : i32
    %add3A_287 = vector.broadcast %mul3A_286 : i32 to vector<256x16xi32>
    %add3A_288 = arith.addi %concatenate3A, %add3A_287 : vector<256x16xi32>
    %swap3A = arith.constant 0 : index
    %swap3A_289 = arith.constant 0 : index
    %swap3A_290 = arith.constant 0 : index
    %swap3A_291 = vector.load %arg4[%swap3A, %swap3A_289, %swap3A_290] : memref<1x256x16xi32, #tpu.memory_space<vmem>>, vector<1x256x16xi32>
    %swap3A_292 = vector.shape_cast %swap3A_291 : vector<1x256x16xi32> to vector<256x16xi32>
    %swap3A_293 = vector.shape_cast %add3A_288 : vector<256x16xi32> to vector<1x256x16xi32>
    tpu.vector_store %arg4[%swap3A, %swap3A_289, %swap3A_290], %swap3A_293 {strides = array<i32>} : memref<1x256x16xi32, #tpu.memory_space<vmem>>, vector<1x256x16xi32>,
    return
  }
  func.func @transform_0(%arg0: i32, %arg1: i32) -> (i32, i32, i32) {
    %c0_i32 = arith.constant 0 : i32
    %c0_i32_0 = arith.constant 0 : i32
    %c0_i32_1 = arith.constant 0 : i32
    return %arg0, %c0_i32, %c0_i32_0 : i32, i32, i32
  }
  func.func @transform_1(%arg0: i32, %arg1: i32) -> (i32, i32, i32) {
    %c0_i32 = arith.constant 0 : i32
    %c0_i32_0 = arith.constant 0 : i32
    %c0_i32_1 = arith.constant 0 : i32
    return %arg0, %c0_i32, %c0_i32_0 : i32, i32, i32
  }
  func.func @transform_2(%arg0: i32, %arg1: i32) -> (i32, i32, i32) {
    %c0_i32 = arith.constant 0 : i32
    %c0_i32_0 = arith.constant 0 : i32
    return %arg0, %arg1, %c0_i32 : i32, i32, i32
  }
}

</mosaic_0001>

<sc_bundles>
// kernel: kernel.5.cloned.1.call-start
scs
__scs_entry_jumppad:
0x0: {  	(pc) =	sbr.rel $0x88, $3  }
0x1: {  	(tag) =	ssettag $0x0;
	lr =	simm.s32 $0x1  }
0x2: {  	[smem:$0x3F9C] =	sst lr;
	_ =	strace $0xD0000000  }
0x3: {  	_ = 	snop  }
0x4: {  	_ = 	snop  }
0x5: {  	_ = 	snop  }
0x6: {  	_ = 	snop  }
0x7: {  	_ = 	snop  }
__scs_overlays_trampoline_lowered:
0x8: {  	[smem:$0x3FAB] =	sst s0  }
0x9: {  	[smem:$0x3FAC] =	sst s1  }
0xa: {  	[smem:$0x3FAD] =	sst s2  }
0xb: {  	[smem:$0x3FAE] =	sst s3  }
0xc: {  	[smem:$0x3FAF] =	sst s4  }
0xd: {  	[smem:$0x3FB0] =	sst s5  }
0xe: {  	[smem:$0x3FB1] =	sst s6  }
0xf: {  	[smem:$0x3FB2] =	sst s7  }
0x10: {  	[smem:$0x3FB3] =	sst s8  }
0x11: {  	[smem:$0x3FB4] =	sst s9;
	s0 =	simm.s32 @!p0 $0x0  }
0x12: {  	s1 =	sld [smem:$0x3F9A];
	s0 =	simm.s32 @p0 $0x1  }
0x13: {  	[smem:$0x3FB5] =	sst s0;
	s0 =	simm.s32 @!p1 $0x0  }
0x14: {  	s2 =	sld [smem:$0x3F99];
	s0 =	simm.s32 @p1 $0x1  }
0x15: {  	[smem:$0x3FB6] =	sst s0;
	s0 =	simm.s32 @!p2 $0x0  }
0x16: {  	s3 =	sld [smem:$0x3FDB];
	s0 =	simm.s32 @p2 $0x1  }
0x17: {  	s4 =	simm.s32 $0x1BF5;
	[smem:$0x3FB8] =	sst s0  }
0x18: {  	s0 =	sld [smem:$0x3F9B];
	_ =	swait.ge [sflag:s4], $0x0  }
0x19: {  	s7 =	sld [smem:$0x3F9C]  }
0x1a: {  	s8 =	sadd.s32 $0xFFFFE003, lr  }
0x1b: {  	s9 =	sadd.s32 $0xFFFFFEF7, lr;
	s5 =	simm.s32 $0xFFFFFFFF;
	p2 =	slt.u32 s8, $0xFFFFF086  }
0x1c: {  	p1 =	slt.u32 s9, $0xF7A;
	s5 =	simm.s32 @!p2 $0x0  }
0x1d: {  	s5 =	simm.s32 @p1 $0x1;
	p0 =	seq.s32 s7, s2  }
0x1e: {  	s7 =	smul.u32 @!p0 $0xF7A, s2;
	p2 =	seq.s32 @!p0 s5, $0x0  }
0x1f: {  	s9 =	smul.u32 $0xF7A, s1;
	s8 =	simm.s32 @!p0 $0x1BF5;
	p2 =	por !p2, p0  }
0x20: {  	[sflag:s8] =	ssyncset.s32 @!p0 $0xFFFFF086;
	s6 =	sadd.s32 @!p0 s3, s7;
	s7 =	simm.s32 @!p0 $0x108  }
0x21: {  	s3 =	sadd.s32 s3, s9;
	s6 =	sadd.s32 @!p0 $0x88, s6;
	s7 =	simm.s32 @p2 $0x1082  }
0x22: {  	[simem:s7], [sflag:s8] =	dma.local @!p0 [hbm:s6], $0xF7A  }
0x23: {  	s9 =	sor.u32 $0xD0000000, s2;
	s6 =	simm.s32 $0x108;
	_ =	swait.ge @!p0 [sflag:s8], $0x0  }
0x24: {  	s3 =	sadd.s32 $0x88, s3;
	s6 =	simm.s32 @!p1 $0x1082;
	[sflag:s4] =	ssyncset.s32 $0xFFFFF086  }
0x25: {  	[simem:s6], [sflag:s4] =	dma.local [hbm:s3], $0xF7A  }
0x26: {  	[smem:$0x3F9C] =	sst s1;
	(tag) =	ssettag s2;
	_ =	strace s9  }
0x27: {  	s1 =	sld [smem:$0x3FAC]  }
0x28: {  	s2 =	sld [smem:$0x3FAD]  }
0x29: {  	s4 =	sld [smem:$0x3FAF]  }
0x2a: {  	p0 =	seq.s32 s5, $0x0;
	s5 =	sld [smem:$0x3FB0]  }
0x2b: {  	s6 =	sld [smem:$0x3FB1]  }
0x2c: {  	s7 =	sld [smem:$0x3FB2]  }
0x2d: {  	s3 =	simm.s32 $0x108;
	s8 =	sld [smem:$0x3FB3]  }
0x2e: {  	s3 =	simm.s32 @!p0 $0x1082;
	s9 =	sld [smem:$0x3FB4]  }
0x2f: {  	lr =	sadd.s32 s0, s3;
	s0 =	sld [smem:$0x3FAB]  }
0x30: {  	s3 =	sld [smem:$0x3FAE]  }
0x31: {  	[smem:$0x3FB7] =	sst s10  }
0x32: {  	s10 =	sld [smem:$0x3FB5];
	_ =	sdelay $0x3  }
0x33: {  	p0 =	seq.s32 s10, $0x1;
	s10 =	sld [smem:$0x3FB7];
	_ =	sdelay $0x3  }
0x34: {  	[smem:$0x3FB7] =	sst s10  }
0x35: {  	s10 =	sld [smem:$0x3FB6];
	_ =	sdelay $0x3  }
0x36: {  	p1 =	seq.s32 s10, $0x1;
	s10 =	sld [smem:$0x3FB7];
	_ =	sdelay $0x3  }
0x37: {  	[smem:$0x3FB7] =	sst s10  }
0x38: {  	s10 =	sld [smem:$0x3FB8]  }
0x39: {  	_ = 	snop;
	(pc) =	sbr.ind lr, $3  }
0x3a: {  	_ = 	snop  }
0x3b: {  	_ = 	snop  }
0x3c: {  	p2 =	seq.s32 s10, $0x1;
	s10 =	sld [smem:$0x3FB7]  }
0x3d: {  	_ =	shalt  }
0x3e: {  	_ =	shalt  }
0x3f: {  	_ =	shalt  }
0x40: {  	_ =	shalt  }
0x41: {  	_ =	shalt  }
0x42: {  	_ =	shalt  }
0x43: {  	_ =	shalt  }
0x44: {  	_ =	shalt  }
0x45: {  	_ =	shalt  }
0x46: {  	_ =	shalt  }
0x47: {  	_ =	shalt  }
0x48: {  	_ =	shalt  }
0x49: {  	_ =	shalt  }
0x4a: {  	_ =	shalt  }
0x4b: {  	_ =	shalt  }
0x4c: {  	_ =	shalt  }
0x4d: {  	_ =	shalt  }
0x4e: {  	_ =	shalt  }
0x4f: {  	_ =	shalt  }
0x50: {  	_ =	shalt  }
0x51: {  	_ =	shalt  }
0x52: {  	_ =	shalt  }
0x53: {  	_ =	shalt  }
0x54: {  	_ =	shalt  }
0x55: {  	_ =	shalt  }
0x56: {  	_ =	shalt  }
0x57: {  	_ =	shalt  }
0x58: {  	_ =	shalt  }
0x59: {  	_ =	shalt  }
0x5a: {  	_ =	shalt  }
0x5b: {  	_ =	shalt  }
0x5c: {  	_ =	shalt  }
0x5d: {  	_ =	shalt  }
0x5e: {  	_ =	shalt  }
0x5f: {  	_ =	shalt  }
0x60: {  	_ =	shalt  }
0x61: {  	_ =	shalt  }
0x62: {  	_ =	shalt  }
0x63: {  	_ =	shalt  }
0x64: {  	_ =	shalt  }
0x65: {  	_ =	shalt  }
0x66: {  	_ =	shalt  }
0x67: {  	_ =	shalt  }
0x68: {  	_ =	shalt  }
0x69: {  	_ =	shalt  }
0x6a: {  	_ =	shalt  }
0x6b: {  	_ =	shalt  }
0x6c: {  	_ =	shalt  }
0x6d: {  	_ =	shalt  }
0x6e: {  	_ =	shalt  }
0x6f: {  	_ =	shalt  }
0x70: {  	_ =	shalt  }
0x71: {  	_ =	shalt  }
0x72: {  	_ =	shalt  }
0x73: {  	_ =	shalt  }
0x74: {  	_ =	shalt  }
0x75: {  	_ =	shalt  }
0x76: {  	_ =	shalt  }
0x77: {  	_ =	shalt  }
0x78: {  	_ =	shalt  }
0x79: {  	_ =	shalt  }
0x7a: {  	_ =	shalt  }
0x7b: {  	_ =	shalt  }
0x7c: {  	_ =	shalt  }
0x7d: {  	_ =	shalt  }
0x7e: {  	_ =	shalt  }
0x7f: {  	_ =	shalt  }
0x80: {  	_ =	shalt  }
0x81: {  	_ =	shalt  }
0x82: {  	_ =	shalt  }
0x83: {  	_ =	shalt  }
0x84: {  	_ =	shalt  }
0x85: {  	_ =	shalt  }
0x86: {  	_ =	shalt  }
0x87: {  	_ =	shalt  }
.Lfunc_end0:
.L_simem_size_0:
called_computation_lowered:
.L_overlay_start_0:
0x88: {  	s2 =	sld [smem:$0x3FD9]  }
0x89: {  	s3 =	sld [smem:$0x3FFE];
	_ =	sdelay $0x1  }
0x8a: {  	s1 =	srdreg.scid  }
0x8b: {  	s0 =	sand.u32 $0x1, s1  }
0x8c: {  	s17 =	sshll.u32 s0, $0xA;
	s2 =	sadd.s32 s3, s2  }
0x8d: {  	s2 =	sadd.s32 s2, s17  }
0x8e: {  	[smem:$0x3FC3] =	sst s2  }
0x8f: {  	_ = 	snop  }
0x90: {  	s2 =	sld [smem:$0x3FC9]  }
0x91: {  	s18 =	sld [smem:$0x3FD0];
	(tm) =	ssettm $0x1  }
0x92: {  	s4 =	sld [smem:$0x3FFB];
	_ =	sdelay $0x3  }
0x93: {  	_ =	strace s4  }
0x94: {  	s4 =	sld [smem:$0x3FFC];
	_ =	sdelay $0x3  }
0x95: {  	_ =	strace s4  }
0x96: {  	s4 =	sld [smem:$0x3FFD];
	_ =	sdelay $0x3  }
0x97: {  	_ =	strace s4  }
0x98: {  	_ =	strace $0x8FFFFFFF  }
0x99: {  	s19 =	sld [smem:$0x3FDB];
	_ =	sdelay $0x1  }
0x9a: {  	s5 =	simm.s32 $_scs_section_size  }
0x9b: {  	s6 =	simm.s32 $_size__tile_overlayer_lowered;
	s7 =	simm.s32 $_tile_overlayer_lowered  }
0x9c: {  	s22 =	simm.s32 $0x1BFF;
	s21 =	sshll.u32 s7, $0x1;
	s4 =	sadd.s32 s5, s19  }
0x9d: {  	s8 =	simm.s32 $0x0;
	s20 =	sshll.u32 s6, $0x1;
	s6 =	sadd.s32 s21, s4  }
0x9e: {  	[timem:s8], [sflag:s22] =	dma.local [hbm:s6], s20  }
0x9f: {  	_ =	swait.ge [sflag:s22], s20  }
0xa0: {  	s5 =	ssub.s32 $0x0, s20;
	[sflag:s22] =	ssyncset.done $0x0  }
0xa1: {  	[sflag:s22] =	ssyncadd.s32 s5;
	_ =	sdelay $0x1  }
0xa2: {  	s23 =	simm.s32 $0x1B8B  }
0xa3: {  	_ =	swait.ge [sflag:s23], $0x1  }
0xa4: {  	[sflag:s23] =	ssyncset.done $0x0  }
0xa5: {  	s25 =	simm.s32 $0x1B8E;
	s24 =	sld [smem:$0x3FFE];
	[sflag:s23] =	ssyncadd.s32 $0xFFFFFFFF  }
0xa6: {  	s26 =	simm.s32 $execute0_lowered;
	[smem:$0x3FD2] =	sst s25  }
0xa7: {  	s6 =	sshll.u32 s26, $0x1;
	_ =	strace $0x80000046;
	[dreg:$0x1] =	wrdreg $0xFFFFFFFF  }
0xa8: {  	s28 =	simm.s32 $_size_execute0_lowered;
	s4 =	sadd.s32 s4, s6;
	[dreg:$0x0] =	wrdreg $0x0  }
0xa9: {  	s6 =	sshll.u32 s28, $0x1;
	[dreg:$0x2] =	wrdreg s4  }
0xaa: {  	[dreg:$0x3] =	wrdreg s6  }
0xab: {  	[dreg:$0x4] =	wrdreg $0xC0  }
0xac: {  	_ =	task [dreg:s8], $0x5FFFF  }
0xad: {  	[dreg:$0x1] =	wrdreg $0xFFFFFFFF  }
0xae: {  	[dreg:$0x0] =	wrdreg $0x60  }
0xaf: {  	[dreg:$0x2] =	wrdreg s2  }
0xb0: {  	[dreg:$0x3] =	wrdreg s24  }
0xb1: {  	[dreg:$0x4] =	wrdreg s18  }
0xb2: {  	[dreg:$0x5] =	wrdreg $0x9  }
0xb3: {  	_ =	task.clear_ibuf [dreg:s8], $0x6FFFF;
	_ =	strace $0x90000046  }
0xb4: {  	s29 =	simm.s32 $0x9;
	_ =	strace $0x80000048  }
0xb5: {  	_ =	swait.ge [sflag:s29], $0x1  }
0xb6: {  	[sflag:s29] =	ssyncadd.s32 $0xFFFFFFFF  }
0xb7: {  	_ =	strace $0x90000048  }
0xb8: {  	_ =	sfence  }
0xb9: {  	s30 =	sld [smem:$0x0];
	_ =	sdelay $0x2  }
0xba: {  	s31 =	sshll.u32 s1, $0xD;
	s1 =	sshrl.u32 s1, $0x2  }
0xbb: {  	s3 =	sand.u32 $0x4000, s31;
	s1 =	sadd.s32 s1, s30  }
0xbc: {  	s0 =	sor.u32 s3, s0;
	s1 =	sshll.u32 s1, $0x11  }
0xbd: {  	s0 =	sor.u32 s1, s0  }
0xbe: {  	s0 =	sadd.s32 $0x8F2B, s0  }
0xbf: {  	[sflag:s0] =	ssyncadd.remote.s32 $0x1  }
0xc0: {  	_ =	sfence.sel $0xFFFF  }
0xc1: {  	[dreg:$0x0] =	wrdreg $0xFFFFFFFF;
	(pc) =	sbr.abs _section_cstart, $3  }
0xc2: {  	[dreg:$0x1] =	wrdreg $0xFFFFFFFF  }
0xc3: {  	_ =	task.clear_ibuf [dreg:s8], $0x2FFFF;
	_ =	strace $0x9FFFFFFF  }
0xc4: {  	(tm) =	ssettm $0x7FFFFFFF  }
0xc5: {  	_ =	shalt  }
tec
execute0_lowered:
.L_overlay_start_1:
0x0: {  	(tag) =	ssettag $0x1  }
0x1: {  	s1 =	rddreg [dreg:$0x0]  }
0x2: {  	s4 =	rddreg [dreg:$0x1]  }
0x3: {  	s5 =	rddreg [dreg:$0x2]  }
0x4: {  	s0 =	rddreg [dreg:$0x3]  }
0x5: {  	s6 =	srdreg.scid;
	s2 =	stileid.u32  }
0x6: {  	s3 =	simm.s32 $0x0;
	s10 =	simm.s32 $0x5000;
	s11 =	simm.s32 $0x1  }
0x7: {  	s12 =	simm.s32 $0x9000;
	s13 =	simm.s32 $0x2;
	s14 =	simm.s32 $0x9400  }
0x8: {  	s15 =	simm.s32 $0x0;
	s6 =	sand.u32 $0x1, s6;
	s7 =	sshll.u32 s2, $0x1  }
0x9: {  	[smem:$0x7FF] =	sst s3;
	s7 =	sor.u32 s6, s7;
	s6 =	ssub.s32 $0x2, s6  }
0xa: {  	_ =	strace $0x80000047;
	s8 =	sshll.u32 s7, $0x9;
	s9 =	sshrl.u32 s6, $0x1  }
0xb: {  	s7 =	sshll.u32 s7, $0xC;
	s4 =	sadd.s32 s8, s4;
	s6 =	ssub.s32 s6, s9  }
0xc: {  	s5 =	sadd.s32 s5, s7;
	s7 =	simm.s32 $0x3;
	s8 =	simm.s32 $0x80  }
0xd: {  	s9 =	simm.s32 $0x1000;
	s4 =	sadd.s32 $0x1000, s4;
	s6 =	smax.u32 s6, $0x1  }
.LBB2_1:
0xe: {  	[tilespmem:s3], [sflag:$0x3] =	stream.linear.gather [hbm4b:s4+s3], $0x1000, $0x38;
	[tilespmem:$0x9800] =	vst v63  }
0xf: {  	_ =	swait.ge [sflag:s7], $0x1000  }
0x10: {  	[sflag:s7] =	ssyncset.done $0x0  }
0x11: {  	s17 =	simm.s32 $0x0;
	[sflag:s7] =	ssyncadd.s32 $0xFFFFF000  }
0x12: {  	[tilespmem:s9], [sflag:$0x1] =	stream.indirect.gather [hbm4b:s1+s8], $0x80, s3, s8, $0xb8;
	[tilespmem:$0x9800] =	vst v63  }
.LBB2_2:
0x13: {  	s16 =	sshllo.u32 s17, $0x1  }
0x14: {  	s16 =	sshll.u32 s16, $0x7  }
0x15: {  	s18 =	sand.u32 $0x3FFFFF80, s16  }
0x16: {  	[tilespmem:s10], [sflag:$0x2] =	stream.indirect.gather [hbm4b:s1+s8], $0x80, s18, s8, $0xb8;
	[tilespmem:$0x9800] =	vst v63  }
0x17: {  	_ =	swait.ge [sflag:s11], $0x4000  }
0x18: {  	[sflag:s11] =	ssyncset.done $0x0  }
0x19: {  	s18 =	simm.s32 $0x1400;
	[sflag:s11] =	ssyncadd.s32 $0xFFFFC000  }
0x1a: {  	v0 =	vld [tilespmem:s18+$0xFFFFFC80]  }
0x1b: {  	v1 =	vld [tilespmem:s18+$0xFFFFFC00]  }
0x1c: {  	v2 =	vld [tilespmem:s18+$0xFFFFFD00]  }
0x1d: {  	v3 =	vld [tilespmem:s18+$0xFFFFFD80]  }
0x1e: {  	v4 =	vld [tilespmem:s18+$0xFFFFFE00]  }
0x1f: {  	v5 =	vld [tilespmem:s18+$0xFFFFFE80]  }
0x20: {  	v0 =	vmax.f32 v1, v0;
	v1 =	vld [tilespmem:s18+$0xFFFFFF00]  }
0x21: {  	v0 =	vmax.f32 v0, v2;
	v2 =	vld [tilespmem:s18+$0xFFFFFF80]  }
0x22: {  	v0 =	vmax.f32 v0, v3;
	v3 =	vld [tilespmem:s18+$0x0]  }
0x23: {  	v0 =	vmax.f32 v0, v4;
	v4 =	vld [tilespmem:s18+$0x80]  }
0x24: {  	v0 =	vmax.f32 v0, v5;
	v5 =	vld [tilespmem:s18+$0x100]  }
0x25: {  	v0 =	vmax.f32 v0, v1;
	v1 =	vld [tilespmem:s18+$0x180]  }
0x26: {  	v0 =	vmax.f32 v0, v2;
	v2 =	vld [tilespmem:s18+$0x200]  }
0x27: {  	v0 =	vmax.f32 v0, v3;
	v3 =	vld [tilespmem:s18+$0x280]  }
0x28: {  	v0 =	vmax.f32 v0, v4;
	v4 =	vld [tilespmem:s18+$0x300]  }
0x29: {  	v0 =	vmax.f32 v0, v5;
	v5 =	vld [tilespmem:s18+$0x380]  }
0x2a: {  	v0 =	vmax.f32 v0, v1  }
0x2b: {  	v0 =	vmax.f32 v0, v2  }
0x2c: {  	v0 =	vmax.f32 v0, v3  }
0x2d: {  	v0 =	vmax.f32 v0, v4  }
0x2e: {  	s19 =	simm.s32 $0x0;
	v0 =	vmax.f32 v0, v5  }
0x2f: {  	[tilespmem:s19+$0x9000] =	vst v0  }
0x30: {  	v0 =	vld [tilespmem:s18+$0xFFFFFC10]  }
0x31: {  	v1 =	vld [tilespmem:s18+$0xFFFFFC90]  }
0x32: {  	v2 =	vld [tilespmem:s18+$0xFFFFFD10]  }
0x33: {  	v3 =	vld [tilespmem:s18+$0xFFFFFD90]  }
0x34: {  	v4 =	vld [tilespmem:s18+$0xFFFFFE10]  }
0x35: {  	v5 =	vld [tilespmem:s18+$0xFFFFFE90]  }
0x36: {  	v0 =	vmax.f32 v0, v1;
	v1 =	vld [tilespmem:s18+$0xFFFFFF10]  }
0x37: {  	v0 =	vmax.f32 v0, v2;
	v2 =	vld [tilespmem:s18+$0xFFFFFF90]  }
0x38: {  	v0 =	vmax.f32 v0, v3;
	v3 =	vld [tilespmem:s18+$0x10]  }
0x39: {  	v0 =	vmax.f32 v0, v4;
	v4 =	vld [tilespmem:s18+$0x90]  }
0x3a: {  	v0 =	vmax.f32 v0, v5;
	v5 =	vld [tilespmem:s18+$0x110]  }
0x3b: {  	v0 =	vmax.f32 v0, v1;
	v1 =	vld [tilespmem:s18+$0x190]  }
0x3c: {  	v0 =	vmax.f32 v0, v2;
	v2 =	vld [tilespmem:s18+$0x210]  }
0x3d: {  	v0 =	vmax.f32 v0, v3;
	v3 =	vld [tilespmem:s18+$0x290]  }
0x3e: {  	v0 =	vmax.f32 v0, v4;
	v4 =	vld [tilespmem:s18+$0x310]  }
0x3f: {  	v0 =	vmax.f32 v0, v5;
	v5 =	vld [tilespmem:s18+$0x390]  }
0x40: {  	v0 =	vmax.f32 v0, v1  }
0x41: {  	v0 =	vmax.f32 v0, v2  }
0x42: {  	v0 =	vmax.f32 v0, v3  }
0x43: {  	v0 =	vmax.f32 v0, v4  }
0x44: {  	v0 =	vmax.f32 v0, v5  }
0x45: {  	[tilespmem:s19+$0x9010] =	vst v0  }
0x46: {  	v0 =	vld [tilespmem:s18+$0xFFFFFC20]  }
0x47: {  	v1 =	vld [tilespmem:s18+$0xFFFFFCA0]  }
0x48: {  	v2 =	vld [tilespmem:s18+$0xFFFFFD20]  }
0x49: {  	v3 =	vld [tilespmem:s18+$0xFFFFFDA0]  }
0x4a: {  	v4 =	vld [tilespmem:s18+$0xFFFFFE20]  }
0x4b: {  	v5 =	vld [tilespmem:s18+$0xFFFFFEA0]  }
0x4c: {  	v0 =	vmax.f32 v0, v1;
	v1 =	vld [tilespmem:s18+$0xFFFFFF20]  }
0x4d: {  	v0 =	vmax.f32 v0, v2;
	v2 =	vld [tilespmem:s18+$0xFFFFFFA0]  }
0x4e: {  	v0 =	vmax.f32 v0, v3;
	v3 =	vld [tilespmem:s18+$0x20]  }
0x4f: {  	v0 =	vmax.f32 v0, v4;
	v4 =	vld [tilespmem:s18+$0xA0]  }
0x50: {  	v0 =	vmax.f32 v0, v5;
	v5 =	vld [tilespmem:s18+$0x120]  }
0x51: {  	v0 =	vmax.f32 v0, v1;
	v1 =	vld [tilespmem:s18+$0x1A0]  }
0x52: {  	v0 =	vmax.f32 v0, v2;
	v2 =	vld [tilespmem:s18+$0x220]  }
0x53: {  	v0 =	vmax.f32 v0, v3;
	v3 =	vld [tilespmem:s18+$0x2A0]  }
0x54: {  	v0 =	vmax.f32 v0, v4;
	v4 =	vld [tilespmem:s18+$0x320]  }
0x55: {  	v0 =	vmax.f32 v0, v5;
	v5 =	vld [tilespmem:s18+$0x3A0]  }
0x56: {  	v0 =	vmax.f32 v0, v1  }
0x57: {  	v0 =	vmax.f32 v0, v2  }
0x58: {  	v0 =	vmax.f32 v0, v3  }
0x59: {  	v0 =	vmax.f32 v0, v4  }
0x5a: {  	v0 =	vmax.f32 v0, v5  }
0x5b: {  	[tilespmem:s19+$0x9020] =	vst v0  }
0x5c: {  	v0 =	vld [tilespmem:s18+$0xFFFFFC30]  }
0x5d: {  	v1 =	vld [tilespmem:s18+$0xFFFFFCB0]  }
0x5e: {  	v2 =	vld [tilespmem:s18+$0xFFFFFD30]  }
0x5f: {  	v3 =	vld [tilespmem:s18+$0xFFFFFDB0]  }
0x60: {  	v4 =	vld [tilespmem:s18+$0xFFFFFE30]  }
0x61: {  	v5 =	vld [tilespmem:s18+$0xFFFFFEB0]  }
0x62: {  	v0 =	vmax.f32 v0, v1;
	v1 =	vld [tilespmem:s18+$0xFFFFFF30]  }
0x63: {  	v0 =	vmax.f32 v0, v2;
	v2 =	vld [tilespmem:s18+$0xFFFFFFB0]  }
0x64: {  	v0 =	vmax.f32 v0, v3;
	v3 =	vld [tilespmem:s18+$0x30]  }
0x65: {  	v0 =	vmax.f32 v0, v4;
	v4 =	vld [tilespmem:s18+$0xB0]  }
0x66: {  	v0 =	vmax.f32 v0, v5;
	v5 =	vld [tilespmem:s18+$0x130]  }
0x67: {  	v0 =	vmax.f32 v0, v1;
	v1 =	vld [tilespmem:s18+$0x1B0]  }
0x68: {  	v0 =	vmax.f32 v0, v2;
	v2 =	vld [tilespmem:s18+$0x230]  }
0x69: {  	v0 =	vmax.f32 v0, v3;
	v3 =	vld [tilespmem:s18+$0x2B0]  }
0x6a: {  	v0 =	vmax.f32 v0, v4;
	v4 =	vld [tilespmem:s18+$0x330]  }
0x6b: {  	v0 =	vmax.f32 v0, v5;
	v5 =	vld [tilespmem:s18+$0x3B0]  }
0x6c: {  	v0 =	vmax.f32 v0, v1  }
0x6d: {  	v0 =	vmax.f32 v0, v2  }
0x6e: {  	v0 =	vmax.f32 v0, v3  }
0x6f: {  	v0 =	vmax.f32 v0, v4  }
0x70: {  	v0 =	vmax.f32 v0, v5  }
0x71: {  	[tilespmem:s19+$0x9030] =	vst v0  }
0x72: {  	v0 =	vld [tilespmem:s18+$0xFFFFFC40]  }
0x73: {  	v1 =	vld [tilespmem:s18+$0xFFFFFCC0]  }
0x74: {  	v2 =	vld [tilespmem:s18+$0xFFFFFD40]  }
0x75: {  	v3 =	vld [tilespmem:s18+$0xFFFFFDC0]  }
0x76: {  	v4 =	vld [tilespmem:s18+$0xFFFFFE40]  }
0x77: {  	v5 =	vld [tilespmem:s18+$0xFFFFFEC0]  }
0x78: {  	v0 =	vmax.f32 v0, v1;
	v1 =	vld [tilespmem:s18+$0xFFFFFF40]  }
0x79: {  	v0 =	vmax.f32 v0, v2;
	v2 =	vld [tilespmem:s18+$0xFFFFFFC0]  }
0x7a: {  	v0 =	vmax.f32 v0, v3;
	v3 =	vld [tilespmem:s18+$0x40]  }
0x7b: {  	v0 =	vmax.f32 v0, v4;
	v4 =	vld [tilespmem:s18+$0xC0]  }
0x7c: {  	v0 =	vmax.f32 v0, v5;
	v5 =	vld [tilespmem:s18+$0x140]  }
0x7d: {  	v0 =	vmax.f32 v0, v1;
	v1 =	vld [tilespmem:s18+$0x1C0]  }
0x7e: {  	v0 =	vmax.f32 v0, v2;
	v2 =	vld [tilespmem:s18+$0x240]  }
0x7f: {  	v0 =	vmax.f32 v0, v3;
	v3 =	vld [tilespmem:s18+$0x2C0]  }
0x80: {  	v0 =	vmax.f32 v0, v4;
	v4 =	vld [tilespmem:s18+$0x340]  }
0x81: {  	v0 =	vmax.f32 v0, v5;
	v5 =	vld [tilespmem:s18+$0x3C0]  }
0x82: {  	v0 =	vmax.f32 v0, v1  }
0x83: {  	v0 =	vmax.f32 v0, v2  }
0x84: {  	v0 =	vmax.f32 v0, v3  }
0x85: {  	v0 =	vmax.f32 v0, v4  }
0x86: {  	v0 =	vmax.f32 v0, v5  }
0x87: {  	[tilespmem:s19+$0x9040] =	vst v0  }
0x88: {  	v0 =	vld [tilespmem:s18+$0xFFFFFC50]  }
0x89: {  	v1 =	vld [tilespmem:s18+$0xFFFFFCD0]  }
0x8a: {  	v2 =	vld [tilespmem:s18+$0xFFFFFD50]  }
0x8b: {  	v3 =	vld [tilespmem:s18+$0xFFFFFDD0]  }
0x8c: {  	v4 =	vld [tilespmem:s18+$0xFFFFFE50]  }
0x8d: {  	v5 =	vld [tilespmem:s18+$0xFFFFFED0]  }
0x8e: {  	v0 =	vmax.f32 v0, v1;
	v1 =	vld [tilespmem:s18+$0xFFFFFF50]  }
0x8f: {  	v0 =	vmax.f32 v0, v2;
	v2 =	vld [tilespmem:s18+$0xFFFFFFD0]  }
0x90: {  	v0 =	vmax.f32 v0, v3;
	v3 =	vld [tilespmem:s18+$0x50]  }
0x91: {  	v0 =	vmax.f32 v0, v4;
	v4 =	vld [tilespmem:s18+$0xD0]  }
0x92: {  	v0 =	vmax.f32 v0, v5;
	v5 =	vld [tilespmem:s18+$0x150]  }
0x93: {  	v0 =	vmax.f32 v0, v1;
	v1 =	vld [tilespmem:s18+$0x1D0]  }
0x94: {  	v0 =	vmax.f32 v0, v2;
	v2 =	vld [tilespmem:s18+$0x250]  }
0x95: {  	v0 =	vmax.f32 v0, v3;
	v3 =	vld [tilespmem:s18+$0x2D0]  }
0x96: {  	v0 =	vmax.f32 v0, v4;
	v4 =	vld [tilespmem:s18+$0x350]  }
0x97: {  	v0 =	vmax.f32 v0, v5;
	v5 =	vld [tilespmem:s18+$0x3D0]  }
0x98: {  	v0 =	vmax.f32 v0, v1  }
0x99: {  	v0 =	vmax.f32 v0, v2  }
0x9a: {  	v0 =	vmax.f32 v0, v3  }
0x9b: {  	v0 =	vmax.f32 v0, v4  }
0x9c: {  	v0 =	vmax.f32 v0, v5  }
0x9d: {  	[tilespmem:s19+$0x9050] =	vst v0  }
0x9e: {  	v0 =	vld [tilespmem:s18+$0xFFFFFC60]  }
0x9f: {  	v1 =	vld [tilespmem:s18+$0xFFFFFCE0]  }
0xa0: {  	v2 =	vld [tilespmem:s18+$0xFFFFFD60]  }
0xa1: {  	v3 =	vld [tilespmem:s18+$0xFFFFFDE0]  }
0xa2: {  	v4 =	vld [tilespmem:s18+$0xFFFFFE60]  }
0xa3: {  	v5 =	vld [tilespmem:s18+$0xFFFFFEE0]  }
0xa4: {  	v0 =	vmax.f32 v0, v1;
	v1 =	vld [tilespmem:s18+$0xFFFFFF60]  }
0xa5: {  	v0 =	vmax.f32 v0, v2;
	v2 =	vld [tilespmem:s18+$0xFFFFFFE0]  }
0xa6: {  	v0 =	vmax.f32 v0, v3;
	v3 =	vld [tilespmem:s18+$0x60]  }
0xa7: {  	v0 =	vmax.f32 v0, v4;
	v4 =	vld [tilespmem:s18+$0xE0]  }
0xa8: {  	v0 =	vmax.f32 v0, v5;
	v5 =	vld [tilespmem:s18+$0x160]  }
0xa9: {  	v0 =	vmax.f32 v0, v1;
	v1 =	vld [tilespmem:s18+$0x1E0]  }
0xaa: {  	v0 =	vmax.f32 v0, v2;
	v2 =	vld [tilespmem:s18+$0x260]  }
0xab: {  	v0 =	vmax.f32 v0, v3;
	v3 =	vld [tilespmem:s18+$0x2E0]  }
0xac: {  	v0 =	vmax.f32 v0, v4;
	v4 =	vld [tilespmem:s18+$0x360]  }
0xad: {  	v0 =	vmax.f32 v0, v5;
	v5 =	vld [tilespmem:s18+$0x3E0]  }
0xae: {  	v0 =	vmax.f32 v0, v1  }
0xaf: {  	v0 =	vmax.f32 v0, v2  }
0xb0: {  	v0 =	vmax.f32 v0, v3  }
0xb1: {  	v0 =	vmax.f32 v0, v4  }
0xb2: {  	v0 =	vmax.f32 v0, v5  }
0xb3: {  	[tilespmem:s19+$0x9060] =	vst v0  }
0xb4: {  	v0 =	vld [tilespmem:s18+$0xFFFFFC70]  }
0xb5: {  	v1 =	vld [tilespmem:s18+$0xFFFFFCF0]  }
0xb6: {  	v2 =	vld [tilespmem:s18+$0xFFFFFD70]  }
0xb7: {  	v3 =	vld [tilespmem:s18+$0xFFFFFDF0]  }
0xb8: {  	v5 =	vld [tilespmem:s18+$0xFFFFFE70]  }
0xb9: {  	v6 =	vld [tilespmem:s18+$0xFFFFFEF0]  }
0xba: {  	v7 =	vld [tilespmem:s18+$0xFFFFFF70];
	v0 =	vmax.f32 v0, v1  }
0xbb: {  	v8 =	vld [tilespmem:s18+$0xFFFFFFF0];
	v0 =	vmax.f32 v0, v2  }
0xbc: {  	v4 =	vld [tilespmem:s18+$0x70];
	v0 =	vmax.f32 v0, v3  }
0xbd: {  	v1 =	vld [tilespmem:s18+$0xF0];
	v0 =	vmax.f32 v0, v5  }
0xbe: {  	v2 =	vld [tilespmem:s18+$0x170];
	v0 =	vmax.f32 v0, v6  }
0xbf: {  	v3 =	vmax.f32 v0, v7;
	v0 =	vld [tilespmem:s18+$0x1F0]  }
0xc0: {  	s20 =	simm.s32 $0x200;
	s21 =	simm.s32 $0x1400;
	v5 =	vmax.f32 v3, v8;
	v3 =	vld [tilespmem:s18+$0x270]  }
.LBB2_3:
0xc1: {  	p0 =	sne.s32 s20, $0xE00  }
0xc2: {  	v4 =	vmax.f32 v5, v4;
	v5 =	vld [tilespmem:s18+$0x2F0];
	s21 =	sadd.s32 $0x800, s21;
	s22 =	smov.u32 s20;
	s20 =	sadd.s32 $0x200, s20  }
0xc3: {  	v1 =	vmax.f32 v4, v1;
	v4 =	vld [tilespmem:s18+$0x370]  }
0xc4: {  	v1 =	vmax.f32 v1, v2;
	v2 =	vld [tilespmem:s18+$0x3F0];
	s18 =	smov.u32 s21  }
0xc5: {  	v0 =	vmax.f32 v1, v0  }
0xc6: {  	v0 =	vmax.f32 v0, v3  }
0xc7: {  	v0 =	vmax.f32 v0, v5  }
0xc8: {  	v0 =	vmax.f32 v0, v4  }
0xc9: {  	v0 =	vmax.f32 v0, v2  }
0xca: {  	[tilespmem:s19+$0x9070] =	vst v0  }
0xcb: {  	v0 =	vld [tilespmem:s21+$0xFFFFFD00]  }
0xcc: {  	v1 =	vld [tilespmem:s21+$0xFFFFFC80]  }
0xcd: {  	v2 =	vld [tilespmem:s21+$0xFFFFFC00]  }
0xce: {  	v3 =	vld [tilespmem:s21+$0xFFFFFD80]  }
0xcf: {  	v4 =	vld [tilespmem:s21+$0xFFFFFE00];
	_ =	sdelay $0x1  }
0xd0: {  	v5 =	vld [tilespmem:s21+$0xFFFFFE80]  }
0xd1: {  	v1 =	vmax.f32 v2, v1;
	v2 =	vld [tilespmem:s21+$0xFFFFFF00]  }
0xd2: {  	v0 =	vmax.f32 v1, v0;
	v1 =	vld [tilespmem:s21+$0xFFFFFF80]  }
0xd3: {  	v0 =	vmax.f32 v0, v3;
	v3 =	vld [tilespmem:s21+$0x0]  }
0xd4: {  	v0 =	vmax.f32 v0, v4;
	v4 =	vld [tilespmem:s21+$0x80]  }
0xd5: {  	v0 =	vmax.f32 v0, v5;
	v5 =	vld [tilespmem:s21+$0x100]  }
0xd6: {  	v0 =	vmax.f32 v0, v2;
	v2 =	vld [tilespmem:s21+$0x180]  }
0xd7: {  	v0 =	vmax.f32 v0, v1;
	v1 =	vld [tilespmem:s21+$0x200]  }
0xd8: {  	v0 =	vmax.f32 v0, v3;
	v3 =	vld [tilespmem:s21+$0x280]  }
0xd9: {  	v0 =	vmax.f32 v0, v4;
	v4 =	vld [tilespmem:s21+$0x300]  }
0xda: {  	v0 =	vmax.f32 v0, v5;
	v5 =	vld [tilespmem:s21+$0x380]  }
0xdb: {  	v0 =	vmax.f32 v0, v2  }
0xdc: {  	v0 =	vmax.f32 v0, v1  }
0xdd: {  	v0 =	vmax.f32 v0, v3  }
0xde: {  	v0 =	vmax.f32 v0, v4  }
0xdf: {  	s19 =	sshra.s32 s22, $0x2;
	v0 =	vmax.f32 v0, v5  }
0xe0: {  	[tilespmem:s19+$0x9000] =	vst v0  }
0xe1: {  	v0 =	vld [tilespmem:s21+$0xFFFFFC10]  }
0xe2: {  	v1 =	vld [tilespmem:s21+$0xFFFFFC90]  }
0xe3: {  	v2 =	vld [tilespmem:s21+$0xFFFFFD10]  }
0xe4: {  	v3 =	vld [tilespmem:s21+$0xFFFFFD90]  }
0xe5: {  	v4 =	vld [tilespmem:s21+$0xFFFFFE10]  }
0xe6: {  	v5 =	vld [tilespmem:s21+$0xFFFFFE90]  }
0xe7: {  	v0 =	vmax.f32 v0, v1;
	v1 =	vld [tilespmem:s21+$0xFFFFFF10]  }
0xe8: {  	v0 =	vmax.f32 v0, v2;
	v2 =	vld [tilespmem:s21+$0xFFFFFF90]  }
0xe9: {  	v0 =	vmax.f32 v0, v3;
	v3 =	vld [tilespmem:s21+$0x10]  }
0xea: {  	v0 =	vmax.f32 v0, v4;
	v4 =	vld [tilespmem:s21+$0x90]  }
0xeb: {  	v0 =	vmax.f32 v0, v5;
	v5 =	vld [tilespmem:s21+$0x110]  }
0xec: {  	v0 =	vmax.f32 v0, v1;
	v1 =	vld [tilespmem:s21+$0x190]  }
0xed: {  	v0 =	vmax.f32 v0, v2;
	v2 =	vld [tilespmem:s21+$0x210]  }
0xee: {  	v0 =	vmax.f32 v0, v3;
	v3 =	vld [tilespmem:s21+$0x290]  }
0xef: {  	v0 =	vmax.f32 v0, v4;
	v4 =	vld [tilespmem:s21+$0x310]  }
0xf0: {  	v0 =	vmax.f32 v0, v5;
	v5 =	vld [tilespmem:s21+$0x390]  }
0xf1: {  	v0 =	vmax.f32 v0, v1  }
0xf2: {  	v0 =	vmax.f32 v0, v2  }
0xf3: {  	v0 =	vmax.f32 v0, v3  }
0xf4: {  	v0 =	vmax.f32 v0, v4  }
0xf5: {  	v0 =	vmax.f32 v0, v5  }
0xf6: {  	[tilespmem:s19+$0x9010] =	vst v0  }
0xf7: {  	v0 =	vld [tilespmem:s21+$0xFFFFFC20]  }
0xf8: {  	v1 =	vld [tilespmem:s21+$0xFFFFFCA0]  }
0xf9: {  	v2 =	vld [tilespmem:s21+$0xFFFFFD20]  }
0xfa: {  	v3 =	vld [tilespmem:s21+$0xFFFFFDA0]  }
0xfb: {  	v4 =	vld [tilespmem:s21+$0xFFFFFE20]  }
0xfc: {  	v5 =	vld [tilespmem:s21+$0xFFFFFEA0]  }
0xfd: {  	v0 =	vmax.f32 v0, v1;
	v1 =	vld [tilespmem:s21+$0xFFFFFF20]  }
0xfe: {  	v0 =	vmax.f32 v0, v2;
	v2 =	vld [tilespmem:s21+$0xFFFFFFA0]  }
0xff: {  	v0 =	vmax.f32 v0, v3;
	v3 =	vld [tilespmem:s21+$0x20]  }
0x100: {  	v0 =	vmax.f32 v0, v4;
	v4 =	vld [tilespmem:s21+$0xA0]  }
0x101: {  	v0 =	vmax.f32 v0, v5;
	v5 =	vld [tilespmem:s21+$0x120]  }
0x102: {  	v0 =	vmax.f32 v0, v1;
	v1 =	vld [tilespmem:s21+$0x1A0]  }
0x103: {  	v0 =	vmax.f32 v0, v2;
	v2 =	vld [tilespmem:s21+$0x220]  }
0x104: {  	v0 =	vmax.f32 v0, v3;
	v3 =	vld [tilespmem:s21+$0x2A0]  }
0x105: {  	v0 =	vmax.f32 v0, v4;
	v4 =	vld [tilespmem:s21+$0x320]  }
0x106: {  	v0 =	vmax.f32 v0, v5;
	v5 =	vld [tilespmem:s21+$0x3A0]  }
0x107: {  	v0 =	vmax.f32 v0, v1  }
0x108: {  	v0 =	vmax.f32 v0, v2  }
0x109: {  	v0 =	vmax.f32 v0, v3  }
0x10a: {  	v0 =	vmax.f32 v0, v4  }
0x10b: {  	v0 =	vmax.f32 v0, v5  }
0x10c: {  	[tilespmem:s19+$0x9020] =	vst v0  }
0x10d: {  	v0 =	vld [tilespmem:s21+$0xFFFFFC30]  }
0x10e: {  	v1 =	vld [tilespmem:s21+$0xFFFFFCB0]  }
0x10f: {  	v2 =	vld [tilespmem:s21+$0xFFFFFD30]  }
0x110: {  	v3 =	vld [tilespmem:s21+$0xFFFFFDB0]  }
0x111: {  	v4 =	vld [tilespmem:s21+$0xFFFFFE30]  }
0x112: {  	v5 =	vld [tilespmem:s21+$0xFFFFFEB0]  }
0x113: {  	v0 =	vmax.f32 v0, v1;
	v1 =	vld [tilespmem:s21+$0xFFFFFF30]  }
0x114: {  	v0 =	vmax.f32 v0, v2;
	v2 =	vld [tilespmem:s21+$0xFFFFFFB0]  }
0x115: {  	v0 =	vmax.f32 v0, v3;
	v3 =	vld [tilespmem:s21+$0x30]  }
0x116: {  	v0 =	vmax.f32 v0, v4;
	v4 =	vld [tilespmem:s21+$0xB0]  }
0x117: {  	v0 =	vmax.f32 v0, v5;
	v5 =	vld [tilespmem:s21+$0x130]  }
0x118: {  	v0 =	vmax.f32 v0, v1;
	v1 =	vld [tilespmem:s21+$0x1B0]  }
0x119: {  	v0 =	vmax.f32 v0, v2;
	v2 =	vld [tilespmem:s21+$0x230]  }
0x11a: {  	v0 =	vmax.f32 v0, v3;
	v3 =	vld [tilespmem:s21+$0x2B0]  }
0x11b: {  	v0 =	vmax.f32 v0, v4;
	v4 =	vld [tilespmem:s21+$0x330]  }
0x11c: {  	v0 =	vmax.f32 v0, v5;
	v5 =	vld [tilespmem:s21+$0x3B0]  }
0x11d: {  	v0 =	vmax.f32 v0, v1  }
0x11e: {  	v0 =	vmax.f32 v0, v2  }
0x11f: {  	v0 =	vmax.f32 v0, v3  }
0x120: {  	v0 =	vmax.f32 v0, v4  }
0x121: {  	v0 =	vmax.f32 v0, v5  }
0x122: {  	[tilespmem:s19+$0x9030] =	vst v0  }
0x123: {  	v0 =	vld [tilespmem:s21+$0xFFFFFC40]  }
0x124: {  	v1 =	vld [tilespmem:s21+$0xFFFFFCC0]  }
0x125: {  	v2 =	vld [tilespmem:s21+$0xFFFFFD40]  }
0x126: {  	v3 =	vld [tilespmem:s21+$0xFFFFFDC0]  }
0x127: {  	v4 =	vld [tilespmem:s21+$0xFFFFFE40]  }
0x128: {  	v5 =	vld [tilespmem:s21+$0xFFFFFEC0]  }
0x129: {  	v0 =	vmax.f32 v0, v1;
	v1 =	vld [tilespmem:s21+$0xFFFFFF40]  }
0x12a: {  	v0 =	vmax.f32 v0, v2;
	v2 =	vld [tilespmem:s21+$0xFFFFFFC0]  }
0x12b: {  	v0 =	vmax.f32 v0, v3;
	v3 =	vld [tilespmem:s21+$0x40]  }
0x12c: {  	v0 =	vmax.f32 v0, v4;
	v4 =	vld [tilespmem:s21+$0xC0]  }
0x12d: {  	v0 =	vmax.f32 v0, v5;
	v5 =	vld [tilespmem:s21+$0x140]  }
0x12e: {  	v0 =	vmax.f32 v0, v1;
	v1 =	vld [tilespmem:s21+$0x1C0]  }
0x12f: {  	v0 =	vmax.f32 v0, v2;
	v2 =	vld [tilespmem:s21+$0x240]  }
0x130: {  	v0 =	vmax.f32 v0, v3;
	v3 =	vld [tilespmem:s21+$0x2C0]  }
0x131: {  	v0 =	vmax.f32 v0, v4;
	v4 =	vld [tilespmem:s21+$0x340]  }
0x132: {  	v0 =	vmax.f32 v0, v5;
	v5 =	vld [tilespmem:s21+$0x3C0]  }
0x133: {  	v0 =	vmax.f32 v0, v1  }
0x134: {  	v0 =	vmax.f32 v0, v2  }
0x135: {  	v0 =	vmax.f32 v0, v3  }
0x136: {  	v0 =	vmax.f32 v0, v4  }
0x137: {  	v0 =	vmax.f32 v0, v5  }
0x138: {  	[tilespmem:s19+$0x9040] =	vst v0  }
0x139: {  	v0 =	vld [tilespmem:s21+$0xFFFFFC50]  }
0x13a: {  	v1 =	vld [tilespmem:s21+$0xFFFFFCD0]  }
0x13b: {  	v2 =	vld [tilespmem:s21+$0xFFFFFD50]  }
0x13c: {  	v3 =	vld [tilespmem:s21+$0xFFFFFDD0]  }
0x13d: {  	v4 =	vld [tilespmem:s21+$0xFFFFFE50]  }
0x13e: {  	v5 =	vld [tilespmem:s21+$0xFFFFFED0]  }
0x13f: {  	v0 =	vmax.f32 v0, v1;
	v1 =	vld [tilespmem:s21+$0xFFFFFF50]  }
0x140: {  	v0 =	vmax.f32 v0, v2;
	v2 =	vld [tilespmem:s21+$0xFFFFFFD0]  }
0x141: {  	v0 =	vmax.f32 v0, v3;
	v3 =	vld [tilespmem:s21+$0x50]  }
0x142: {  	v0 =	vmax.f32 v0, v4;
	v4 =	vld [tilespmem:s21+$0xD0]  }
0x143: {  	v0 =	vmax.f32 v0, v5;
	v5 =	vld [tilespmem:s21+$0x150]  }
0x144: {  	v0 =	vmax.f32 v0, v1;
	v1 =	vld [tilespmem:s21+$0x1D0]  }
0x145: {  	v0 =	vmax.f32 v0, v2;
	v2 =	vld [tilespmem:s21+$0x250]  }
0x146: {  	v0 =	vmax.f32 v0, v3;
	v3 =	vld [tilespmem:s21+$0x2D0]  }
0x147: {  	v0 =	vmax.f32 v0, v4;
	v4 =	vld [tilespmem:s21+$0x350]  }
0x148: {  	v0 =	vmax.f32 v0, v5;
	v5 =	vld [tilespmem:s21+$0x3D0]  }
0x149: {  	v0 =	vmax.f32 v0, v1  }
0x14a: {  	v0 =	vmax.f32 v0, v2  }
0x14b: {  	v0 =	vmax.f32 v0, v3  }
0x14c: {  	v0 =	vmax.f32 v0, v4  }
0x14d: {  	v0 =	vmax.f32 v0, v5  }
0x14e: {  	[tilespmem:s19+$0x9050] =	vst v0  }
0x14f: {  	v0 =	vld [tilespmem:s21+$0xFFFFFC60]  }
0x150: {  	v1 =	vld [tilespmem:s21+$0xFFFFFCE0]  }
0x151: {  	v2 =	vld [tilespmem:s21+$0xFFFFFD60]  }
0x152: {  	v3 =	vld [tilespmem:s21+$0xFFFFFDE0]  }
0x153: {  	v4 =	vld [tilespmem:s21+$0xFFFFFE60]  }
0x154: {  	v5 =	vld [tilespmem:s21+$0xFFFFFEE0]  }
0x155: {  	v0 =	vmax.f32 v0, v1;
	v1 =	vld [tilespmem:s21+$0xFFFFFF60]  }
0x156: {  	v0 =	vmax.f32 v0, v2;
	v2 =	vld [tilespmem:s21+$0xFFFFFFE0]  }
0x157: {  	v0 =	vmax.f32 v0, v3;
	v3 =	vld [tilespmem:s21+$0x60]  }
0x158: {  	v0 =	vmax.f32 v0, v4;
	v4 =	vld [tilespmem:s21+$0xE0]  }
0x159: {  	v0 =	vmax.f32 v0, v5;
	v5 =	vld [tilespmem:s21+$0x160]  }
0x15a: {  	v0 =	vmax.f32 v0, v1;
	v1 =	vld [tilespmem:s21+$0x1E0]  }
0x15b: {  	v0 =	vmax.f32 v0, v2;
	v2 =	vld [tilespmem:s21+$0x260]  }
0x15c: {  	v0 =	vmax.f32 v0, v3;
	v3 =	vld [tilespmem:s21+$0x2E0]  }
0x15d: {  	v0 =	vmax.f32 v0, v4;
	v4 =	vld [tilespmem:s21+$0x360]  }
0x15e: {  	v0 =	vmax.f32 v0, v5;
	v5 =	vld [tilespmem:s21+$0x3E0]  }
0x15f: {  	v0 =	vmax.f32 v0, v1  }
0x160: {  	v0 =	vmax.f32 v0, v2  }
0x161: {  	v0 =	vmax.f32 v0, v3  }
0x162: {  	v0 =	vmax.f32 v0, v4  }
0x163: {  	v0 =	vmax.f32 v0, v5  }
0x164: {  	[tilespmem:s19+$0x9060] =	vst v0  }
0x165: {  	v0 =	vld [tilespmem:s21+$0xFFFFFC70]  }
0x166: {  	v1 =	vld [tilespmem:s21+$0xFFFFFCF0]  }
0x167: {  	v2 =	vld [tilespmem:s21+$0xFFFFFD70]  }
0x168: {  	v3 =	vld [tilespmem:s21+$0xFFFFFDF0]  }
0x169: {  	v5 =	vld [tilespmem:s21+$0xFFFFFE70]  }
0x16a: {  	v6 =	vld [tilespmem:s21+$0xFFFFFEF0]  }
0x16b: {  	v0 =	vmax.f32 v0, v1;
	v7 =	vld [tilespmem:s21+$0xFFFFFF70]  }
0x16c: {  	v0 =	vmax.f32 v0, v2;
	v8 =	vld [tilespmem:s21+$0xFFFFFFF0]  }
.Ltmp0:
0x16d: {  	v0 =	vmax.f32 v0, v3;
	v4 =	vld [tilespmem:s21+$0x70];
	(pc) =	sbr.rel @p0 .LBB2_3-.Ltmp0, $4  }
0x16e: {  	v0 =	vmax.f32 v0, v5;
	v1 =	vld [tilespmem:s21+$0xF0]  }
0x16f: {  	v0 =	vmax.f32 v0, v6;
	v2 =	vld [tilespmem:s21+$0x170]  }
0x170: {  	v3 =	vmax.f32 v0, v7;
	v0 =	vld [tilespmem:s21+$0x1F0]  }
0x171: {  	v5 =	vmax.f32 v3, v8;
	v3 =	vld [tilespmem:s21+$0x270]  }
0x172: {  	v4 =	vmax.f32 v5, v4;
	v5 =	vld [tilespmem:s18+$0x2F0]  }
0x173: {  	v1 =	vmax.f32 v4, v1;
	v4 =	vld [tilespmem:s18+$0x370]  }
0x174: {  	v1 =	vmax.f32 v1, v2;
	v2 =	vld [tilespmem:s18+$0x3F0]  }
0x175: {  	v0 =	vmax.f32 v1, v0  }
0x176: {  	v0 =	vmax.f32 v0, v3  }
0x177: {  	v0 =	vmax.f32 v0, v5  }
0x178: {  	v0 =	vmax.f32 v0, v4  }
0x179: {  	s31 =	sshll.u32 s17, $0x8;
	v0 =	vmax.f32 v0, v2  }
0x17a: {  	p0 =	seq.s32 s17, $0xF;
	s18 =	sadd.s32 s31, s5;
	[tilespmem:s19+$0x9070] =	vst v0  }
0x17b: {  	[hbm4b:s18+s3] =	stream.linear.scatter [tilespmem:s12], [sflag:$0x3], $0x400, $0x38;
	[tilespmem:$0x9800] =	vst v63  }
0x17c: {  	s18 =	sshll.u32 @!p0 s17, $0x8;
	_ =	swait.ge [sflag:s7], $0x400  }
0x17d: {  	s20 =	simm.s32 @!p0 $0x1000;
	s18 =	sand.u32 @!p0 $0x3FFFFF00, s18;
	[sflag:s7] =	ssyncset.done $0x0  }
0x17e: {  	s19 =	simm.s32 @!p0 $0x80;
	s18 =	sadd.s32 @!p0 $0x100, s18;
	[sflag:s7] =	ssyncadd.s32 $0xFFFFFC00  }
0x17f: {  	[tilespmem:s20], [sflag:$0x1] =	stream.indirect.gather @!p0 [hbm4b:s1+s19], $0x80, s18, s19, $0xb8;
	[tilespmem:$0x9800] =	vst v63  }
0x180: {  	_ =	swait.ge [sflag:s13], $0x4000  }
0x181: {  	[sflag:s13] =	ssyncset.done $0x0  }
0x182: {  	s18 =	simm.s32 $0x5400;
	[sflag:s13] =	ssyncadd.s32 $0xFFFFC000  }
0x183: {  	v0 =	vld [tilespmem:s18+$0xFFFFFC80]  }
0x184: {  	v1 =	vld [tilespmem:s18+$0xFFFFFC00]  }
0x185: {  	v2 =	vld [tilespmem:s18+$0xFFFFFD00]  }
0x186: {  	v3 =	vld [tilespmem:s18+$0xFFFFFD80]  }
0x187: {  	v4 =	vld [tilespmem:s18+$0xFFFFFE00]  }
0x188: {  	v5 =	vld [tilespmem:s18+$0xFFFFFE80]  }
0x189: {  	v0 =	vmax.f32 v1, v0;
	v1 =	vld [tilespmem:s18+$0xFFFFFF00]  }
0x18a: {  	v0 =	vmax.f32 v0, v2;
	v2 =	vld [tilespmem:s18+$0xFFFFFF80]  }
0x18b: {  	v0 =	vmax.f32 v0, v3;
	v3 =	vld [tilespmem:s18+$0x0]  }
0x18c: {  	v0 =	vmax.f32 v0, v4;
	v4 =	vld [tilespmem:s18+$0x80]  }
0x18d: {  	v0 =	vmax.f32 v0, v5;
	v5 =	vld [tilespmem:s18+$0x100]  }
0x18e: {  	v0 =	vmax.f32 v0, v1;
	v1 =	vld [tilespmem:s18+$0x180]  }
0x18f: {  	v0 =	vmax.f32 v0, v2;
	v2 =	vld [tilespmem:s18+$0x200]  }
0x190: {  	v0 =	vmax.f32 v0, v3;
	v3 =	vld [tilespmem:s18+$0x280]  }
0x191: {  	v0 =	vmax.f32 v0, v4;
	v4 =	vld [tilespmem:s18+$0x300]  }
0x192: {  	v0 =	vmax.f32 v0, v5;
	v5 =	vld [tilespmem:s18+$0x380]  }
0x193: {  	v0 =	vmax.f32 v0, v1  }
0x194: {  	v0 =	vmax.f32 v0, v2  }
0x195: {  	v0 =	vmax.f32 v0, v3  }
0x196: {  	v0 =	vmax.f32 v0, v4  }
0x197: {  	s19 =	simm.s32 $0x0;
	v0 =	vmax.f32 v0, v5  }
0x198: {  	[tilespmem:s19+$0x9400] =	vst v0  }
0x199: {  	v0 =	vld [tilespmem:s18+$0xFFFFFC10]  }
0x19a: {  	v1 =	vld [tilespmem:s18+$0xFFFFFC90]  }
0x19b: {  	v2 =	vld [tilespmem:s18+$0xFFFFFD10]  }
0x19c: {  	v3 =	vld [tilespmem:s18+$0xFFFFFD90]  }
0x19d: {  	v4 =	vld [tilespmem:s18+$0xFFFFFE10]  }
0x19e: {  	v5 =	vld [tilespmem:s18+$0xFFFFFE90]  }
0x19f: {  	v0 =	vmax.f32 v0, v1;
	v1 =	vld [tilespmem:s18+$0xFFFFFF10]  }
0x1a0: {  	v0 =	vmax.f32 v0, v2;
	v2 =	vld [tilespmem:s18+$0xFFFFFF90]  }
0x1a1: {  	v0 =	vmax.f32 v0, v3;
	v3 =	vld [tilespmem:s18+$0x10]  }
0x1a2: {  	v0 =	vmax.f32 v0, v4;
	v4 =	vld [tilespmem:s18+$0x90]  }
0x1a3: {  	v0 =	vmax.f32 v0, v5;
	v5 =	vld [tilespmem:s18+$0x110]  }
0x1a4: {  	v0 =	vmax.f32 v0, v1;
	v1 =	vld [tilespmem:s18+$0x190]  }
0x1a5: {  	v0 =	vmax.f32 v0, v2;
	v2 =	vld [tilespmem:s18+$0x210]  }
0x1a6: {  	v0 =	vmax.f32 v0, v3;
	v3 =	vld [tilespmem:s18+$0x290]  }
0x1a7: {  	v0 =	vmax.f32 v0, v4;
	v4 =	vld [tilespmem:s18+$0x310]  }
0x1a8: {  	v0 =	vmax.f32 v0, v5;
	v5 =	vld [tilespmem:s18+$0x390]  }
0x1a9: {  	v0 =	vmax.f32 v0, v1  }
0x1aa: {  	v0 =	vmax.f32 v0, v2  }
0x1ab: {  	v0 =	vmax.f32 v0, v3  }
0x1ac: {  	v0 =	vmax.f32 v0, v4  }
0x1ad: {  	v0 =	vmax.f32 v0, v5  }
0x1ae: {  	[tilespmem:s19+$0x9410] =	vst v0  }
0x1af: {  	v0 =	vld [tilespmem:s18+$0xFFFFFC20]  }
0x1b0: {  	v1 =	vld [tilespmem:s18+$0xFFFFFCA0]  }
0x1b1: {  	v2 =	vld [tilespmem:s18+$0xFFFFFD20]  }
0x1b2: {  	v3 =	vld [tilespmem:s18+$0xFFFFFDA0]  }
0x1b3: {  	v4 =	vld [tilespmem:s18+$0xFFFFFE20]  }
0x1b4: {  	v5 =	vld [tilespmem:s18+$0xFFFFFEA0]  }
0x1b5: {  	v0 =	vmax.f32 v0, v1;
	v1 =	vld [tilespmem:s18+$0xFFFFFF20]  }
0x1b6: {  	v0 =	vmax.f32 v0, v2;
	v2 =	vld [tilespmem:s18+$0xFFFFFFA0]  }
0x1b7: {  	v0 =	vmax.f32 v0, v3;
	v3 =	vld [tilespmem:s18+$0x20]  }
0x1b8: {  	v0 =	vmax.f32 v0, v4;
	v4 =	vld [tilespmem:s18+$0xA0]  }
0x1b9: {  	v0 =	vmax.f32 v0, v5;
	v5 =	vld [tilespmem:s18+$0x120]  }
0x1ba: {  	v0 =	vmax.f32 v0, v1;
	v1 =	vld [tilespmem:s18+$0x1A0]  }
0x1bb: {  	v0 =	vmax.f32 v0, v2;
	v2 =	vld [tilespmem:s18+$0x220]  }
0x1bc: {  	v0 =	vmax.f32 v0, v3;
	v3 =	vld [tilespmem:s18+$0x2A0]  }
0x1bd: {  	v0 =	vmax.f32 v0, v4;
	v4 =	vld [tilespmem:s18+$0x320]  }
0x1be: {  	v0 =	vmax.f32 v0, v5;
	v5 =	vld [tilespmem:s18+$0x3A0]  }
0x1bf: {  	v0 =	vmax.f32 v0, v1  }
0x1c0: {  	v0 =	vmax.f32 v0, v2  }
0x1c1: {  	v0 =	vmax.f32 v0, v3  }
0x1c2: {  	v0 =	vmax.f32 v0, v4  }
0x1c3: {  	v0 =	vmax.f32 v0, v5  }
0x1c4: {  	[tilespmem:s19+$0x9420] =	vst v0  }
0x1c5: {  	v0 =	vld [tilespmem:s18+$0xFFFFFC30]  }
0x1c6: {  	v1 =	vld [tilespmem:s18+$0xFFFFFCB0]  }
0x1c7: {  	v2 =	vld [tilespmem:s18+$0xFFFFFD30]  }
0x1c8: {  	v3 =	vld [tilespmem:s18+$0xFFFFFDB0]  }
0x1c9: {  	v4 =	vld [tilespmem:s18+$0xFFFFFE30]  }
0x1ca: {  	v5 =	vld [tilespmem:s18+$0xFFFFFEB0]  }
0x1cb: {  	v0 =	vmax.f32 v0, v1;
	v1 =	vld [tilespmem:s18+$0xFFFFFF30]  }
0x1cc: {  	v0 =	vmax.f32 v0, v2;
	v2 =	vld [tilespmem:s18+$0xFFFFFFB0]  }
0x1cd: {  	v0 =	vmax.f32 v0, v3;
	v3 =	vld [tilespmem:s18+$0x30]  }
0x1ce: {  	v0 =	vmax.f32 v0, v4;
	v4 =	vld [tilespmem:s18+$0xB0]  }
0x1cf: {  	v0 =	vmax.f32 v0, v5;
	v5 =	vld [tilespmem:s18+$0x130]  }
0x1d0: {  	v0 =	vmax.f32 v0, v1;
	v1 =	vld [tilespmem:s18+$0x1B0]  }
0x1d1: {  	v0 =	vmax.f32 v0, v2;
	v2 =	vld [tilespmem:s18+$0x230]  }
0x1d2: {  	v0 =	vmax.f32 v0, v3;
	v3 =	vld [tilespmem:s18+$0x2B0]  }
0x1d3: {  	v0 =	vmax.f32 v0, v4;
	v4 =	vld [tilespmem:s18+$0x330]  }
0x1d4: {  	v0 =	vmax.f32 v0, v5;
	v5 =	vld [tilespmem:s18+$0x3B0]  }
0x1d5: {  	v0 =	vmax.f32 v0, v1  }
0x1d6: {  	v0 =	vmax.f32 v0, v2  }
0x1d7: {  	v0 =	vmax.f32 v0, v3  }
0x1d8: {  	v0 =	vmax.f32 v0, v4  }
0x1d9: {  	v0 =	vmax.f32 v0, v5  }
0x1da: {  	[tilespmem:s19+$0x9430] =	vst v0  }
0x1db: {  	v0 =	vld [tilespmem:s18+$0xFFFFFC40]  }
0x1dc: {  	v1 =	vld [tilespmem:s18+$0xFFFFFCC0]  }
0x1dd: {  	v2 =	vld [tilespmem:s18+$0xFFFFFD40]  }
0x1de: {  	v3 =	vld [tilespmem:s18+$0xFFFFFDC0]  }
0x1df: {  	v4 =	vld [tilespmem:s18+$0xFFFFFE40]  }
0x1e0: {  	v5 =	vld [tilespmem:s18+$0xFFFFFEC0]  }
0x1e1: {  	v0 =	vmax.f32 v0, v1;
	v1 =	vld [tilespmem:s18+$0xFFFFFF40]  }
0x1e2: {  	v0 =	vmax.f32 v0, v2;
	v2 =	vld [tilespmem:s18+$0xFFFFFFC0]  }
0x1e3: {  	v0 =	vmax.f32 v0, v3;
	v3 =	vld [tilespmem:s18+$0x40]  }
0x1e4: {  	v0 =	vmax.f32 v0, v4;
	v4 =	vld [tilespmem:s18+$0xC0]  }
0x1e5: {  	v0 =	vmax.f32 v0, v5;
	v5 =	vld [tilespmem:s18+$0x140]  }
0x1e6: {  	v0 =	vmax.f32 v0, v1;
	v1 =	vld [tilespmem:s18+$0x1C0]  }
0x1e7: {  	v0 =	vmax.f32 v0, v2;
	v2 =	vld [tilespmem:s18+$0x240]  }
0x1e8: {  	v0 =	vmax.f32 v0, v3;
	v3 =	vld [tilespmem:s18+$0x2C0]  }
0x1e9: {  	v0 =	vmax.f32 v0, v4;
	v4 =	vld [tilespmem:s18+$0x340]  }
0x1ea: {  	v0 =	vmax.f32 v0, v5;
	v5 =	vld [tilespmem:s18+$0x3C0]  }
0x1eb: {  	v0 =	vmax.f32 v0, v1  }
0x1ec: {  	v0 =	vmax.f32 v0, v2  }
0x1ed: {  	v0 =	vmax.f32 v0, v3  }
0x1ee: {  	v0 =	vmax.f32 v0, v4  }
0x1ef: {  	v0 =	vmax.f32 v0, v5  }
0x1f0: {  	[tilespmem:s19+$0x9440] =	vst v0  }
0x1f1: {  	v0 =	vld [tilespmem:s18+$0xFFFFFC50]  }
0x1f2: {  	v1 =	vld [tilespmem:s18+$0xFFFFFCD0]  }
0x1f3: {  	v2 =	vld [tilespmem:s18+$0xFFFFFD50]  }
0x1f4: {  	v3 =	vld [tilespmem:s18+$0xFFFFFDD0]  }
0x1f5: {  	v4 =	vld [tilespmem:s18+$0xFFFFFE50]  }
0x1f6: {  	v5 =	vld [tilespmem:s18+$0xFFFFFED0]  }
0x1f7: {  	v0 =	vmax.f32 v0, v1;
	v1 =	vld [tilespmem:s18+$0xFFFFFF50]  }
0x1f8: {  	v0 =	vmax.f32 v0, v2;
	v2 =	vld [tilespmem:s18+$0xFFFFFFD0]  }
0x1f9: {  	v0 =	vmax.f32 v0, v3;
	v3 =	vld [tilespmem:s18+$0x50]  }
0x1fa: {  	v0 =	vmax.f32 v0, v4;
	v4 =	vld [tilespmem:s18+$0xD0]  }
0x1fb: {  	v0 =	vmax.f32 v0, v5;
	v5 =	vld [tilespmem:s18+$0x150]  }
0x1fc: {  	v0 =	vmax.f32 v0, v1;
	v1 =	vld [tilespmem:s18+$0x1D0]  }
0x1fd: {  	v0 =	vmax.f32 v0, v2;
	v2 =	vld [tilespmem:s18+$0x250]  }
0x1fe: {  	v0 =	vmax.f32 v0, v3;
	v3 =	vld [tilespmem:s18+$0x2D0]  }
0x1ff: {  	v0 =	vmax.f32 v0, v4;
	v4 =	vld [tilespmem:s18+$0x350]  }
0x200: {  	v0 =	vmax.f32 v0, v5;
	v5 =	vld [tilespmem:s18+$0x3D0]  }
0x201: {  	v0 =	vmax.f32 v0, v1  }
0x202: {  	v0 =	vmax.f32 v0, v2  }
0x203: {  	v0 =	vmax.f32 v0, v3  }
0x204: {  	v0 =	vmax.f32 v0, v4  }
0x205: {  	v0 =	vmax.f32 v0, v5  }
0x206: {  	[tilespmem:s19+$0x9450] =	vst v0  }
0x207: {  	v0 =	vld [tilespmem:s18+$0xFFFFFC60]  }
0x208: {  	v1 =	vld [tilespmem:s18+$0xFFFFFCE0]  }
0x209: {  	v2 =	vld [tilespmem:s18+$0xFFFFFD60]  }
0x20a: {  	v3 =	vld [tilespmem:s18+$0xFFFFFDE0]  }
0x20b: {  	v4 =	vld [tilespmem:s18+$0xFFFFFE60]  }
0x20c: {  	v5 =	vld [tilespmem:s18+$0xFFFFFEE0]  }
0x20d: {  	v0 =	vmax.f32 v0, v1;
	v1 =	vld [tilespmem:s18+$0xFFFFFF60]  }
0x20e: {  	v0 =	vmax.f32 v0, v2;
	v2 =	vld [tilespmem:s18+$0xFFFFFFE0]  }
0x20f: {  	v0 =	vmax.f32 v0, v3;
	v3 =	vld [tilespmem:s18+$0x60]  }
0x210: {  	v0 =	vmax.f32 v0, v4;
	v4 =	vld [tilespmem:s18+$0xE0]  }
0x211: {  	v0 =	vmax.f32 v0, v5;
	v5 =	vld [tilespmem:s18+$0x160]  }
0x212: {  	v0 =	vmax.f32 v0, v1;
	v1 =	vld [tilespmem:s18+$0x1E0]  }
0x213: {  	v0 =	vmax.f32 v0, v2;
	v2 =	vld [tilespmem:s18+$0x260]  }
0x214: {  	v0 =	vmax.f32 v0, v3;
	v3 =	vld [tilespmem:s18+$0x2E0]  }
0x215: {  	v0 =	vmax.f32 v0, v4;
	v4 =	vld [tilespmem:s18+$0x360]  }
0x216: {  	v0 =	vmax.f32 v0, v5;
	v5 =	vld [tilespmem:s18+$0x3E0]  }
0x217: {  	v0 =	vmax.f32 v0, v1  }
0x218: {  	v0 =	vmax.f32 v0, v2  }
0x219: {  	v0 =	vmax.f32 v0, v3  }
0x21a: {  	v0 =	vmax.f32 v0, v4  }
0x21b: {  	v0 =	vmax.f32 v0, v5  }
0x21c: {  	[tilespmem:s19+$0x9460] =	vst v0  }
0x21d: {  	v0 =	vld [tilespmem:s18+$0xFFFFFC70]  }
0x21e: {  	v1 =	vld [tilespmem:s18+$0xFFFFFCF0]  }
0x21f: {  	v2 =	vld [tilespmem:s18+$0xFFFFFD70]  }
0x220: {  	v3 =	vld [tilespmem:s18+$0xFFFFFDF0]  }
0x221: {  	v4 =	vld [tilespmem:s18+$0xFFFFFE70]  }
0x222: {  	v5 =	vld [tilespmem:s18+$0xFFFFFEF0]  }
0x223: {  	v6 =	vld [tilespmem:s18+$0xFFFFFF70];
	v0 =	vmax.f32 v0, v1  }
0x224: {  	v7 =	vld [tilespmem:s18+$0xFFFFFFF0];
	v0 =	vmax.f32 v0, v2  }
0x225: {  	v1 =	vld [tilespmem:s18+$0xF0];
	v0 =	vmax.f32 v0, v3  }
0x226: {  	v3 =	vld [tilespmem:s18+$0x70];
	v0 =	vmax.f32 v0, v4  }
0x227: {  	v2 =	vld [tilespmem:s18+$0x170];
	v0 =	vmax.f32 v0, v5  }
0x228: {  	v4 =	vmax.f32 v0, v6;
	v0 =	vld [tilespmem:s18+$0x1F0]  }
0x229: {  	s21 =	simm.s32 $0x5400;
	s17 =	sadd.s32 $0x1, s17;
	s20 =	simm.s32 $0x200;
	v5 =	vmax.f32 v4, v7;
	v4 =	vld [tilespmem:s18+$0x270]  }
.LBB2_5:
0x22a: {  	p0 =	sne.s32 s20, $0xE00  }
0x22b: {  	v3 =	vmax.f32 v5, v3;
	v5 =	vld [tilespmem:s18+$0x2F0];
	s21 =	sadd.s32 $0x800, s21;
	s22 =	smov.u32 s20;
	s20 =	sadd.s32 $0x200, s20  }
0x22c: {  	v1 =	vmax.f32 v3, v1;
	v3 =	vld [tilespmem:s18+$0x370]  }
0x22d: {  	v1 =	vmax.f32 v1, v2;
	v2 =	vld [tilespmem:s18+$0x3F0];
	s18 =	smov.u32 s21  }
0x22e: {  	v0 =	vmax.f32 v1, v0  }
0x22f: {  	v0 =	vmax.f32 v0, v4  }
0x230: {  	v0 =	vmax.f32 v0, v5  }
0x231: {  	v0 =	vmax.f32 v0, v3  }
0x232: {  	v0 =	vmax.f32 v0, v2  }
0x233: {  	[tilespmem:s19+$0x9470] =	vst v0  }
0x234: {  	v0 =	vld [tilespmem:s21+$0xFFFFFD00]  }
0x235: {  	v1 =	vld [tilespmem:s21+$0xFFFFFC80]  }
0x236: {  	v2 =	vld [tilespmem:s21+$0xFFFFFC00]  }
0x237: {  	v3 =	vld [tilespmem:s21+$0xFFFFFD80]  }
0x238: {  	v4 =	vld [tilespmem:s21+$0xFFFFFE00];
	_ =	sdelay $0x1  }
0x239: {  	v5 =	vld [tilespmem:s21+$0xFFFFFE80]  }
0x23a: {  	v1 =	vmax.f32 v2, v1;
	v2 =	vld [tilespmem:s21+$0xFFFFFF00]  }
0x23b: {  	v0 =	vmax.f32 v1, v0;
	v1 =	vld [tilespmem:s21+$0xFFFFFF80]  }
0x23c: {  	v0 =	vmax.f32 v0, v3;
	v3 =	vld [tilespmem:s21+$0x0]  }
0x23d: {  	v0 =	vmax.f32 v0, v4;
	v4 =	vld [tilespmem:s21+$0x80]  }
0x23e: {  	v0 =	vmax.f32 v0, v5;
	v5 =	vld [tilespmem:s21+$0x100]  }
0x23f: {  	v0 =	vmax.f32 v0, v2;
	v2 =	vld [tilespmem:s21+$0x180]  }
0x240: {  	v0 =	vmax.f32 v0, v1;
	v1 =	vld [tilespmem:s21+$0x200]  }
0x241: {  	v0 =	vmax.f32 v0, v3;
	v3 =	vld [tilespmem:s21+$0x280]  }
0x242: {  	v0 =	vmax.f32 v0, v4;
	v4 =	vld [tilespmem:s21+$0x300]  }
0x243: {  	v0 =	vmax.f32 v0, v5;
	v5 =	vld [tilespmem:s21+$0x380]  }
0x244: {  	v0 =	vmax.f32 v0, v2  }
0x245: {  	v0 =	vmax.f32 v0, v1  }
0x246: {  	v0 =	vmax.f32 v0, v3  }
0x247: {  	v0 =	vmax.f32 v0, v4  }
0x248: {  	s19 =	sshra.s32 s22, $0x2;
	v0 =	vmax.f32 v0, v5  }
0x249: {  	[tilespmem:s19+$0x9400] =	vst v0  }
0x24a: {  	v0 =	vld [tilespmem:s21+$0xFFFFFC10]  }
0x24b: {  	v1 =	vld [tilespmem:s21+$0xFFFFFC90]  }
0x24c: {  	v2 =	vld [tilespmem:s21+$0xFFFFFD10]  }
0x24d: {  	v3 =	vld [tilespmem:s21+$0xFFFFFD90]  }
0x24e: {  	v4 =	vld [tilespmem:s21+$0xFFFFFE10]  }
0x24f: {  	v5 =	vld [tilespmem:s21+$0xFFFFFE90]  }
0x250: {  	v0 =	vmax.f32 v0, v1;
	v1 =	vld [tilespmem:s21+$0xFFFFFF10]  }
0x251: {  	v0 =	vmax.f32 v0, v2;
	v2 =	vld [tilespmem:s21+$0xFFFFFF90]  }
0x252: {  	v0 =	vmax.f32 v0, v3;
	v3 =	vld [tilespmem:s21+$0x10]  }
0x253: {  	v0 =	vmax.f32 v0, v4;
	v4 =	vld [tilespmem:s21+$0x90]  }
0x254: {  	v0 =	vmax.f32 v0, v5;
	v5 =	vld [tilespmem:s21+$0x110]  }
0x255: {  	v0 =	vmax.f32 v0, v1;
	v1 =	vld [tilespmem:s21+$0x190]  }
0x256: {  	v0 =	vmax.f32 v0, v2;
	v2 =	vld [tilespmem:s21+$0x210]  }
0x257: {  	v0 =	vmax.f32 v0, v3;
	v3 =	vld [tilespmem:s21+$0x290]  }
0x258: {  	v0 =	vmax.f32 v0, v4;
	v4 =	vld [tilespmem:s21+$0x310]  }
0x259: {  	v0 =	vmax.f32 v0, v5;
	v5 =	vld [tilespmem:s21+$0x390]  }
0x25a: {  	v0 =	vmax.f32 v0, v1  }
0x25b: {  	v0 =	vmax.f32 v0, v2  }
0x25c: {  	v0 =	vmax.f32 v0, v3  }
0x25d: {  	v0 =	vmax.f32 v0, v4  }
0x25e: {  	v0 =	vmax.f32 v0, v5  }
0x25f: {  	[tilespmem:s19+$0x9410] =	vst v0  }
0x260: {  	v0 =	vld [tilespmem:s21+$0xFFFFFC20]  }
0x261: {  	v1 =	vld [tilespmem:s21+$0xFFFFFCA0]  }
0x262: {  	v2 =	vld [tilespmem:s21+$0xFFFFFD20]  }
0x263: {  	v3 =	vld [tilespmem:s21+$0xFFFFFDA0]  }
0x264: {  	v4 =	vld [tilespmem:s21+$0xFFFFFE20]  }
0x265: {  	v5 =	vld [tilespmem:s21+$0xFFFFFEA0]  }
0x266: {  	v0 =	vmax.f32 v0, v1;
	v1 =	vld [tilespmem:s21+$0xFFFFFF20]  }
0x267: {  	v0 =	vmax.f32 v0, v2;
	v2 =	vld [tilespmem:s21+$0xFFFFFFA0]  }
0x268: {  	v0 =	vmax.f32 v0, v3;
	v3 =	vld [tilespmem:s21+$0x20]  }
0x269: {  	v0 =	vmax.f32 v0, v4;
	v4 =	vld [tilespmem:s21+$0xA0]  }
0x26a: {  	v0 =	vmax.f32 v0, v5;
	v5 =	vld [tilespmem:s21+$0x120]  }
0x26b: {  	v0 =	vmax.f32 v0, v1;
	v1 =	vld [tilespmem:s21+$0x1A0]  }
0x26c: {  	v0 =	vmax.f32 v0, v2;
	v2 =	vld [tilespmem:s21+$0x220]  }
0x26d: {  	v0 =	vmax.f32 v0, v3;
	v3 =	vld [tilespmem:s21+$0x2A0]  }
0x26e: {  	v0 =	vmax.f32 v0, v4;
	v4 =	vld [tilespmem:s21+$0x320]  }
0x26f: {  	v0 =	vmax.f32 v0, v5;
	v5 =	vld [tilespmem:s21+$0x3A0]  }
0x270: {  	v0 =	vmax.f32 v0, v1  }
0x271: {  	v0 =	vmax.f32 v0, v2  }
0x272: {  	v0 =	vmax.f32 v0, v3  }
0x273: {  	v0 =	vmax.f32 v0, v4  }
0x274: {  	v0 =	vmax.f32 v0, v5  }
0x275: {  	[tilespmem:s19+$0x9420] =	vst v0  }
0x276: {  	v0 =	vld [tilespmem:s21+$0xFFFFFC30]  }
0x277: {  	v1 =	vld [tilespmem:s21+$0xFFFFFCB0]  }
0x278: {  	v2 =	vld [tilespmem:s21+$0xFFFFFD30]  }
0x279: {  	v3 =	vld [tilespmem:s21+$0xFFFFFDB0]  }
0x27a: {  	v4 =	vld [tilespmem:s21+$0xFFFFFE30]  }
0x27b: {  	v5 =	vld [tilespmem:s21+$0xFFFFFEB0]  }
0x27c: {  	v0 =	vmax.f32 v0, v1;
	v1 =	vld [tilespmem:s21+$0xFFFFFF30]  }
0x27d: {  	v0 =	vmax.f32 v0, v2;
	v2 =	vld [tilespmem:s21+$0xFFFFFFB0]  }
0x27e: {  	v0 =	vmax.f32 v0, v3;
	v3 =	vld [tilespmem:s21+$0x30]  }
0x27f: {  	v0 =	vmax.f32 v0, v4;
	v4 =	vld [tilespmem:s21+$0xB0]  }
0x280: {  	v0 =	vmax.f32 v0, v5;
	v5 =	vld [tilespmem:s21+$0x130]  }
0x281: {  	v0 =	vmax.f32 v0, v1;
	v1 =	vld [tilespmem:s21+$0x1B0]  }
0x282: {  	v0 =	vmax.f32 v0, v2;
	v2 =	vld [tilespmem:s21+$0x230]  }
0x283: {  	v0 =	vmax.f32 v0, v3;
	v3 =	vld [tilespmem:s21+$0x2B0]  }
0x284: {  	v0 =	vmax.f32 v0, v4;
	v4 =	vld [tilespmem:s21+$0x330]  }
0x285: {  	v0 =	vmax.f32 v0, v5;
	v5 =	vld [tilespmem:s21+$0x3B0]  }
0x286: {  	v0 =	vmax.f32 v0, v1  }
0x287: {  	v0 =	vmax.f32 v0, v2  }
0x288: {  	v0 =	vmax.f32 v0, v3  }
0x289: {  	v0 =	vmax.f32 v0, v4  }
0x28a: {  	v0 =	vmax.f32 v0, v5  }
0x28b: {  	[tilespmem:s19+$0x9430] =	vst v0  }
0x28c: {  	v0 =	vld [tilespmem:s21+$0xFFFFFC40]  }
0x28d: {  	v1 =	vld [tilespmem:s21+$0xFFFFFCC0]  }
0x28e: {  	v2 =	vld [tilespmem:s21+$0xFFFFFD40]  }
0x28f: {  	v3 =	vld [tilespmem:s21+$0xFFFFFDC0]  }
0x290: {  	v4 =	vld [tilespmem:s21+$0xFFFFFE40]  }
0x291: {  	v5 =	vld [tilespmem:s21+$0xFFFFFEC0]  }
0x292: {  	v0 =	vmax.f32 v0, v1;
	v1 =	vld [tilespmem:s21+$0xFFFFFF40]  }
0x293: {  	v0 =	vmax.f32 v0, v2;
	v2 =	vld [tilespmem:s21+$0xFFFFFFC0]  }
0x294: {  	v0 =	vmax.f32 v0, v3;
	v3 =	vld [tilespmem:s21+$0x40]  }
0x295: {  	v0 =	vmax.f32 v0, v4;
	v4 =	vld [tilespmem:s21+$0xC0]  }
0x296: {  	v0 =	vmax.f32 v0, v5;
	v5 =	vld [tilespmem:s21+$0x140]  }
0x297: {  	v0 =	vmax.f32 v0, v1;
	v1 =	vld [tilespmem:s21+$0x1C0]  }
0x298: {  	v0 =	vmax.f32 v0, v2;
	v2 =	vld [tilespmem:s21+$0x240]  }
0x299: {  	v0 =	vmax.f32 v0, v3;
	v3 =	vld [tilespmem:s21+$0x2C0]  }
0x29a: {  	v0 =	vmax.f32 v0, v4;
	v4 =	vld [tilespmem:s21+$0x340]  }
0x29b: {  	v0 =	vmax.f32 v0, v5;
	v5 =	vld [tilespmem:s21+$0x3C0]  }
0x29c: {  	v0 =	vmax.f32 v0, v1  }
0x29d: {  	v0 =	vmax.f32 v0, v2  }
0x29e: {  	v0 =	vmax.f32 v0, v3  }
0x29f: {  	v0 =	vmax.f32 v0, v4  }
0x2a0: {  	v0 =	vmax.f32 v0, v5  }
0x2a1: {  	[tilespmem:s19+$0x9440] =	vst v0  }
0x2a2: {  	v0 =	vld [tilespmem:s21+$0xFFFFFC50]  }
0x2a3: {  	v1 =	vld [tilespmem:s21+$0xFFFFFCD0]  }
0x2a4: {  	v2 =	vld [tilespmem:s21+$0xFFFFFD50]  }
0x2a5: {  	v3 =	vld [tilespmem:s21+$0xFFFFFDD0]  }
0x2a6: {  	v4 =	vld [tilespmem:s21+$0xFFFFFE50]  }
0x2a7: {  	v5 =	vld [tilespmem:s21+$0xFFFFFED0]  }
0x2a8: {  	v0 =	vmax.f32 v0, v1;
	v1 =	vld [tilespmem:s21+$0xFFFFFF50]  }
0x2a9: {  	v0 =	vmax.f32 v0, v2;
	v2 =	vld [tilespmem:s21+$0xFFFFFFD0]  }
0x2aa: {  	v0 =	vmax.f32 v0, v3;
	v3 =	vld [tilespmem:s21+$0x50]  }
0x2ab: {  	v0 =	vmax.f32 v0, v4;
	v4 =	vld [tilespmem:s21+$0xD0]  }
0x2ac: {  	v0 =	vmax.f32 v0, v5;
	v5 =	vld [tilespmem:s21+$0x150]  }
0x2ad: {  	v0 =	vmax.f32 v0, v1;
	v1 =	vld [tilespmem:s21+$0x1D0]  }
0x2ae: {  	v0 =	vmax.f32 v0, v2;
	v2 =	vld [tilespmem:s21+$0x250]  }
0x2af: {  	v0 =	vmax.f32 v0, v3;
	v3 =	vld [tilespmem:s21+$0x2D0]  }
0x2b0: {  	v0 =	vmax.f32 v0, v4;
	v4 =	vld [tilespmem:s21+$0x350]  }
0x2b1: {  	v0 =	vmax.f32 v0, v5;
	v5 =	vld [tilespmem:s21+$0x3D0]  }
0x2b2: {  	v0 =	vmax.f32 v0, v1  }
0x2b3: {  	v0 =	vmax.f32 v0, v2  }
0x2b4: {  	v0 =	vmax.f32 v0, v3  }
0x2b5: {  	v0 =	vmax.f32 v0, v4  }
0x2b6: {  	v0 =	vmax.f32 v0, v5  }
0x2b7: {  	[tilespmem:s19+$0x9450] =	vst v0  }
0x2b8: {  	v0 =	vld [tilespmem:s21+$0xFFFFFC60]  }
0x2b9: {  	v1 =	vld [tilespmem:s21+$0xFFFFFCE0]  }
0x2ba: {  	v2 =	vld [tilespmem:s21+$0xFFFFFD60]  }
0x2bb: {  	v3 =	vld [tilespmem:s21+$0xFFFFFDE0]  }
0x2bc: {  	v4 =	vld [tilespmem:s21+$0xFFFFFE60]  }
0x2bd: {  	v5 =	vld [tilespmem:s21+$0xFFFFFEE0]  }
0x2be: {  	v0 =	vmax.f32 v0, v1;
	v1 =	vld [tilespmem:s21+$0xFFFFFF60]  }
0x2bf: {  	v0 =	vmax.f32 v0, v2;
	v2 =	vld [tilespmem:s21+$0xFFFFFFE0]  }
0x2c0: {  	v0 =	vmax.f32 v0, v3;
	v3 =	vld [tilespmem:s21+$0x60]  }
0x2c1: {  	v0 =	vmax.f32 v0, v4;
	v4 =	vld [tilespmem:s21+$0xE0]  }
0x2c2: {  	v0 =	vmax.f32 v0, v5;
	v5 =	vld [tilespmem:s21+$0x160]  }
0x2c3: {  	v0 =	vmax.f32 v0, v1;
	v1 =	vld [tilespmem:s21+$0x1E0]  }
0x2c4: {  	v0 =	vmax.f32 v0, v2;
	v2 =	vld [tilespmem:s21+$0x260]  }
0x2c5: {  	v0 =	vmax.f32 v0, v3;
	v3 =	vld [tilespmem:s21+$0x2E0]  }
0x2c6: {  	v0 =	vmax.f32 v0, v4;
	v4 =	vld [tilespmem:s21+$0x360]  }
0x2c7: {  	v0 =	vmax.f32 v0, v5;
	v5 =	vld [tilespmem:s21+$0x3E0]  }
0x2c8: {  	v0 =	vmax.f32 v0, v1  }
0x2c9: {  	v0 =	vmax.f32 v0, v2  }
0x2ca: {  	v0 =	vmax.f32 v0, v3  }
0x2cb: {  	v0 =	vmax.f32 v0, v4  }
0x2cc: {  	v0 =	vmax.f32 v0, v5  }
0x2cd: {  	[tilespmem:s19+$0x9460] =	vst v0  }
0x2ce: {  	v0 =	vld [tilespmem:s21+$0xFFFFFC70]  }
0x2cf: {  	v1 =	vld [tilespmem:s21+$0xFFFFFCF0]  }
0x2d0: {  	v2 =	vld [tilespmem:s21+$0xFFFFFD70]  }
0x2d1: {  	v3 =	vld [tilespmem:s21+$0xFFFFFDF0]  }
0x2d2: {  	v4 =	vld [tilespmem:s21+$0xFFFFFE70]  }
0x2d3: {  	v5 =	vld [tilespmem:s21+$0xFFFFFEF0]  }
0x2d4: {  	v0 =	vmax.f32 v0, v1;
	v6 =	vld [tilespmem:s21+$0xFFFFFF70]  }
0x2d5: {  	v0 =	vmax.f32 v0, v2;
	v7 =	vld [tilespmem:s21+$0xFFFFFFF0]  }
.Ltmp1:
0x2d6: {  	v0 =	vmax.f32 v0, v3;
	v3 =	vld [tilespmem:s21+$0x70];
	(pc) =	sbr.rel @p0 .LBB2_5-.Ltmp1, $4  }
0x2d7: {  	v0 =	vmax.f32 v0, v4;
	v1 =	vld [tilespmem:s21+$0xF0]  }
0x2d8: {  	v0 =	vmax.f32 v0, v5;
	v2 =	vld [tilespmem:s21+$0x170]  }
0x2d9: {  	v4 =	vmax.f32 v0, v6;
	v0 =	vld [tilespmem:s21+$0x1F0]  }
0x2da: {  	v5 =	vmax.f32 v4, v7;
	v4 =	vld [tilespmem:s21+$0x270]  }
0x2db: {  	v3 =	vmax.f32 v5, v3;
	v61 =	vld [tilespmem:s18+$0x2F0]  }
0x2dc: {  	v62 =	vld [tilespmem:s18+$0x370];
	v1 =	vmax.f32 v3, v1  }
0x2dd: {  	v63 =	vld [tilespmem:s18+$0x3F0];
	v1 =	vmax.f32 v1, v2  }
0x2de: {  	v0 =	vmax.f32 v1, v0  }
0x2df: {  	v0 =	vmax.f32 v0, v4  }
0x2e0: {  	v0 =	vmax.f32 v0, v61  }
0x2e1: {  	v0 =	vmax.f32 v0, v62  }
0x2e2: {  	p0 =	sne.s32 s17, $0x10;
	v0 =	vmax.f32 v0, v63  }
.Ltmp2:
0x2e3: {  	s16 =	sadd.s32 s16, s5;
	[tilespmem:s19+$0x9470] =	vst v0;
	(pc) =	sbr.rel @p0 .LBB2_2-.Ltmp2, $4  }
0x2e4: {  	[hbm4b:s16+s3] =	stream.linear.scatter [tilespmem:s14], [sflag:$0x3], $0x400, $0x38;
	[tilespmem:$0x9800] =	vst v63  }
0x2e5: {  	_ =	swait.ge [sflag:s7], $0x400  }
0x2e6: {  	[sflag:s7] =	ssyncset.done $0x0  }
0x2e7: {  	[sflag:s7] =	ssyncadd.s32 $0xFFFFFC00  }
0x2e8: {  	s15 =	sadd.s32 $0x1, s15  }
0x2e9: {  	p0 =	sne.s32 s15, s6  }
.Ltmp3:
0x2ea: {  	_ = 	snop;
	(pc) =	sbr.rel @p0 .LBB2_1-.Ltmp3, $1  }
0x2eb: {  	_ =	sdelay $0x3  }
0x2ec: {  	_ =	sfence.sel $0x180000  }
0x2ed: {  	[bflag:$0x0] =	sbarrier.arrive $0xFFFF  }
0x2ee: {  	p0 =	sne.s32 s2, $0x0;
	_ =	strace $0x90000047  }
0x2ef: {  	s0 =	sadd.s32 @!p0 $0x100000, s0;
	[bflag:$0x2] =	sbarrier.arrive $0xFFFF  }
0x2f0: {  	[sflag:s0] =	ssyncadd.tile.s32 @!p0 $0x1;
	_ =	shalt  }
.Lfunc_end2:
_tile_overlayer_lowered:
.L_overlay_start_2:
0x2f1: {  	(tag) =	ssettag $0x2  }
0x2f2: {  	s0 =	rddreg [dreg:$0x0];
	s2 =	stileid.u32  }
0x2f3: {  	s1 =	rddreg [dreg:$0x1];
	p0 =	sne.s32 s2, $0x0  }
0x2f4: {  	s3 =	rddreg [dreg:$0x2];
	[bflag:$0x3] =	sbarrier.arrive $0xFFFF;
	s2 =	simm.s32 @!p0 $0x1C03  }
0x2f5: {  	[timem:s3], [sflag:s2] =	dma.local @!p0 [hbm:s0], s1  }
0x2f6: {  	s0 =	simm.s32 @!p0 $0x3  }
0x2f7: {  	_ =	swait.ge @!p0 [sflag:s0], s1  }
0x2f8: {  	s1 =	ssub.s32 @!p0 $0x0, s1;
	[sflag:s0] =	ssyncset.done @!p0 $0x0  }
0x2f9: {  	[sflag:s0] =	ssyncadd.s32 @!p0 s1  }
0x2fa: {  	[bflag:$0x3] =	sbarrier.arrive $0xFFFF  }
0x2fb: {  	_ =	shalt  }

</sc_bundles>
